<compile_context>
chip_gen: v7x
topology: tpu7x:2x2x1
jax: 0.10.2.dev20260603
libtpu: 0.0.44.dev20260713+nightly
codegen_flags: <defaults>
</compile_context>

<pallas_src>
import functools

import jax
import jax.numpy as jnp
from jax import lax
from jax.experimental import pallas as pl
from jax.experimental.pallas import tpu as pltpu
from jax.experimental.pallas import tpu_sc as plsc

KNB = 16




def _topk_body(pts_blk, pts_all, idx_ref, colf_ref, *, R, N, B0):
    b = pl.program_id(0) + B0
    p = pts_blk[0]
    q = pts_all[0]
    rp = jnp.sum(p * p, axis=1, keepdims=True)
    rq = jnp.sum(q * q, axis=1)[None, :]
    m = lax.dot_general(p, q, (((1,), (1,)), ((), ())),
                        preferred_element_type=jnp.float32)
    vals = (rp - 2.0 * m) + rq

    boff = b.astype(jnp.int32) * N
    colf_ref[...] = lax.broadcasted_iota(jnp.int32, (R, N), 1).astype(jnp.float32)
    big = jnp.float32(N)
    rb = pl.program_id(1)
    rowf = (lax.broadcasted_iota(jnp.int32, (R, 1), 0)
            + rb.astype(jnp.int32) * R).astype(jnp.float32)
    vals = jnp.where(colf_ref[...] == rowf, jnp.float32(jnp.inf), vals)
    for k in range(KNB):
        mn = jnp.min(vals, axis=1, keepdims=True)
        first = jnp.min(jnp.where(vals <= mn, colf_ref[...], big), axis=1)
        idx_ref[0, k, :] = first.astype(jnp.int32) + boff
        vals = jnp.where(colf_ref[...] == first[:, None], jnp.float32(jnp.inf), vals)


def _topk_indices(points, b0=0):
    B, N, PD = points.shape
    R = 128
    return pl.pallas_call(
        functools.partial(_topk_body, R=R, N=N, B0=b0),
        grid=(B, N // R),
        in_specs=[
            pl.BlockSpec((1, R, PD), lambda b, rb: (b, rb, 0)),
            pl.BlockSpec((1, N, PD), lambda b, rb: (b, 0, 0)),
        ],
        out_specs=pl.BlockSpec((1, KNB, R), lambda b, rb: (b, 0, rb)),
        out_shape=jax.ShapeDtypeStruct((B, KNB, N), jnp.int32),
        scratch_shapes=[pltpu.VMEM((R, N), jnp.float32)],
    )(points, points)




def _sc_gather(table, idxt, b0=0):
    BN, F = table.shape
    B, K, N = idxt.shape
    info = plsc.get_sparse_core_info()
    NC, NS = info.num_cores, info.num_subcores
    NW = NC * NS
    KPW = (B * K) // NW
    P = 128
    NCHUNK = N // P
    WPB = NW // B

    mesh = plsc.VectorSubcoreMesh(core_axis_name="c", subcore_axis_name="s")

    @functools.partial(
        pl.kernel,
        mesh=mesh,
        out_type=jax.ShapeDtypeStruct((B, N, K, 2 * F), jnp.float32),
        scratch_types=[
            pltpu.VMEM((KPW, N), jnp.int32),
            pltpu.VMEM((2, P, F), jnp.float32),
            pltpu.VMEM((P, F), jnp.float32),
            pltpu.VMEM((2, P, F), jnp.float32),
            pltpu.SemaphoreType.DMA,
            pltpu.SemaphoreType.DMA,
            pltpu.SemaphoreType.DMA,
        ],
    )
    def run(table_hbm, idxt_hbm, out_hbm, idx_v, g_v, c_v, d_v,
            sem_g, sem_w0, sem_w1):
        wid = lax.axis_index("s") * NC + lax.axis_index("c")
        b = wid // WPB
        kg = wid % WPB
        sem_w = (sem_w0, sem_w1)
        pltpu.sync_copy(idxt_hbm.at[b, pl.ds(kg * KPW, KPW), :], idx_v)

        def drain_writes(p):
            pltpu.make_async_copy(
                g_v.at[p], out_hbm.at[b, pl.ds(0, P), 0, pl.ds(0, F)],
                sem_w[p]).wait()
            pltpu.make_async_copy(
                d_v.at[p], out_hbm.at[b, pl.ds(0, P), 0, pl.ds(F, F)],
                sem_w[p]).wait()

        def chunk(ci, carry):
            i0 = ci * P
            pltpu.sync_copy(table_hbm.at[pl.ds((b0 + b) * N + i0, P)], c_v)
            for dk in range(KPW):
                k = kg * KPW + dk
                p = dk % 2
                gp, dp = g_v.at[p], d_v.at[p]

                @pl.when(ci * KPW + dk >= 2)
                def _():
                    drain_writes(p)

                pltpu.async_copy(
                    table_hbm.at[idx_v.at[dk, pl.ds(i0, P)]], gp, sem_g).wait()

                def row(r, c2):
                    for v in range(F // 16):
                        sl = pl.ds(v * 16, 16)
                        dp[r, sl] = gp[r, sl] - c_v[r, sl]
                    return c2

                lax.fori_loop(0, P, row, 0)
                pltpu.async_copy(gp, out_hbm.at[b, pl.ds(i0, P), k, pl.ds(0, F)],
                                 sem_w[p])
                pltpu.async_copy(dp, out_hbm.at[b, pl.ds(i0, P), k, pl.ds(F, F)],
                                 sem_w[p])
            return carry

        lax.fori_loop(0, NCHUNK, chunk, 0)
        for p in range(2):
            drain_writes(p)

    return run(table, idxt)


def kernel(points, features):
    B, N, _ = points.shape
    F = features.shape[-1]
    table = features.reshape(B * N, F)
    idxt = _topk_indices(points)
    return _sc_gather(table, idxt)

# --- scband reference (transcript-rebuilt; emitter-appended) ---
"""Pipeline reference for scband-kneighbor-select-29171417875197 (READ-ONLY COPY).

The authoritative reference and input builder live on the scoring server;
editing this copy changes nothing except your own understanding.
"""

import jax, jax.numpy as jnp
import numpy as np

K = 16

def setup_inputs(seed: int = 0) -> dict:
    key = jax.random.key(seed)
    k1, k2 = jax.random.split(key)
    points = jax.random.normal(k1, (8, 2048, 32), dtype=jnp.float32)
    features = jax.random.normal(k2, (8, 2048, 128), dtype=jnp.float32)
    return {"points": points, "features": features}

def reference(points, features):
    # pairwise squared distances D[b,i,j] = ||p_i||^2 - 2 p_i.p_j + ||p_j||^2
    r = jnp.sum(points * points, axis=2, keepdims=True)            # [B, N, 1]
    m = jnp.matmul(points, jnp.transpose(points, (0, 2, 1)))       # [B, N, N]
    D = r - 2.0 * m + jnp.transpose(r, (0, 2, 1))                  # [B, N, N]
    # top (k+1) nearest (including self), then drop self (column 0)
    _, idx = jax.lax.top_k(-D, K + 1)                              # [B, N, K+1]
    idx = idx[:, :, 1:]                                            # [B, N, K]
    # gather neighbor features per batch
    knn_fts = jax.vmap(lambda f, i: f[i])(features, idx)           # [B, N, K, F]
    center = jnp.broadcast_to(features[:, :, None, :], knn_fts.shape)
    return jnp.concatenate([knn_fts, knn_fts - center], axis=-1)   # [B, N, K, 2F]

if __name__ == "__main__":
    import jax
    _d = setup_inputs()
    print(jax.jit(kernel)(*tuple(_d.values())))

</pallas_src>

<mosaic_0001>
#map = affine_map<(d0, d1) -> (0, 0)>
#map1 = affine_map<(d0, d1) -> (0, 0, 0)>
#map2 = affine_map<(d0, d1) -> (0, 0, 0, 0)>
module attributes {stable_mosaic.version = 14 : i64} {
  func.func @run(%arg0: i32, %arg1: i32, %arg2: memref<16384x128xf32, #tpu.memory_space<hbm>>, %arg3: memref<8x16x2048xi32, #tpu.memory_space<hbm>>, %arg4: memref<8x2048x16x256xf32, #tpu.memory_space<hbm>>, %arg5: memref<4x2048xi32, #tpu.memory_space<vmem>>, %arg6: memref<2x128x128xf32, #tpu.memory_space<vmem>>, %arg7: memref<128x128xf32, #tpu.memory_space<vmem>>, %arg8: memref<2x128x128xf32, #tpu.memory_space<vmem>>, %arg9: memref<!tpu.dma_semaphore, #tpu.memory_space<semaphore_mem>>, %arg10: memref<!tpu.dma_semaphore, #tpu.memory_space<semaphore_mem>>, %arg11: memref<!tpu.dma_semaphore, #tpu.memory_space<semaphore_mem>>) attributes {dimension_semantics = [#tpu.dimension_semantics<core_parallel>, #tpu.dimension_semantics<subcore_parallel>], iteration_bounds = array<i64: 2, 16>, scalar_prefetch = 0 : i64, scratch_operands = 7 : i64, tpu.core_type = #tpu.core_type<sc_vector_subcore>, window_params = [{transform_indices = #map}, {transform_indices = #map1}, {transform_indices = #map2}]} {
    %mul3A = arith.constant 2 : i32
    %mul3A_0 = arith.muli %arg1, %mul3A : i32
    %add3A = arith.addi %mul3A_0, %arg0 : i32
    %jit3A = arith.constant 4 : i32
    %div3A = arith.divsi %add3A, %jit3A : i32
    %sign3A = arith.constant 0 : i32
    %sign3A_1 = arith.cmpi sgt, %add3A, %sign3A : i32
    %sign3A_2 = arith.extui %sign3A_1 : i1 to i32
    %sign3A_3 = arith.constant 0 : i32
    %sign3A_4 = arith.cmpi slt, %add3A, %sign3A_3 : i32
    %sign3A_5 = arith.extui %sign3A_4 : i1 to i32
    %sign3A_6 = arith.subi %sign3A_2, %sign3A_5 : i32
    %sign3A_7 = arith.constant 0 : i32
    %sign3A_8 = arith.cmpi sgt, %jit3A, %sign3A_7 : i32
    %sign3A_9 = arith.extui %sign3A_8 : i1 to i32
    %sign3A_10 = arith.constant 0 : i32
    %sign3A_11 = arith.cmpi slt, %jit3A, %sign3A_10 : i32
    %sign3A_12 = arith.extui %sign3A_11 : i1 to i32
    %sign3A_13 = arith.subi %sign3A_9, %sign3A_12 : i32
    %ne3A = arith.cmpi ne, %sign3A_6, %sign3A_13 : i32
    %rem3A = arith.remsi %add3A, %jit3A : i32
    %ne3A_14 = arith.constant 0 : i32
    %ne3A_15 = arith.cmpi ne, %rem3A, %ne3A_14 : i32
    %and3A = arith.andi %ne3A, %ne3A_15 : i1
    %sub3A = arith.constant 1 : i32
    %sub3A_16 = arith.subi %div3A, %sub3A : i32
    %select_n3A = arith.select %and3A, %sub3A_16, %div3A : i32
    %jit3A_17 = arith.constant 4 : i32
    %eq3A = arith.constant 0 : i32
    %eq3A_18 = arith.cmpi eq, %jit3A_17, %eq3A : i32
    %jit3A_19 = arith.constant 1 : i32
    %select_n3A_20 = arith.select %eq3A_18, %jit3A_19, %jit3A_17 : i32
    %rem3A_21 = arith.remsi %add3A, %select_n3A_20 : i32
    %ne3A_22 = arith.constant 0 : i32
    %ne3A_23 = arith.cmpi ne, %rem3A_21, %ne3A_22 : i32
    %lt3A = arith.constant 0 : i32
    %lt3A_24 = arith.cmpi slt, %rem3A_21, %lt3A : i32
    %lt3A_25 = arith.constant 0 : i32
    %lt3A_26 = arith.cmpi slt, %select_n3A_20, %lt3A_25 : i32
    %ne3A_27 = arith.xori %lt3A_24, %lt3A_26 : i1
    %and3A_28 = arith.andi %ne3A_27, %ne3A_23 : i1
    %add3A_29 = arith.addi %rem3A_21, %select_n3A_20 : i32
    %select_n3A_30 = arith.select %and3A_28, %add3A_29, %rem3A_21 : i32
    %mul3A_31 = arith.constant 4 : i32
    %mul3A_32 = arith.muli %select_n3A_30, %mul3A_31 : i32
    "tpu.region"() ({
      %run_scoped3A = tpu.sem_alloc : memref<!tpu.dma_semaphore, #tpu.memory_space<semaphore_mem>>
      %dma_start3A = arith.constant 0 : i32
      %dma_start3A_109 = tpu.memref_slice %arg3[%select_n3A, %mul3A_32, %dma_start3A] : memref<8x16x2048xi32, #tpu.memory_space<hbm>> -> memref<1x4x2048xi32, #tpu.memory_space<hbm>>
      %dma_start3A_110 = tpu.memref_squeeze %dma_start3A_109 : memref<1x4x2048xi32, #tpu.memory_space<hbm>> -> memref<4x2048xi32, #tpu.memory_space<hbm>>
      %dma_start3A_111 = arith.constant 0 : i32
      %dma_start3A_112 = tpu.memref_slice %arg3[%select_n3A, %mul3A_32, %dma_start3A_111] : memref<8x16x2048xi32, #tpu.memory_space<hbm>> -> memref<1x4x2048xi32, #tpu.memory_space<hbm>>
      %dma_start3A_113 = tpu.memref_squeeze %dma_start3A_112 : memref<1x4x2048xi32, #tpu.memory_space<hbm>> -> memref<4x2048xi32, #tpu.memory_space<hbm>>
      tpu.enqueue_dma source(%dma_start3A_113 : memref<4x2048xi32, #tpu.memory_space<hbm>>) target(%arg5 : memref<4x2048xi32, #tpu.memory_space<vmem>>) target_semaphore(%run_scoped3A : memref<!tpu.dma_semaphore, #tpu.memory_space<semaphore_mem>>)
      %dma_wait3A_114 = arith.constant 0 : i32
      %dma_wait3A_115 = tpu.memref_slice %arg3[%select_n3A, %mul3A_32, %dma_wait3A_114] : memref<8x16x2048xi32, #tpu.memory_space<hbm>> -> memref<1x4x2048xi32, #tpu.memory_space<hbm>>
      %dma_wait3A_116 = tpu.memref_squeeze %dma_wait3A_115 : memref<1x4x2048xi32, #tpu.memory_space<hbm>> -> memref<4x2048xi32, #tpu.memory_space<hbm>>
      %dma_wait3A_117 = arith.constant 0 : i32
      %dma_wait3A_118 = tpu.memref_slice %arg3[%select_n3A, %mul3A_32, %dma_wait3A_117] : memref<8x16x2048xi32, #tpu.memory_space<hbm>> -> memref<1x4x2048xi32, #tpu.memory_space<hbm>>
      %dma_wait3A_119 = tpu.memref_squeeze %dma_wait3A_118 : memref<1x4x2048xi32, #tpu.memory_space<hbm>> -> memref<4x2048xi32, #tpu.memory_space<hbm>>
      tpu.wait_dma2 semaphore(%run_scoped3A : memref<!tpu.dma_semaphore, #tpu.memory_space<semaphore_mem>>) src(%dma_wait3A_119 : memref<4x2048xi32, #tpu.memory_space<hbm>>) dst(%arg5 : memref<4x2048xi32, #tpu.memory_space<vmem>>)
      tpu.yield
    }) : () -> ()
    %scan3A = arith.constant 0 : i32
    %scan3A_33 = arith.constant 0 : i32
    %scan3A_34 = arith.constant 16 : i32
    %scan3A_35 = arith.addi %scan3A_33, %scan3A_34 : i32
    %scan3A_36 = arith.constant 1 : i32
    scf.for %scan3A_109 = %scan3A_33 to %scan3A_35 step %scan3A_36  : i32 {
      %mul3A_110 = arith.constant 128 : i32
      %mul3A_111 = arith.muli %scan3A_109, %mul3A_110 : i32
      %add3A_112 = arith.constant 0 : i32
      %add3A_113 = arith.addi %add3A_112, %select_n3A : i32
      %mul3A_114 = arith.constant 2048 : i32
      %mul3A_115 = arith.muli %add3A_113, %mul3A_114 : i32
      %add3A_116 = arith.addi %mul3A_115, %mul3A_111 : i32
      "tpu.region"() ({
        %run_scoped3A = tpu.sem_alloc : memref<!tpu.dma_semaphore, #tpu.memory_space<semaphore_mem>>
        %dma_start3A_405 = arith.constant 0 : i32
        %dma_start3A_406 = tpu.memref_slice %arg2[%add3A_116, %dma_start3A_405] : memref<16384x128xf32, #tpu.memory_space<hbm>> -> memref<128x128xf32, #tpu.memory_space<hbm>>
        %dma_start3A_407 = arith.constant 0 : i32
        %dma_start3A_408 = tpu.memref_slice %arg2[%add3A_116, %dma_start3A_407] : memref<16384x128xf32, #tpu.memory_space<hbm>> -> memref<128x128xf32, #tpu.memory_space<hbm>>
        tpu.enqueue_dma source(%dma_start3A_408 : memref<128x128xf32, #tpu.memory_space<hbm>>) target(%arg7 : memref<128x128xf32, #tpu.memory_space<vmem>>) target_semaphore(%run_scoped3A : memref<!tpu.dma_semaphore, #tpu.memory_space<semaphore_mem>>)
        %dma_wait3A_409 = arith.constant 0 : i32
        %dma_wait3A_410 = tpu.memref_slice %arg2[%add3A_116, %dma_wait3A_409] : memref<16384x128xf32, #tpu.memory_space<hbm>> -> memref<128x128xf32, #tpu.memory_space<hbm>>
        %dma_wait3A_411 = arith.constant 0 : i32
        %dma_wait3A_412 = tpu.memref_slice %arg2[%add3A_116, %dma_wait3A_411] : memref<16384x128xf32, #tpu.memory_space<hbm>> -> memref<128x128xf32, #tpu.memory_space<hbm>>
        tpu.wait_dma2 semaphore(%run_scoped3A : memref<!tpu.dma_semaphore, #tpu.memory_space<semaphore_mem>>) src(%dma_wait3A_412 : memref<128x128xf32, #tpu.memory_space<hbm>>) dst(%arg7 : memref<128x128xf32, #tpu.memory_space<vmem>>)
        tpu.yield
      }) : () -> ()
      %mul3A_117 = arith.constant 4 : i32
      %mul3A_118 = arith.muli %select_n3A_30, %mul3A_117 : i32
      %add3A_119 = arith.constant 0 : i32
      %add3A_120 = arith.addi %mul3A_118, %add3A_119 : i32
      %mul3A_121 = arith.constant 4 : i32
      %mul3A_122 = arith.muli %scan3A_109, %mul3A_121 : i32
      %add3A_123 = arith.constant 0 : i32
      %add3A_124 = arith.addi %mul3A_122, %add3A_123 : i32
      %ge3A = arith.constant 2 : i32
      %ge3A_125 = arith.cmpi sge, %add3A_124, %ge3A : i32
      %convert_element_type3A = arith.extui %ge3A_125 : i1 to i32
      %cond3A = arith.constant 0 : i32
      %cond3A_126 = arith.cmpi ne, %convert_element_type3A, %cond3A : i32
      scf.if %cond3A_126 {
        %dma_wait3A_405 = arith.constant 0 : i32
        %dma_wait3A_406 = arith.constant 0 : i32
        %dma_wait3A_407 = arith.constant 0 : i32
        %dma_wait3A_408 = arith.constant 0 : i32
        %dma_wait3A_409 = tpu.memref_slice %arg6[%dma_wait3A_405, %dma_wait3A_407, %dma_wait3A_408] : memref<2x128x128xf32, #tpu.memory_space<vmem>> -> memref<1x128x128xf32, #tpu.memory_space<vmem>>
        %dma_wait3A_410 = tpu.memref_squeeze %dma_wait3A_409 : memref<1x128x128xf32, #tpu.memory_space<vmem>> -> memref<128x128xf32, #tpu.memory_space<vmem>>
        %dma_wait3A_411 = arith.constant 0 : i32
        %dma_wait3A_412 = arith.constant 0 : i32
        %dma_wait3A_413 = tpu.memref_slice %arg4[%select_n3A, %dma_wait3A_411, %dma_wait3A_406, %dma_wait3A_412] : memref<8x2048x16x256xf32, #tpu.memory_space<hbm>> -> memref<1x128x1x128xf32, #tpu.memory_space<hbm>>
        %dma_wait3A_414 = tpu.memref_squeeze %dma_wait3A_413 : memref<1x128x1x128xf32, #tpu.memory_space<hbm>> -> memref<128x128xf32, #tpu.memory_space<hbm>>
        %dma_wait3A_415 = arith.constant 0 : i32
        %dma_wait3A_416 = arith.constant 0 : i32
        %dma_wait3A_417 = tpu.memref_slice %arg4[%select_n3A, %dma_wait3A_415, %dma_wait3A_406, %dma_wait3A_416] : memref<8x2048x16x256xf32, #tpu.memory_space<hbm>> -> memref<1x128x1x128xf32, #tpu.memory_space<hbm>>
        %dma_wait3A_418 = tpu.memref_squeeze %dma_wait3A_417 : memref<1x128x1x128xf32, #tpu.memory_space<hbm>> -> memref<128x128xf32, #tpu.memory_space<hbm>>
        %dma_wait3A_419 = arith.constant 0 : i32
        %dma_wait3A_420 = arith.constant 0 : i32
        %dma_wait3A_421 = tpu.memref_slice %arg6[%dma_wait3A_405, %dma_wait3A_419, %dma_wait3A_420] : memref<2x128x128xf32, #tpu.memory_space<vmem>> -> memref<1x128x128xf32, #tpu.memory_space<vmem>>
        %dma_wait3A_422 = tpu.memref_squeeze %dma_wait3A_421 : memref<1x128x128xf32, #tpu.memory_space<vmem>> -> memref<128x128xf32, #tpu.memory_space<vmem>>
        tpu.wait_dma2 semaphore(%arg10 : memref<!tpu.dma_semaphore, #tpu.memory_space<semaphore_mem>>) src(%dma_wait3A_422 : memref<128x128xf32, #tpu.memory_space<vmem>>) dst(%dma_wait3A_418 : memref<128x128xf32, #tpu.memory_space<hbm>>)
        %dma_wait3A_423 = arith.constant 0 : i32
        %dma_wait3A_424 = arith.constant 0 : i32
        %dma_wait3A_425 = arith.constant 0 : i32
        %dma_wait3A_426 = arith.constant 0 : i32
        %dma_wait3A_427 = tpu.memref_slice %arg8[%dma_wait3A_423, %dma_wait3A_425, %dma_wait3A_426] : memref<2x128x128xf32, #tpu.memory_space<vmem>> -> memref<1x128x128xf32, #tpu.memory_space<vmem>>
        %dma_wait3A_428 = tpu.memref_squeeze %dma_wait3A_427 : memref<1x128x128xf32, #tpu.memory_space<vmem>> -> memref<128x128xf32, #tpu.memory_space<vmem>>
        %dma_wait3A_429 = arith.constant 0 : i32
        %dma_wait3A_430 = arith.constant 128 : i32
        %dma_wait3A_431 = tpu.memref_slice %arg4[%select_n3A, %dma_wait3A_429, %dma_wait3A_424, %dma_wait3A_430] : memref<8x2048x16x256xf32, #tpu.memory_space<hbm>> -> memref<1x128x1x128xf32, #tpu.memory_space<hbm>>
        %dma_wait3A_432 = tpu.memref_squeeze %dma_wait3A_431 : memref<1x128x1x128xf32, #tpu.memory_space<hbm>> -> memref<128x128xf32, #tpu.memory_space<hbm>>
        %dma_wait3A_433 = arith.constant 0 : i32
        %dma_wait3A_434 = arith.constant 128 : i32
        %dma_wait3A_435 = tpu.memref_slice %arg4[%select_n3A, %dma_wait3A_433, %dma_wait3A_424, %dma_wait3A_434] : memref<8x2048x16x256xf32, #tpu.memory_space<hbm>> -> memref<1x128x1x128xf32, #tpu.memory_space<hbm>>
        %dma_wait3A_436 = tpu.memref_squeeze %dma_wait3A_435 : memref<1x128x1x128xf32, #tpu.memory_space<hbm>> -> memref<128x128xf32, #tpu.memory_space<hbm>>
        %dma_wait3A_437 = arith.constant 0 : i32
        %dma_wait3A_438 = arith.constant 0 : i32
        %dma_wait3A_439 = tpu.memref_slice %arg8[%dma_wait3A_423, %dma_wait3A_437, %dma_wait3A_438] : memref<2x128x128xf32, #tpu.memory_space<vmem>> -> memref<1x128x128xf32, #tpu.memory_space<vmem>>
        %dma_wait3A_440 = tpu.memref_squeeze %dma_wait3A_439 : memref<1x128x128xf32, #tpu.memory_space<vmem>> -> memref<128x128xf32, #tpu.memory_space<vmem>>
        tpu.wait_dma2 semaphore(%arg10 : memref<!tpu.dma_semaphore, #tpu.memory_space<semaphore_mem>>) src(%dma_wait3A_440 : memref<128x128xf32, #tpu.memory_space<vmem>>) dst(%dma_wait3A_436 : memref<128x128xf32, #tpu.memory_space<hbm>>)
      } else {
      }
      %dma_start3A = arith.constant 0 : i32
      %dma_start3A_127 = arith.constant 0 : i32
      %dma_start3A_128 = arith.constant 0 : i32
      %dma_start3A_129 = arith.constant 0 : i32
      %dma_start3A_130 = tpu.memref_slice %arg6[%dma_start3A_127, %dma_start3A_128, %dma_start3A_129] : memref<2x128x128xf32, #tpu.memory_space<vmem>> -> memref<1x128x128xf32, #tpu.memory_space<vmem>>
      %dma_start3A_131 = tpu.memref_squeeze %dma_start3A_130 : memref<1x128x128xf32, #tpu.memory_space<vmem>> -> memref<128x128xf32, #tpu.memory_space<vmem>>
      %dma_start3A_132 = tpu.memref_slice %arg5[%dma_start3A, %mul3A_111] : memref<4x2048xi32, #tpu.memory_space<vmem>> -> memref<1x128xi32, #tpu.memory_space<vmem>>
      %dma_start3A_133 = tpu.memref_squeeze %dma_start3A_132 : memref<1x128xi32, #tpu.memory_space<vmem>> -> memref<128xi32, #tpu.memory_space<vmem>>
      %dma_start3A_134 = arith.constant 0 : i32
      %dma_start3A_135 = arith.constant 0 : i32
      %dma_start3A_136 = tpu.memref_slice %arg2[%dma_start3A_134, %dma_start3A_135] : memref<16384x128xf32, #tpu.memory_space<hbm>> -> memref<16384x128xf32, #tpu.memory_space<hbm>>
      tpu.enqueue_indirect_dma source(%dma_start3A_136 : memref<16384x128xf32, #tpu.memory_space<hbm>>) target(%dma_start3A_131 : memref<128x128xf32, #tpu.memory_space<vmem>>) offsets(%dma_start3A_133 : memref<128xi32, #tpu.memory_space<vmem>>) semaphore(%arg9 : memref<!tpu.dma_semaphore, #tpu.memory_space<semaphore_mem>>)
      %dma_wait3A_137 = arith.constant 0 : i32
      %dma_wait3A_138 = arith.constant 0 : i32
      %dma_wait3A_139 = arith.constant 0 : i32
      %dma_wait3A_140 = arith.constant 0 : i32
      %dma_wait3A_141 = tpu.memref_slice %arg6[%dma_wait3A_138, %dma_wait3A_139, %dma_wait3A_140] : memref<2x128x128xf32, #tpu.memory_space<vmem>> -> memref<1x128x128xf32, #tpu.memory_space<vmem>>
      %dma_wait3A_142 = tpu.memref_squeeze %dma_wait3A_141 : memref<1x128x128xf32, #tpu.memory_space<vmem>> -> memref<128x128xf32, #tpu.memory_space<vmem>>
      %dma_wait3A_143 = tpu.memref_slice %arg5[%dma_wait3A_137, %mul3A_111] : memref<4x2048xi32, #tpu.memory_space<vmem>> -> memref<1x128xi32, #tpu.memory_space<vmem>>
      %dma_wait3A_144 = tpu.memref_squeeze %dma_wait3A_143 : memref<1x128xi32, #tpu.memory_space<vmem>> -> memref<128xi32, #tpu.memory_space<vmem>>
      %dma_wait3A_145 = arith.constant 0 : i32
      %dma_wait3A_146 = arith.constant 0 : i32
      %dma_wait3A_147 = tpu.memref_slice %arg2[%dma_wait3A_145, %dma_wait3A_146] : memref<16384x128xf32, #tpu.memory_space<hbm>> -> memref<16384x128xf32, #tpu.memory_space<hbm>>
      tpu.wait_indirect_dma semaphore(%arg9 : memref<!tpu.dma_semaphore, #tpu.memory_space<semaphore_mem>>) src(%dma_wait3A_147 : memref<16384x128xf32, #tpu.memory_space<hbm>>) dst(%dma_wait3A_142 : memref<128x128xf32, #tpu.memory_space<vmem>>)
      %scan3A_148 = arith.constant 0 : i32
      %scan3A_149 = arith.constant 0 : i32
      %scan3A_150 = arith.constant 0 : i32
      %scan3A_151 = arith.constant 0 : i32
      %scan3A_152 = arith.constant 128 : i32
      %scan3A_153 = arith.addi %scan3A_151, %scan3A_152 : i32
      %scan3A_154 = arith.constant 1 : i32
      scf.for %scan3A_405 = %scan3A_151 to %scan3A_153 step %scan3A_154  : i32 {
        %get3A = arith.constant 0 : i32
        %get3A_406 = arith.constant 0 : i32
        %get3A_407 = tpu.memref_slice %arg6[%scan3A_149, %get3A, %get3A_406] : memref<2x128x128xf32, #tpu.memory_space<vmem>> -> memref<1x128x128xf32, #tpu.memory_space<vmem>>
        %get3A_408 = tpu.memref_squeeze %get3A_407 : memref<1x128x128xf32, #tpu.memory_space<vmem>> -> memref<128x128xf32, #tpu.memory_space<vmem>>
        %get3A_409 = arith.index_cast %scan3A_405 : i32 to index
        %get3A_410 = arith.constant 0 : index
        %get3A_411 = tpu.vector_load %get3A_408[%get3A_409, %get3A_410] {strides = array<i32>} : memref<128x128xf32, #tpu.memory_space<vmem>>, vector<1x16xf32>,
        %get3A_412 = vector.shape_cast %get3A_411 : vector<1x16xf32> to vector<16xf32>
        %get3A_413 = arith.index_cast %scan3A_405 : i32 to index
        %get3A_414 = arith.constant 0 : index
        %get3A_415 = tpu.vector_load %arg7[%get3A_413, %get3A_414] {strides = array<i32>} : memref<128x128xf32, #tpu.memory_space<vmem>>, vector<1x16xf32>,
        %get3A_416 = vector.shape_cast %get3A_415 : vector<1x16xf32> to vector<16xf32>
        %sub3A_417 = arith.subf %get3A_412, %get3A_416 : vector<16xf32>
        %swap3A = arith.constant 0 : i32
        %swap3A_418 = arith.constant 0 : i32
        %swap3A_419 = tpu.memref_slice %arg8[%scan3A_150, %swap3A, %swap3A_418] : memref<2x128x128xf32, #tpu.memory_space<vmem>> -> memref<1x128x128xf32, #tpu.memory_space<vmem>>
        %swap3A_420 = tpu.memref_squeeze %swap3A_419 : memref<1x128x128xf32, #tpu.memory_space<vmem>> -> memref<128x128xf32, #tpu.memory_space<vmem>>
        %swap3A_421 = arith.index_cast %scan3A_405 : i32 to index
        %swap3A_422 = arith.constant 0 : index
        %swap3A_423 = tpu.vector_load %swap3A_420[%swap3A_421, %swap3A_422] {strides = array<i32>} : memref<128x128xf32, #tpu.memory_space<vmem>>, vector<1x16xf32>,
        %swap3A_424 = vector.shape_cast %swap3A_423 : vector<1x16xf32> to vector<16xf32>
        %swap3A_425 = vector.shape_cast %sub3A_417 : vector<16xf32> to vector<1x16xf32>
        tpu.vector_store %swap3A_420[%swap3A_421, %swap3A_422], %swap3A_425 {strides = array<i32>} : memref<128x128xf32, #tpu.memory_space<vmem>>, vector<1x16xf32>,
        %get3A_426 = arith.constant 0 : i32
        %get3A_427 = arith.constant 0 : i32
        %get3A_428 = tpu.memref_slice %arg6[%scan3A_149, %get3A_426, %get3A_427] : memref<2x128x128xf32, #tpu.memory_space<vmem>> -> memref<1x128x128xf32, #tpu.memory_space<vmem>>
        %get3A_429 = tpu.memref_squeeze %get3A_428 : memref<1x128x128xf32, #tpu.memory_space<vmem>> -> memref<128x128xf32, #tpu.memory_space<vmem>>
        %get3A_430 = arith.index_cast %scan3A_405 : i32 to index
        %get3A_431 = arith.constant 16 : index
        %get3A_432 = tpu.vector_load %get3A_429[%get3A_430, %get3A_431] {strides = array<i32>} : memref<128x128xf32, #tpu.memory_space<vmem>>, vector<1x16xf32>,
        %get3A_433 = vector.shape_cast %get3A_432 : vector<1x16xf32> to vector<16xf32>
        %get3A_434 = arith.index_cast %scan3A_405 : i32 to index
        %get3A_435 = arith.constant 16 : index
        %get3A_436 = tpu.vector_load %arg7[%get3A_434, %get3A_435] {strides = array<i32>} : memref<128x128xf32, #tpu.memory_space<vmem>>, vector<1x16xf32>,
        %get3A_437 = vector.shape_cast %get3A_436 : vector<1x16xf32> to vector<16xf32>
        %sub3A_438 = arith.subf %get3A_433, %get3A_437 : vector<16xf32>
        %swap3A_439 = arith.constant 0 : i32
        %swap3A_440 = arith.constant 0 : i32
        %swap3A_441 = tpu.memref_slice %arg8[%scan3A_150, %swap3A_439, %swap3A_440] : memref<2x128x128xf32, #tpu.memory_space<vmem>> -> memref<1x128x128xf32, #tpu.memory_space<vmem>>
        %swap3A_442 = tpu.memref_squeeze %swap3A_441 : memref<1x128x128xf32, #tpu.memory_space<vmem>> -> memref<128x128xf32, #tpu.memory_space<vmem>>
        %swap3A_443 = arith.index_cast %scan3A_405 : i32 to index
        %swap3A_444 = arith.constant 16 : index
        %swap3A_445 = tpu.vector_load %swap3A_442[%swap3A_443, %swap3A_444] {strides = array<i32>} : memref<128x128xf32, #tpu.memory_space<vmem>>, vector<1x16xf32>,
        %swap3A_446 = vector.shape_cast %swap3A_445 : vector<1x16xf32> to vector<16xf32>
        %swap3A_447 = vector.shape_cast %sub3A_438 : vector<16xf32> to vector<1x16xf32>
        tpu.vector_store %swap3A_442[%swap3A_443, %swap3A_444], %swap3A_447 {strides = array<i32>} : memref<128x128xf32, #tpu.memory_space<vmem>>, vector<1x16xf32>,
        %get3A_448 = arith.constant 0 : i32
        %get3A_449 = arith.constant 0 : i32
        %get3A_450 = tpu.memref_slice %arg6[%scan3A_149, %get3A_448, %get3A_449] : memref<2x128x128xf32, #tpu.memory_space<vmem>> -> memref<1x128x128xf32, #tpu.memory_space<vmem>>
        %get3A_451 = tpu.memref_squeeze %get3A_450 : memref<1x128x128xf32, #tpu.memory_space<vmem>> -> memref<128x128xf32, #tpu.memory_space<vmem>>
        %get3A_452 = arith.index_cast %scan3A_405 : i32 to index
        %get3A_453 = arith.constant 32 : index
        %get3A_454 = tpu.vector_load %get3A_451[%get3A_452, %get3A_453] {strides = array<i32>} : memref<128x128xf32, #tpu.memory_space<vmem>>, vector<1x16xf32>,
        %get3A_455 = vector.shape_cast %get3A_454 : vector<1x16xf32> to vector<16xf32>
        %get3A_456 = arith.index_cast %scan3A_405 : i32 to index
        %get3A_457 = arith.constant 32 : index
        %get3A_458 = tpu.vector_load %arg7[%get3A_456, %get3A_457] {strides = array<i32>} : memref<128x128xf32, #tpu.memory_space<vmem>>, vector<1x16xf32>,
        %get3A_459 = vector.shape_cast %get3A_458 : vector<1x16xf32> to vector<16xf32>
        %sub3A_460 = arith.subf %get3A_455, %get3A_459 : vector<16xf32>
        %swap3A_461 = arith.constant 0 : i32
        %swap3A_462 = arith.constant 0 : i32
        %swap3A_463 = tpu.memref_slice %arg8[%scan3A_150, %swap3A_461, %swap3A_462] : memref<2x128x128xf32, #tpu.memory_space<vmem>> -> memref<1x128x128xf32, #tpu.memory_space<vmem>>
        %swap3A_464 = tpu.memref_squeeze %swap3A_463 : memref<1x128x128xf32, #tpu.memory_space<vmem>> -> memref<128x128xf32, #tpu.memory_space<vmem>>
        %swap3A_465 = arith.index_cast %scan3A_405 : i32 to index
        %swap3A_466 = arith.constant 32 : index
        %swap3A_467 = tpu.vector_load %swap3A_464[%swap3A_465, %swap3A_466] {strides = array<i32>} : memref<128x128xf32, #tpu.memory_space<vmem>>, vector<1x16xf32>,
        %swap3A_468 = vector.shape_cast %swap3A_467 : vector<1x16xf32> to vector<16xf32>
        %swap3A_469 = vector.shape_cast %sub3A_460 : vector<16xf32> to vector<1x16xf32>
        tpu.vector_store %swap3A_464[%swap3A_465, %swap3A_466], %swap3A_469 {strides = array<i32>} : memref<128x128xf32, #tpu.memory_space<vmem>>, vector<1x16xf32>,
        %get3A_470 = arith.constant 0 : i32
        %get3A_471 = arith.constant 0 : i32
        %get3A_472 = tpu.memref_slice %arg6[%scan3A_149, %get3A_470, %get3A_471] : memref<2x128x128xf32, #tpu.memory_space<vmem>> -> memref<1x128x128xf32, #tpu.memory_space<vmem>>
        %get3A_473 = tpu.memref_squeeze %get3A_472 : memref<1x128x128xf32, #tpu.memory_space<vmem>> -> memref<128x128xf32, #tpu.memory_space<vmem>>
        %get3A_474 = arith.index_cast %scan3A_405 : i32 to index
        %get3A_475 = arith.constant 48 : index
        %get3A_476 = tpu.vector_load %get3A_473[%get3A_474, %get3A_475] {strides = array<i32>} : memref<128x128xf32, #tpu.memory_space<vmem>>, vector<1x16xf32>,
        %get3A_477 = vector.shape_cast %get3A_476 : vector<1x16xf32> to vector<16xf32>
        %get3A_478 = arith.index_cast %scan3A_405 : i32 to index
        %get3A_479 = arith.constant 48 : index
        %get3A_480 = tpu.vector_load %arg7[%get3A_478, %get3A_479] {strides = array<i32>} : memref<128x128xf32, #tpu.memory_space<vmem>>, vector<1x16xf32>,
        %get3A_481 = vector.shape_cast %get3A_480 : vector<1x16xf32> to vector<16xf32>
        %sub3A_482 = arith.subf %get3A_477, %get3A_481 : vector<16xf32>
        %swap3A_483 = arith.constant 0 : i32
        %swap3A_484 = arith.constant 0 : i32
        %swap3A_485 = tpu.memref_slice %arg8[%scan3A_150, %swap3A_483, %swap3A_484] : memref<2x128x128xf32, #tpu.memory_space<vmem>> -> memref<1x128x128xf32, #tpu.memory_space<vmem>>
        %swap3A_486 = tpu.memref_squeeze %swap3A_485 : memref<1x128x128xf32, #tpu.memory_space<vmem>> -> memref<128x128xf32, #tpu.memory_space<vmem>>
        %swap3A_487 = arith.index_cast %scan3A_405 : i32 to index
        %swap3A_488 = arith.constant 48 : index
        %swap3A_489 = tpu.vector_load %swap3A_486[%swap3A_487, %swap3A_488] {strides = array<i32>} : memref<128x128xf32, #tpu.memory_space<vmem>>, vector<1x16xf32>,
        %swap3A_490 = vector.shape_cast %swap3A_489 : vector<1x16xf32> to vector<16xf32>
        %swap3A_491 = vector.shape_cast %sub3A_482 : vector<16xf32> to vector<1x16xf32>
        tpu.vector_store %swap3A_486[%swap3A_487, %swap3A_488], %swap3A_491 {strides = array<i32>} : memref<128x128xf32, #tpu.memory_space<vmem>>, vector<1x16xf32>,
        %get3A_492 = arith.constant 0 : i32
        %get3A_493 = arith.constant 0 : i32
        %get3A_494 = tpu.memref_slice %arg6[%scan3A_149, %get3A_492, %get3A_493] : memref<2x128x128xf32, #tpu.memory_space<vmem>> -> memref<1x128x128xf32, #tpu.memory_space<vmem>>
        %get3A_495 = tpu.memref_squeeze %get3A_494 : memref<1x128x128xf32, #tpu.memory_space<vmem>> -> memref<128x128xf32, #tpu.memory_space<vmem>>
        %get3A_496 = arith.index_cast %scan3A_405 : i32 to index
        %get3A_497 = arith.constant 64 : index
        %get3A_498 = tpu.vector_load %get3A_495[%get3A_496, %get3A_497] {strides = array<i32>} : memref<128x128xf32, #tpu.memory_space<vmem>>, vector<1x16xf32>,
        %get3A_499 = vector.shape_cast %get3A_498 : vector<1x16xf32> to vector<16xf32>
        %get3A_500 = arith.index_cast %scan3A_405 : i32 to index
        %get3A_501 = arith.constant 64 : index
        %get3A_502 = tpu.vector_load %arg7[%get3A_500, %get3A_501] {strides = array<i32>} : memref<128x128xf32, #tpu.memory_space<vmem>>, vector<1x16xf32>,
        %get3A_503 = vector.shape_cast %get3A_502 : vector<1x16xf32> to vector<16xf32>
        %sub3A_504 = arith.subf %get3A_499, %get3A_503 : vector<16xf32>
        %swap3A_505 = arith.constant 0 : i32
        %swap3A_506 = arith.constant 0 : i32
        %swap3A_507 = tpu.memref_slice %arg8[%scan3A_150, %swap3A_505, %swap3A_506] : memref<2x128x128xf32, #tpu.memory_space<vmem>> -> memref<1x128x128xf32, #tpu.memory_space<vmem>>
        %swap3A_508 = tpu.memref_squeeze %swap3A_507 : memref<1x128x128xf32, #tpu.memory_space<vmem>> -> memref<128x128xf32, #tpu.memory_space<vmem>>
        %swap3A_509 = arith.index_cast %scan3A_405 : i32 to index
        %swap3A_510 = arith.constant 64 : index
        %swap3A_511 = tpu.vector_load %swap3A_508[%swap3A_509, %swap3A_510] {strides = array<i32>} : memref<128x128xf32, #tpu.memory_space<vmem>>, vector<1x16xf32>,
        %swap3A_512 = vector.shape_cast %swap3A_511 : vector<1x16xf32> to vector<16xf32>
        %swap3A_513 = vector.shape_cast %sub3A_504 : vector<16xf32> to vector<1x16xf32>
        tpu.vector_store %swap3A_508[%swap3A_509, %swap3A_510], %swap3A_513 {strides = array<i32>} : memref<128x128xf32, #tpu.memory_space<vmem>>, vector<1x16xf32>,
        %get3A_514 = arith.constant 0 : i32
        %get3A_515 = arith.constant 0 : i32
        %get3A_516 = tpu.memref_slice %arg6[%scan3A_149, %get3A_514, %get3A_515] : memref<2x128x128xf32, #tpu.memory_space<vmem>> -> memref<1x128x128xf32, #tpu.memory_space<vmem>>
        %get3A_517 = tpu.memref_squeeze %get3A_516 : memref<1x128x128xf32, #tpu.memory_space<vmem>> -> memref<128x128xf32, #tpu.memory_space<vmem>>
        %get3A_518 = arith.index_cast %scan3A_405 : i32 to index
        %get3A_519 = arith.constant 80 : index
        %get3A_520 = tpu.vector_load %get3A_517[%get3A_518, %get3A_519] {strides = array<i32>} : memref<128x128xf32, #tpu.memory_space<vmem>>, vector<1x16xf32>,
        %get3A_521 = vector.shape_cast %get3A_520 : vector<1x16xf32> to vector<16xf32>
        %get3A_522 = arith.index_cast %scan3A_405 : i32 to index
        %get3A_523 = arith.constant 80 : index
        %get3A_524 = tpu.vector_load %arg7[%get3A_522, %get3A_523] {strides = array<i32>} : memref<128x128xf32, #tpu.memory_space<vmem>>, vector<1x16xf32>,
        %get3A_525 = vector.shape_cast %get3A_524 : vector<1x16xf32> to vector<16xf32>
        %sub3A_526 = arith.subf %get3A_521, %get3A_525 : vector<16xf32>
        %swap3A_527 = arith.constant 0 : i32
        %swap3A_528 = arith.constant 0 : i32
        %swap3A_529 = tpu.memref_slice %arg8[%scan3A_150, %swap3A_527, %swap3A_528] : memref<2x128x128xf32, #tpu.memory_space<vmem>> -> memref<1x128x128xf32, #tpu.memory_space<vmem>>
        %swap3A_530 = tpu.memref_squeeze %swap3A_529 : memref<1x128x128xf32, #tpu.memory_space<vmem>> -> memref<128x128xf32, #tpu.memory_space<vmem>>
        %swap3A_531 = arith.index_cast %scan3A_405 : i32 to index
        %swap3A_532 = arith.constant 80 : index
        %swap3A_533 = tpu.vector_load %swap3A_530[%swap3A_531, %swap3A_532] {strides = array<i32>} : memref<128x128xf32, #tpu.memory_space<vmem>>, vector<1x16xf32>,
        %swap3A_534 = vector.shape_cast %swap3A_533 : vector<1x16xf32> to vector<16xf32>
        %swap3A_535 = vector.shape_cast %sub3A_526 : vector<16xf32> to vector<1x16xf32>
        tpu.vector_store %swap3A_530[%swap3A_531, %swap3A_532], %swap3A_535 {strides = array<i32>} : memref<128x128xf32, #tpu.memory_space<vmem>>, vector<1x16xf32>,
        %get3A_536 = arith.constant 0 : i32
        %get3A_537 = arith.constant 0 : i32
        %get3A_538 = tpu.memref_slice %arg6[%scan3A_149, %get3A_536, %get3A_537] : memref<2x128x128xf32, #tpu.memory_space<vmem>> -> memref<1x128x128xf32, #tpu.memory_space<vmem>>
        %get3A_539 = tpu.memref_squeeze %get3A_538 : memref<1x128x128xf32, #tpu.memory_space<vmem>> -> memref<128x128xf32, #tpu.memory_space<vmem>>
        %get3A_540 = arith.index_cast %scan3A_405 : i32 to index
        %get3A_541 = arith.constant 96 : index
        %get3A_542 = tpu.vector_load %get3A_539[%get3A_540, %get3A_541] {strides = array<i32>} : memref<128x128xf32, #tpu.memory_space<vmem>>, vector<1x16xf32>,
        %get3A_543 = vector.shape_cast %get3A_542 : vector<1x16xf32> to vector<16xf32>
        %get3A_544 = arith.index_cast %scan3A_405 : i32 to index
        %get3A_545 = arith.constant 96 : index
        %get3A_546 = tpu.vector_load %arg7[%get3A_544, %get3A_545] {strides = array<i32>} : memref<128x128xf32, #tpu.memory_space<vmem>>, vector<1x16xf32>,
        %get3A_547 = vector.shape_cast %get3A_546 : vector<1x16xf32> to vector<16xf32>
        %sub3A_548 = arith.subf %get3A_543, %get3A_547 : vector<16xf32>
        %swap3A_549 = arith.constant 0 : i32
        %swap3A_550 = arith.constant 0 : i32
        %swap3A_551 = tpu.memref_slice %arg8[%scan3A_150, %swap3A_549, %swap3A_550] : memref<2x128x128xf32, #tpu.memory_space<vmem>> -> memref<1x128x128xf32, #tpu.memory_space<vmem>>
        %swap3A_552 = tpu.memref_squeeze %swap3A_551 : memref<1x128x128xf32, #tpu.memory_space<vmem>> -> memref<128x128xf32, #tpu.memory_space<vmem>>
        %swap3A_553 = arith.index_cast %scan3A_405 : i32 to index
        %swap3A_554 = arith.constant 96 : index
        %swap3A_555 = tpu.vector_load %swap3A_552[%swap3A_553, %swap3A_554] {strides = array<i32>} : memref<128x128xf32, #tpu.memory_space<vmem>>, vector<1x16xf32>,
        %swap3A_556 = vector.shape_cast %swap3A_555 : vector<1x16xf32> to vector<16xf32>
        %swap3A_557 = vector.shape_cast %sub3A_548 : vector<16xf32> to vector<1x16xf32>
        tpu.vector_store %swap3A_552[%swap3A_553, %swap3A_554], %swap3A_557 {strides = array<i32>} : memref<128x128xf32, #tpu.memory_space<vmem>>, vector<1x16xf32>,
        %get3A_558 = arith.constant 0 : i32
        %get3A_559 = arith.constant 0 : i32
        %get3A_560 = tpu.memref_slice %arg6[%scan3A_149, %get3A_558, %get3A_559] : memref<2x128x128xf32, #tpu.memory_space<vmem>> -> memref<1x128x128xf32, #tpu.memory_space<vmem>>
        %get3A_561 = tpu.memref_squeeze %get3A_560 : memref<1x128x128xf32, #tpu.memory_space<vmem>> -> memref<128x128xf32, #tpu.memory_space<vmem>>
        %get3A_562 = arith.index_cast %scan3A_405 : i32 to index
        %get3A_563 = arith.constant 112 : index
        %get3A_564 = tpu.vector_load %get3A_561[%get3A_562, %get3A_563] {strides = array<i32>} : memref<128x128xf32, #tpu.memory_space<vmem>>, vector<1x16xf32>,
        %get3A_565 = vector.shape_cast %get3A_564 : vector<1x16xf32> to vector<16xf32>
        %get3A_566 = arith.index_cast %scan3A_405 : i32 to index
        %get3A_567 = arith.constant 112 : index
        %get3A_568 = tpu.vector_load %arg7[%get3A_566, %get3A_567] {strides = array<i32>} : memref<128x128xf32, #tpu.memory_space<vmem>>, vector<1x16xf32>,
        %get3A_569 = vector.shape_cast %get3A_568 : vector<1x16xf32> to vector<16xf32>
        %sub3A_570 = arith.subf %get3A_565, %get3A_569 : vector<16xf32>
        %swap3A_571 = arith.constant 0 : i32
        %swap3A_572 = arith.constant 0 : i32
        %swap3A_573 = tpu.memref_slice %arg8[%scan3A_150, %swap3A_571, %swap3A_572] : memref<2x128x128xf32, #tpu.memory_space<vmem>> -> memref<1x128x128xf32, #tpu.memory_space<vmem>>
        %swap3A_574 = tpu.memref_squeeze %swap3A_573 : memref<1x128x128xf32, #tpu.memory_space<vmem>> -> memref<128x128xf32, #tpu.memory_space<vmem>>
        %swap3A_575 = arith.index_cast %scan3A_405 : i32 to index
        %swap3A_576 = arith.constant 112 : index
        %swap3A_577 = tpu.vector_load %swap3A_574[%swap3A_575, %swap3A_576] {strides = array<i32>} : memref<128x128xf32, #tpu.memory_space<vmem>>, vector<1x16xf32>,
        %swap3A_578 = vector.shape_cast %swap3A_577 : vector<1x16xf32> to vector<16xf32>
        %swap3A_579 = vector.shape_cast %sub3A_570 : vector<16xf32> to vector<1x16xf32>
        tpu.vector_store %swap3A_574[%swap3A_575, %swap3A_576], %swap3A_579 {strides = array<i32>} : memref<128x128xf32, #tpu.memory_space<vmem>>, vector<1x16xf32>,
      }
      %scan3A_155 = arith.constant 128 : i32
      %dma_start3A_156 = arith.constant 0 : i32
      %dma_start3A_157 = arith.constant 0 : i32
      %dma_start3A_158 = arith.constant 0 : i32
      %dma_start3A_159 = tpu.memref_slice %arg6[%dma_start3A_156, %dma_start3A_157, %dma_start3A_158] : memref<2x128x128xf32, #tpu.memory_space<vmem>> -> memref<1x128x128xf32, #tpu.memory_space<vmem>>
      %dma_start3A_160 = tpu.memref_squeeze %dma_start3A_159 : memref<1x128x128xf32, #tpu.memory_space<vmem>> -> memref<128x128xf32, #tpu.memory_space<vmem>>
      %dma_start3A_161 = arith.constant 0 : i32
      %dma_start3A_162 = tpu.memref_slice %arg4[%select_n3A, %mul3A_111, %add3A_120, %dma_start3A_161] : memref<8x2048x16x256xf32, #tpu.memory_space<hbm>> -> memref<1x128x1x128xf32, #tpu.memory_space<hbm>>
      %dma_start3A_163 = tpu.memref_squeeze %dma_start3A_162 : memref<1x128x1x128xf32, #tpu.memory_space<hbm>> -> memref<128x128xf32, #tpu.memory_space<hbm>>
      %dma_start3A_164 = arith.constant 0 : i32
      %dma_start3A_165 = tpu.memref_slice %arg4[%select_n3A, %mul3A_111, %add3A_120, %dma_start3A_164] : memref<8x2048x16x256xf32, #tpu.memory_space<hbm>> -> memref<1x128x1x128xf32, #tpu.memory_space<hbm>>
      %dma_start3A_166 = tpu.memref_squeeze %dma_start3A_165 : memref<1x128x1x128xf32, #tpu.memory_space<hbm>> -> memref<128x128xf32, #tpu.memory_space<hbm>>
      %dma_start3A_167 = arith.constant 0 : i32
      %dma_start3A_168 = arith.constant 0 : i32
      %dma_start3A_169 = tpu.memref_slice %arg6[%dma_start3A_156, %dma_start3A_167, %dma_start3A_168] : memref<2x128x128xf32, #tpu.memory_space<vmem>> -> memref<1x128x128xf32, #tpu.memory_space<vmem>>
      %dma_start3A_170 = tpu.memref_squeeze %dma_start3A_169 : memref<1x128x128xf32, #tpu.memory_space<vmem>> -> memref<128x128xf32, #tpu.memory_space<vmem>>
      tpu.enqueue_dma source(%dma_start3A_170 : memref<128x128xf32, #tpu.memory_space<vmem>>) target(%dma_start3A_166 : memref<128x128xf32, #tpu.memory_space<hbm>>) target_semaphore(%arg10 : memref<!tpu.dma_semaphore, #tpu.memory_space<semaphore_mem>>)
      %dma_start3A_171 = arith.constant 0 : i32
      %dma_start3A_172 = arith.constant 0 : i32
      %dma_start3A_173 = arith.constant 0 : i32
      %dma_start3A_174 = tpu.memref_slice %arg8[%dma_start3A_171, %dma_start3A_172, %dma_start3A_173] : memref<2x128x128xf32, #tpu.memory_space<vmem>> -> memref<1x128x128xf32, #tpu.memory_space<vmem>>
      %dma_start3A_175 = tpu.memref_squeeze %dma_start3A_174 : memref<1x128x128xf32, #tpu.memory_space<vmem>> -> memref<128x128xf32, #tpu.memory_space<vmem>>
      %dma_start3A_176 = arith.constant 128 : i32
      %dma_start3A_177 = tpu.memref_slice %arg4[%select_n3A, %mul3A_111, %add3A_120, %dma_start3A_176] : memref<8x2048x16x256xf32, #tpu.memory_space<hbm>> -> memref<1x128x1x128xf32, #tpu.memory_space<hbm>>
      %dma_start3A_178 = tpu.memref_squeeze %dma_start3A_177 : memref<1x128x1x128xf32, #tpu.memory_space<hbm>> -> memref<128x128xf32, #tpu.memory_space<hbm>>
      %dma_start3A_179 = arith.constant 128 : i32
      %dma_start3A_180 = tpu.memref_slice %arg4[%select_n3A, %mul3A_111, %add3A_120, %dma_start3A_179] : memref<8x2048x16x256xf32, #tpu.memory_space<hbm>> -> memref<1x128x1x128xf32, #tpu.memory_space<hbm>>
      %dma_start3A_181 = tpu.memref_squeeze %dma_start3A_180 : memref<1x128x1x128xf32, #tpu.memory_space<hbm>> -> memref<128x128xf32, #tpu.memory_space<hbm>>
      %dma_start3A_182 = arith.constant 0 : i32
      %dma_start3A_183 = arith.constant 0 : i32
      %dma_start3A_184 = tpu.memref_slice %arg8[%dma_start3A_171, %dma_start3A_182, %dma_start3A_183] : memref<2x128x128xf32, #tpu.memory_space<vmem>> -> memref<1x128x128xf32, #tpu.memory_space<vmem>>
      %dma_start3A_185 = tpu.memref_squeeze %dma_start3A_184 : memref<1x128x128xf32, #tpu.memory_space<vmem>> -> memref<128x128xf32, #tpu.memory_space<vmem>>
      tpu.enqueue_dma source(%dma_start3A_185 : memref<128x128xf32, #tpu.memory_space<vmem>>) target(%dma_start3A_181 : memref<128x128xf32, #tpu.memory_space<hbm>>) target_semaphore(%arg10 : memref<!tpu.dma_semaphore, #tpu.memory_space<semaphore_mem>>)
      %mul3A_186 = arith.constant 4 : i32
      %mul3A_187 = arith.muli %select_n3A_30, %mul3A_186 : i32
      %add3A_188 = arith.constant 1 : i32
      %add3A_189 = arith.addi %mul3A_187, %add3A_188 : i32
      %mul3A_190 = arith.constant 4 : i32
      %mul3A_191 = arith.muli %scan3A_109, %mul3A_190 : i32
      %add3A_192 = arith.constant 1 : i32
      %add3A_193 = arith.addi %mul3A_191, %add3A_192 : i32
      %ge3A_194 = arith.constant 2 : i32
      %ge3A_195 = arith.cmpi sge, %add3A_193, %ge3A_194 : i32
      %convert_element_type3A_196 = arith.extui %ge3A_195 : i1 to i32
      %cond3A_197 = arith.constant 0 : i32
      %cond3A_198 = arith.cmpi ne, %convert_element_type3A_196, %cond3A_197 : i32
      scf.if %cond3A_198 {
        %dma_wait3A_405 = arith.constant 1 : i32
        %dma_wait3A_406 = arith.constant 0 : i32
        %dma_wait3A_407 = arith.constant 0 : i32
        %dma_wait3A_408 = arith.constant 0 : i32
        %dma_wait3A_409 = tpu.memref_slice %arg6[%dma_wait3A_405, %dma_wait3A_407, %dma_wait3A_408] : memref<2x128x128xf32, #tpu.memory_space<vmem>> -> memref<1x128x128xf32, #tpu.memory_space<vmem>>
        %dma_wait3A_410 = tpu.memref_squeeze %dma_wait3A_409 : memref<1x128x128xf32, #tpu.memory_space<vmem>> -> memref<128x128xf32, #tpu.memory_space<vmem>>
        %dma_wait3A_411 = arith.constant 0 : i32
        %dma_wait3A_412 = arith.constant 0 : i32
        %dma_wait3A_413 = tpu.memref_slice %arg4[%select_n3A, %dma_wait3A_411, %dma_wait3A_406, %dma_wait3A_412] : memref<8x2048x16x256xf32, #tpu.memory_space<hbm>> -> memref<1x128x1x128xf32, #tpu.memory_space<hbm>>
        %dma_wait3A_414 = tpu.memref_squeeze %dma_wait3A_413 : memref<1x128x1x128xf32, #tpu.memory_space<hbm>> -> memref<128x128xf32, #tpu.memory_space<hbm>>
        %dma_wait3A_415 = arith.constant 0 : i32
        %dma_wait3A_416 = arith.constant 0 : i32
        %dma_wait3A_417 = tpu.memref_slice %arg4[%select_n3A, %dma_wait3A_415, %dma_wait3A_406, %dma_wait3A_416] : memref<8x2048x16x256xf32, #tpu.memory_space<hbm>> -> memref<1x128x1x128xf32, #tpu.memory_space<hbm>>
        %dma_wait3A_418 = tpu.memref_squeeze %dma_wait3A_417 : memref<1x128x1x128xf32, #tpu.memory_space<hbm>> -> memref<128x128xf32, #tpu.memory_space<hbm>>
        %dma_wait3A_419 = arith.constant 0 : i32
        %dma_wait3A_420 = arith.constant 0 : i32
        %dma_wait3A_421 = tpu.memref_slice %arg6[%dma_wait3A_405, %dma_wait3A_419, %dma_wait3A_420] : memref<2x128x128xf32, #tpu.memory_space<vmem>> -> memref<1x128x128xf32, #tpu.memory_space<vmem>>
        %dma_wait3A_422 = tpu.memref_squeeze %dma_wait3A_421 : memref<1x128x128xf32, #tpu.memory_space<vmem>> -> memref<128x128xf32, #tpu.memory_space<vmem>>
        tpu.wait_dma2 semaphore(%arg11 : memref<!tpu.dma_semaphore, #tpu.memory_space<semaphore_mem>>) src(%dma_wait3A_422 : memref<128x128xf32, #tpu.memory_space<vmem>>) dst(%dma_wait3A_418 : memref<128x128xf32, #tpu.memory_space<hbm>>)
        %dma_wait3A_423 = arith.constant 1 : i32
        %dma_wait3A_424 = arith.constant 0 : i32
        %dma_wait3A_425 = arith.constant 0 : i32
        %dma_wait3A_426 = arith.constant 0 : i32
        %dma_wait3A_427 = tpu.memref_slice %arg8[%dma_wait3A_423, %dma_wait3A_425, %dma_wait3A_426] : memref<2x128x128xf32, #tpu.memory_space<vmem>> -> memref<1x128x128xf32, #tpu.memory_space<vmem>>
        %dma_wait3A_428 = tpu.memref_squeeze %dma_wait3A_427 : memref<1x128x128xf32, #tpu.memory_space<vmem>> -> memref<128x128xf32, #tpu.memory_space<vmem>>
        %dma_wait3A_429 = arith.constant 0 : i32
        %dma_wait3A_430 = arith.constant 128 : i32
        %dma_wait3A_431 = tpu.memref_slice %arg4[%select_n3A, %dma_wait3A_429, %dma_wait3A_424, %dma_wait3A_430] : memref<8x2048x16x256xf32, #tpu.memory_space<hbm>> -> memref<1x128x1x128xf32, #tpu.memory_space<hbm>>
        %dma_wait3A_432 = tpu.memref_squeeze %dma_wait3A_431 : memref<1x128x1x128xf32, #tpu.memory_space<hbm>> -> memref<128x128xf32, #tpu.memory_space<hbm>>
        %dma_wait3A_433 = arith.constant 0 : i32
        %dma_wait3A_434 = arith.constant 128 : i32
        %dma_wait3A_435 = tpu.memref_slice %arg4[%select_n3A, %dma_wait3A_433, %dma_wait3A_424, %dma_wait3A_434] : memref<8x2048x16x256xf32, #tpu.memory_space<hbm>> -> memref<1x128x1x128xf32, #tpu.memory_space<hbm>>
        %dma_wait3A_436 = tpu.memref_squeeze %dma_wait3A_435 : memref<1x128x1x128xf32, #tpu.memory_space<hbm>> -> memref<128x128xf32, #tpu.memory_space<hbm>>
        %dma_wait3A_437 = arith.constant 0 : i32
        %dma_wait3A_438 = arith.constant 0 : i32
        %dma_wait3A_439 = tpu.memref_slice %arg8[%dma_wait3A_423, %dma_wait3A_437, %dma_wait3A_438] : memref<2x128x128xf32, #tpu.memory_space<vmem>> -> memref<1x128x128xf32, #tpu.memory_space<vmem>>
        %dma_wait3A_440 = tpu.memref_squeeze %dma_wait3A_439 : memref<1x128x128xf32, #tpu.memory_space<vmem>> -> memref<128x128xf32, #tpu.memory_space<vmem>>
        tpu.wait_dma2 semaphore(%arg11 : memref<!tpu.dma_semaphore, #tpu.memory_space<semaphore_mem>>) src(%dma_wait3A_440 : memref<128x128xf32, #tpu.memory_space<vmem>>) dst(%dma_wait3A_436 : memref<128x128xf32, #tpu.memory_space<hbm>>)
      } else {
      }
      %dma_start3A_199 = arith.constant 1 : i32
      %dma_start3A_200 = arith.constant 1 : i32
      %dma_start3A_201 = arith.constant 0 : i32
      %dma_start3A_202 = arith.constant 0 : i32
      %dma_start3A_203 = tpu.memref_slice %arg6[%dma_start3A_200, %dma_start3A_201, %dma_start3A_202] : memref<2x128x128xf32, #tpu.memory_space<vmem>> -> memref<1x128x128xf32, #tpu.memory_space<vmem>>
      %dma_start3A_204 = tpu.memref_squeeze %dma_start3A_203 : memref<1x128x128xf32, #tpu.memory_space<vmem>> -> memref<128x128xf32, #tpu.memory_space<vmem>>
      %dma_start3A_205 = tpu.memref_slice %arg5[%dma_start3A_199, %mul3A_111] : memref<4x2048xi32, #tpu.memory_space<vmem>> -> memref<1x128xi32, #tpu.memory_space<vmem>>
      %dma_start3A_206 = tpu.memref_squeeze %dma_start3A_205 : memref<1x128xi32, #tpu.memory_space<vmem>> -> memref<128xi32, #tpu.memory_space<vmem>>
      %dma_start3A_207 = arith.constant 0 : i32
      %dma_start3A_208 = arith.constant 0 : i32
      %dma_start3A_209 = tpu.memref_slice %arg2[%dma_start3A_207, %dma_start3A_208] : memref<16384x128xf32, #tpu.memory_space<hbm>> -> memref<16384x128xf32, #tpu.memory_space<hbm>>
      tpu.enqueue_indirect_dma source(%dma_start3A_209 : memref<16384x128xf32, #tpu.memory_space<hbm>>) target(%dma_start3A_204 : memref<128x128xf32, #tpu.memory_space<vmem>>) offsets(%dma_start3A_206 : memref<128xi32, #tpu.memory_space<vmem>>) semaphore(%arg9 : memref<!tpu.dma_semaphore, #tpu.memory_space<semaphore_mem>>)
      %dma_wait3A_210 = arith.constant 1 : i32
      %dma_wait3A_211 = arith.constant 1 : i32
      %dma_wait3A_212 = arith.constant 0 : i32
      %dma_wait3A_213 = arith.constant 0 : i32
      %dma_wait3A_214 = tpu.memref_slice %arg6[%dma_wait3A_211, %dma_wait3A_212, %dma_wait3A_213] : memref<2x128x128xf32, #tpu.memory_space<vmem>> -> memref<1x128x128xf32, #tpu.memory_space<vmem>>
      %dma_wait3A_215 = tpu.memref_squeeze %dma_wait3A_214 : memref<1x128x128xf32, #tpu.memory_space<vmem>> -> memref<128x128xf32, #tpu.memory_space<vmem>>
      %dma_wait3A_216 = tpu.memref_slice %arg5[%dma_wait3A_210, %mul3A_111] : memref<4x2048xi32, #tpu.memory_space<vmem>> -> memref<1x128xi32, #tpu.memory_space<vmem>>
      %dma_wait3A_217 = tpu.memref_squeeze %dma_wait3A_216 : memref<1x128xi32, #tpu.memory_space<vmem>> -> memref<128xi32, #tpu.memory_space<vmem>>
      %dma_wait3A_218 = arith.constant 0 : i32
      %dma_wait3A_219 = arith.constant 0 : i32
      %dma_wait3A_220 = tpu.memref_slice %arg2[%dma_wait3A_218, %dma_wait3A_219] : memref<16384x128xf32, #tpu.memory_space<hbm>> -> memref<16384x128xf32, #tpu.memory_space<hbm>>
      tpu.wait_indirect_dma semaphore(%arg9 : memref<!tpu.dma_semaphore, #tpu.memory_space<semaphore_mem>>) src(%dma_wait3A_220 : memref<16384x128xf32, #tpu.memory_space<hbm>>) dst(%dma_wait3A_215 : memref<128x128xf32, #tpu.memory_space<vmem>>)
      %scan3A_221 = arith.constant 0 : i32
      %scan3A_222 = arith.constant 1 : i32
      %scan3A_223 = arith.constant 1 : i32
      %scan3A_224 = arith.constant 0 : i32
      %scan3A_225 = arith.constant 128 : i32
      %scan3A_226 = arith.addi %scan3A_224, %scan3A_225 : i32
      %scan3A_227 = arith.constant 1 : i32
      scf.for %scan3A_405 = %scan3A_224 to %scan3A_226 step %scan3A_227  : i32 {
        %get3A = arith.constant 0 : i32
        %get3A_406 = arith.constant 0 : i32
        %get3A_407 = tpu.memref_slice %arg6[%scan3A_222, %get3A, %get3A_406] : memref<2x128x128xf32, #tpu.memory_space<vmem>> -> memref<1x128x128xf32, #tpu.memory_space<vmem>>
        %get3A_408 = tpu.memref_squeeze %get3A_407 : memref<1x128x128xf32, #tpu.memory_space<vmem>> -> memref<128x128xf32, #tpu.memory_space<vmem>>
        %get3A_409 = arith.index_cast %scan3A_405 : i32 to index
        %get3A_410 = arith.constant 0 : index
        %get3A_411 = tpu.vector_load %get3A_408[%get3A_409, %get3A_410] {strides = array<i32>} : memref<128x128xf32, #tpu.memory_space<vmem>>, vector<1x16xf32>,
        %get3A_412 = vector.shape_cast %get3A_411 : vector<1x16xf32> to vector<16xf32>
        %get3A_413 = arith.index_cast %scan3A_405 : i32 to index
        %get3A_414 = arith.constant 0 : index
        %get3A_415 = tpu.vector_load %arg7[%get3A_413, %get3A_414] {strides = array<i32>} : memref<128x128xf32, #tpu.memory_space<vmem>>, vector<1x16xf32>,
        %get3A_416 = vector.shape_cast %get3A_415 : vector<1x16xf32> to vector<16xf32>
        %sub3A_417 = arith.subf %get3A_412, %get3A_416 : vector<16xf32>
        %swap3A = arith.constant 0 : i32
        %swap3A_418 = arith.constant 0 : i32
        %swap3A_419 = tpu.memref_slice %arg8[%scan3A_223, %swap3A, %swap3A_418] : memref<2x128x128xf32, #tpu.memory_space<vmem>> -> memref<1x128x128xf32, #tpu.memory_space<vmem>>
        %swap3A_420 = tpu.memref_squeeze %swap3A_419 : memref<1x128x128xf32, #tpu.memory_space<vmem>> -> memref<128x128xf32, #tpu.memory_space<vmem>>
        %swap3A_421 = arith.index_cast %scan3A_405 : i32 to index
        %swap3A_422 = arith.constant 0 : index
        %swap3A_423 = tpu.vector_load %swap3A_420[%swap3A_421, %swap3A_422] {strides = array<i32>} : memref<128x128xf32, #tpu.memory_space<vmem>>, vector<1x16xf32>,
        %swap3A_424 = vector.shape_cast %swap3A_423 : vector<1x16xf32> to vector<16xf32>
        %swap3A_425 = vector.shape_cast %sub3A_417 : vector<16xf32> to vector<1x16xf32>
        tpu.vector_store %swap3A_420[%swap3A_421, %swap3A_422], %swap3A_425 {strides = array<i32>} : memref<128x128xf32, #tpu.memory_space<vmem>>, vector<1x16xf32>,
        %get3A_426 = arith.constant 0 : i32
        %get3A_427 = arith.constant 0 : i32
        %get3A_428 = tpu.memref_slice %arg6[%scan3A_222, %get3A_426, %get3A_427] : memref<2x128x128xf32, #tpu.memory_space<vmem>> -> memref<1x128x128xf32, #tpu.memory_space<vmem>>
        %get3A_429 = tpu.memref_squeeze %get3A_428 : memref<1x128x128xf32, #tpu.memory_space<vmem>> -> memref<128x128xf32, #tpu.memory_space<vmem>>
        %get3A_430 = arith.index_cast %scan3A_405 : i32 to index
        %get3A_431 = arith.constant 16 : index
        %get3A_432 = tpu.vector_load %get3A_429[%get3A_430, %get3A_431] {strides = array<i32>} : memref<128x128xf32, #tpu.memory_space<vmem>>, vector<1x16xf32>,
        %get3A_433 = vector.shape_cast %get3A_432 : vector<1x16xf32> to vector<16xf32>
        %get3A_434 = arith.index_cast %scan3A_405 : i32 to index
        %get3A_435 = arith.constant 16 : index
        %get3A_436 = tpu.vector_load %arg7[%get3A_434, %get3A_435] {strides = array<i32>} : memref<128x128xf32, #tpu.memory_space<vmem>>, vector<1x16xf32>,
        %get3A_437 = vector.shape_cast %get3A_436 : vector<1x16xf32> to vector<16xf32>
        %sub3A_438 = arith.subf %get3A_433, %get3A_437 : vector<16xf32>
        %swap3A_439 = arith.constant 0 : i32
        %swap3A_440 = arith.constant 0 : i32
        %swap3A_441 = tpu.memref_slice %arg8[%scan3A_223, %swap3A_439, %swap3A_440] : memref<2x128x128xf32, #tpu.memory_space<vmem>> -> memref<1x128x128xf32, #tpu.memory_space<vmem>>
        %swap3A_442 = tpu.memref_squeeze %swap3A_441 : memref<1x128x128xf32, #tpu.memory_space<vmem>> -> memref<128x128xf32, #tpu.memory_space<vmem>>
        %swap3A_443 = arith.index_cast %scan3A_405 : i32 to index
        %swap3A_444 = arith.constant 16 : index
        %swap3A_445 = tpu.vector_load %swap3A_442[%swap3A_443, %swap3A_444] {strides = array<i32>} : memref<128x128xf32, #tpu.memory_space<vmem>>, vector<1x16xf32>,
        %swap3A_446 = vector.shape_cast %swap3A_445 : vector<1x16xf32> to vector<16xf32>
        %swap3A_447 = vector.shape_cast %sub3A_438 : vector<16xf32> to vector<1x16xf32>
        tpu.vector_store %swap3A_442[%swap3A_443, %swap3A_444], %swap3A_447 {strides = array<i32>} : memref<128x128xf32, #tpu.memory_space<vmem>>, vector<1x16xf32>,
        %get3A_448 = arith.constant 0 : i32
        %get3A_449 = arith.constant 0 : i32
        %get3A_450 = tpu.memref_slice %arg6[%scan3A_222, %get3A_448, %get3A_449] : memref<2x128x128xf32, #tpu.memory_space<vmem>> -> memref<1x128x128xf32, #tpu.memory_space<vmem>>
        %get3A_451 = tpu.memref_squeeze %get3A_450 : memref<1x128x128xf32, #tpu.memory_space<vmem>> -> memref<128x128xf32, #tpu.memory_space<vmem>>
        %get3A_452 = arith.index_cast %scan3A_405 : i32 to index
        %get3A_453 = arith.constant 32 : index
        %get3A_454 = tpu.vector_load %get3A_451[%get3A_452, %get3A_453] {strides = array<i32>} : memref<128x128xf32, #tpu.memory_space<vmem>>, vector<1x16xf32>,
        %get3A_455 = vector.shape_cast %get3A_454 : vector<1x16xf32> to vector<16xf32>
        %get3A_456 = arith.index_cast %scan3A_405 : i32 to index
        %get3A_457 = arith.constant 32 : index
        %get3A_458 = tpu.vector_load %arg7[%get3A_456, %get3A_457] {strides = array<i32>} : memref<128x128xf32, #tpu.memory_space<vmem>>, vector<1x16xf32>,
        %get3A_459 = vector.shape_cast %get3A_458 : vector<1x16xf32> to vector<16xf32>
        %sub3A_460 = arith.subf %get3A_455, %get3A_459 : vector<16xf32>
        %swap3A_461 = arith.constant 0 : i32
        %swap3A_462 = arith.constant 0 : i32
        %swap3A_463 = tpu.memref_slice %arg8[%scan3A_223, %swap3A_461, %swap3A_462] : memref<2x128x128xf32, #tpu.memory_space<vmem>> -> memref<1x128x128xf32, #tpu.memory_space<vmem>>
        %swap3A_464 = tpu.memref_squeeze %swap3A_463 : memref<1x128x128xf32, #tpu.memory_space<vmem>> -> memref<128x128xf32, #tpu.memory_space<vmem>>
        %swap3A_465 = arith.index_cast %scan3A_405 : i32 to index
        %swap3A_466 = arith.constant 32 : index
        %swap3A_467 = tpu.vector_load %swap3A_464[%swap3A_465, %swap3A_466] {strides = array<i32>} : memref<128x128xf32, #tpu.memory_space<vmem>>, vector<1x16xf32>,
        %swap3A_468 = vector.shape_cast %swap3A_467 : vector<1x16xf32> to vector<16xf32>
        %swap3A_469 = vector.shape_cast %sub3A_460 : vector<16xf32> to vector<1x16xf32>
        tpu.vector_store %swap3A_464[%swap3A_465, %swap3A_466], %swap3A_469 {strides = array<i32>} : memref<128x128xf32, #tpu.memory_space<vmem>>, vector<1x16xf32>,
        %get3A_470 = arith.constant 0 : i32
        %get3A_471 = arith.constant 0 : i32
        %get3A_472 = tpu.memref_slice %arg6[%scan3A_222, %get3A_470, %get3A_471] : memref<2x128x128xf32, #tpu.memory_space<vmem>> -> memref<1x128x128xf32, #tpu.memory_space<vmem>>
        %get3A_473 = tpu.memref_squeeze %get3A_472 : memref<1x128x128xf32, #tpu.memory_space<vmem>> -> memref<128x128xf32, #tpu.memory_space<vmem>>
        %get3A_474 = arith.index_cast %scan3A_405 : i32 to index
        %get3A_475 = arith.constant 48 : index
        %get3A_476 = tpu.vector_load %get3A_473[%get3A_474, %get3A_475] {strides = array<i32>} : memref<128x128xf32, #tpu.memory_space<vmem>>, vector<1x16xf32>,
        %get3A_477 = vector.shape_cast %get3A_476 : vector<1x16xf32> to vector<16xf32>
        %get3A_478 = arith.index_cast %scan3A_405 : i32 to index
        %get3A_479 = arith.constant 48 : index
        %get3A_480 = tpu.vector_load %arg7[%get3A_478, %get3A_479] {strides = array<i32>} : memref<128x128xf32, #tpu.memory_space<vmem>>, vector<1x16xf32>,
        %get3A_481 = vector.shape_cast %get3A_480 : vector<1x16xf32> to vector<16xf32>
        %sub3A_482 = arith.subf %get3A_477, %get3A_481 : vector<16xf32>
        %swap3A_483 = arith.constant 0 : i32
        %swap3A_484 = arith.constant 0 : i32
        %swap3A_485 = tpu.memref_slice %arg8[%scan3A_223, %swap3A_483, %swap3A_484] : memref<2x128x128xf32, #tpu.memory_space<vmem>> -> memref<1x128x128xf32, #tpu.memory_space<vmem>>
        %swap3A_486 = tpu.memref_squeeze %swap3A_485 : memref<1x128x128xf32, #tpu.memory_space<vmem>> -> memref<128x128xf32, #tpu.memory_space<vmem>>
        %swap3A_487 = arith.index_cast %scan3A_405 : i32 to index
        %swap3A_488 = arith.constant 48 : index
        %swap3A_489 = tpu.vector_load %swap3A_486[%swap3A_487, %swap3A_488] {strides = array<i32>} : memref<128x128xf32, #tpu.memory_space<vmem>>, vector<1x16xf32>,
        %swap3A_490 = vector.shape_cast %swap3A_489 : vector<1x16xf32> to vector<16xf32>
        %swap3A_491 = vector.shape_cast %sub3A_482 : vector<16xf32> to vector<1x16xf32>
        tpu.vector_store %swap3A_486[%swap3A_487, %swap3A_488], %swap3A_491 {strides = array<i32>} : memref<128x128xf32, #tpu.memory_space<vmem>>, vector<1x16xf32>,
        %get3A_492 = arith.constant 0 : i32
        %get3A_493 = arith.constant 0 : i32
        %get3A_494 = tpu.memref_slice %arg6[%scan3A_222, %get3A_492, %get3A_493] : memref<2x128x128xf32, #tpu.memory_space<vmem>> -> memref<1x128x128xf32, #tpu.memory_space<vmem>>
        %get3A_495 = tpu.memref_squeeze %get3A_494 : memref<1x128x128xf32, #tpu.memory_space<vmem>> -> memref<128x128xf32, #tpu.memory_space<vmem>>
        %get3A_496 = arith.index_cast %scan3A_405 : i32 to index
        %get3A_497 = arith.constant 64 : index
        %get3A_498 = tpu.vector_load %get3A_495[%get3A_496, %get3A_497] {strides = array<i32>} : memref<128x128xf32, #tpu.memory_space<vmem>>, vector<1x16xf32>,
        %get3A_499 = vector.shape_cast %get3A_498 : vector<1x16xf32> to vector<16xf32>
        %get3A_500 = arith.index_cast %scan3A_405 : i32 to index
        %get3A_501 = arith.constant 64 : index
        %get3A_502 = tpu.vector_load %arg7[%get3A_500, %get3A_501] {strides = array<i32>} : memref<128x128xf32, #tpu.memory_space<vmem>>, vector<1x16xf32>,
        %get3A_503 = vector.shape_cast %get3A_502 : vector<1x16xf32> to vector<16xf32>
        %sub3A_504 = arith.subf %get3A_499, %get3A_503 : vector<16xf32>
        %swap3A_505 = arith.constant 0 : i32
        %swap3A_506 = arith.constant 0 : i32
        %swap3A_507 = tpu.memref_slice %arg8[%scan3A_223, %swap3A_505, %swap3A_506] : memref<2x128x128xf32, #tpu.memory_space<vmem>> -> memref<1x128x128xf32, #tpu.memory_space<vmem>>
        %swap3A_508 = tpu.memref_squeeze %swap3A_507 : memref<1x128x128xf32, #tpu.memory_space<vmem>> -> memref<128x128xf32, #tpu.memory_space<vmem>>
        %swap3A_509 = arith.index_cast %scan3A_405 : i32 to index
        %swap3A_510 = arith.constant 64 : index
        %swap3A_511 = tpu.vector_load %swap3A_508[%swap3A_509, %swap3A_510] {strides = array<i32>} : memref<128x128xf32, #tpu.memory_space<vmem>>, vector<1x16xf32>,
        %swap3A_512 = vector.shape_cast %swap3A_511 : vector<1x16xf32> to vector<16xf32>
        %swap3A_513 = vector.shape_cast %sub3A_504 : vector<16xf32> to vector<1x16xf32>
        tpu.vector_store %swap3A_508[%swap3A_509, %swap3A_510], %swap3A_513 {strides = array<i32>} : memref<128x128xf32, #tpu.memory_space<vmem>>, vector<1x16xf32>,
        %get3A_514 = arith.constant 0 : i32
        %get3A_515 = arith.constant 0 : i32
        %get3A_516 = tpu.memref_slice %arg6[%scan3A_222, %get3A_514, %get3A_515] : memref<2x128x128xf32, #tpu.memory_space<vmem>> -> memref<1x128x128xf32, #tpu.memory_space<vmem>>
        %get3A_517 = tpu.memref_squeeze %get3A_516 : memref<1x128x128xf32, #tpu.memory_space<vmem>> -> memref<128x128xf32, #tpu.memory_space<vmem>>
        %get3A_518 = arith.index_cast %scan3A_405 : i32 to index
        %get3A_519 = arith.constant 80 : index
        %get3A_520 = tpu.vector_load %get3A_517[%get3A_518, %get3A_519] {strides = array<i32>} : memref<128x128xf32, #tpu.memory_space<vmem>>, vector<1x16xf32>,
        %get3A_521 = vector.shape_cast %get3A_520 : vector<1x16xf32> to vector<16xf32>
        %get3A_522 = arith.index_cast %scan3A_405 : i32 to index
        %get3A_523 = arith.constant 80 : index
        %get3A_524 = tpu.vector_load %arg7[%get3A_522, %get3A_523] {strides = array<i32>} : memref<128x128xf32, #tpu.memory_space<vmem>>, vector<1x16xf32>,
        %get3A_525 = vector.shape_cast %get3A_524 : vector<1x16xf32> to vector<16xf32>
        %sub3A_526 = arith.subf %get3A_521, %get3A_525 : vector<16xf32>
        %swap3A_527 = arith.constant 0 : i32
        %swap3A_528 = arith.constant 0 : i32
        %swap3A_529 = tpu.memref_slice %arg8[%scan3A_223, %swap3A_527, %swap3A_528] : memref<2x128x128xf32, #tpu.memory_space<vmem>> -> memref<1x128x128xf32, #tpu.memory_space<vmem>>
        %swap3A_530 = tpu.memref_squeeze %swap3A_529 : memref<1x128x128xf32, #tpu.memory_space<vmem>> -> memref<128x128xf32, #tpu.memory_space<vmem>>
        %swap3A_531 = arith.index_cast %scan3A_405 : i32 to index
        %swap3A_532 = arith.constant 80 : index
        %swap3A_533 = tpu.vector_load %swap3A_530[%swap3A_531, %swap3A_532] {strides = array<i32>} : memref<128x128xf32, #tpu.memory_space<vmem>>, vector<1x16xf32>,
        %swap3A_534 = vector.shape_cast %swap3A_533 : vector<1x16xf32> to vector<16xf32>
        %swap3A_535 = vector.shape_cast %sub3A_526 : vector<16xf32> to vector<1x16xf32>
        tpu.vector_store %swap3A_530[%swap3A_531, %swap3A_532], %swap3A_535 {strides = array<i32>} : memref<128x128xf32, #tpu.memory_space<vmem>>, vector<1x16xf32>,
        %get3A_536 = arith.constant 0 : i32
        %get3A_537 = arith.constant 0 : i32
        %get3A_538 = tpu.memref_slice %arg6[%scan3A_222, %get3A_536, %get3A_537] : memref<2x128x128xf32, #tpu.memory_space<vmem>> -> memref<1x128x128xf32, #tpu.memory_space<vmem>>
        %get3A_539 = tpu.memref_squeeze %get3A_538 : memref<1x128x128xf32, #tpu.memory_space<vmem>> -> memref<128x128xf32, #tpu.memory_space<vmem>>
        %get3A_540 = arith.index_cast %scan3A_405 : i32 to index
        %get3A_541 = arith.constant 96 : index
        %get3A_542 = tpu.vector_load %get3A_539[%get3A_540, %get3A_541] {strides = array<i32>} : memref<128x128xf32, #tpu.memory_space<vmem>>, vector<1x16xf32>,
        %get3A_543 = vector.shape_cast %get3A_542 : vector<1x16xf32> to vector<16xf32>
        %get3A_544 = arith.index_cast %scan3A_405 : i32 to index
        %get3A_545 = arith.constant 96 : index
        %get3A_546 = tpu.vector_load %arg7[%get3A_544, %get3A_545] {strides = array<i32>} : memref<128x128xf32, #tpu.memory_space<vmem>>, vector<1x16xf32>,
        %get3A_547 = vector.shape_cast %get3A_546 : vector<1x16xf32> to vector<16xf32>
        %sub3A_548 = arith.subf %get3A_543, %get3A_547 : vector<16xf32>
        %swap3A_549 = arith.constant 0 : i32
        %swap3A_550 = arith.constant 0 : i32
        %swap3A_551 = tpu.memref_slice %arg8[%scan3A_223, %swap3A_549, %swap3A_550] : memref<2x128x128xf32, #tpu.memory_space<vmem>> -> memref<1x128x128xf32, #tpu.memory_space<vmem>>
        %swap3A_552 = tpu.memref_squeeze %swap3A_551 : memref<1x128x128xf32, #tpu.memory_space<vmem>> -> memref<128x128xf32, #tpu.memory_space<vmem>>
        %swap3A_553 = arith.index_cast %scan3A_405 : i32 to index
        %swap3A_554 = arith.constant 96 : index
        %swap3A_555 = tpu.vector_load %swap3A_552[%swap3A_553, %swap3A_554] {strides = array<i32>} : memref<128x128xf32, #tpu.memory_space<vmem>>, vector<1x16xf32>,
        %swap3A_556 = vector.shape_cast %swap3A_555 : vector<1x16xf32> to vector<16xf32>
        %swap3A_557 = vector.shape_cast %sub3A_548 : vector<16xf32> to vector<1x16xf32>
        tpu.vector_store %swap3A_552[%swap3A_553, %swap3A_554], %swap3A_557 {strides = array<i32>} : memref<128x128xf32, #tpu.memory_space<vmem>>, vector<1x16xf32>,
        %get3A_558 = arith.constant 0 : i32
        %get3A_559 = arith.constant 0 : i32
        %get3A_560 = tpu.memref_slice %arg6[%scan3A_222, %get3A_558, %get3A_559] : memref<2x128x128xf32, #tpu.memory_space<vmem>> -> memref<1x128x128xf32, #tpu.memory_space<vmem>>
        %get3A_561 = tpu.memref_squeeze %get3A_560 : memref<1x128x128xf32, #tpu.memory_space<vmem>> -> memref<128x128xf32, #tpu.memory_space<vmem>>
        %get3A_562 = arith.index_cast %scan3A_405 : i32 to index
        %get3A_563 = arith.constant 112 : index
        %get3A_564 = tpu.vector_load %get3A_561[%get3A_562, %get3A_563] {strides = array<i32>} : memref<128x128xf32, #tpu.memory_space<vmem>>, vector<1x16xf32>,
        %get3A_565 = vector.shape_cast %get3A_564 : vector<1x16xf32> to vector<16xf32>
        %get3A_566 = arith.index_cast %scan3A_405 : i32 to index
        %get3A_567 = arith.constant 112 : index
        %get3A_568 = tpu.vector_load %arg7[%get3A_566, %get3A_567] {strides = array<i32>} : memref<128x128xf32, #tpu.memory_space<vmem>>, vector<1x16xf32>,
        %get3A_569 = vector.shape_cast %get3A_568 : vector<1x16xf32> to vector<16xf32>
        %sub3A_570 = arith.subf %get3A_565, %get3A_569 : vector<16xf32>
        %swap3A_571 = arith.constant 0 : i32
        %swap3A_572 = arith.constant 0 : i32
        %swap3A_573 = tpu.memref_slice %arg8[%scan3A_223, %swap3A_571, %swap3A_572] : memref<2x128x128xf32, #tpu.memory_space<vmem>> -> memref<1x128x128xf32, #tpu.memory_space<vmem>>
        %swap3A_574 = tpu.memref_squeeze %swap3A_573 : memref<1x128x128xf32, #tpu.memory_space<vmem>> -> memref<128x128xf32, #tpu.memory_space<vmem>>
        %swap3A_575 = arith.index_cast %scan3A_405 : i32 to index
        %swap3A_576 = arith.constant 112 : index
        %swap3A_577 = tpu.vector_load %swap3A_574[%swap3A_575, %swap3A_576] {strides = array<i32>} : memref<128x128xf32, #tpu.memory_space<vmem>>, vector<1x16xf32>,
        %swap3A_578 = vector.shape_cast %swap3A_577 : vector<1x16xf32> to vector<16xf32>
        %swap3A_579 = vector.shape_cast %sub3A_570 : vector<16xf32> to vector<1x16xf32>
        tpu.vector_store %swap3A_574[%swap3A_575, %swap3A_576], %swap3A_579 {strides = array<i32>} : memref<128x128xf32, #tpu.memory_space<vmem>>, vector<1x16xf32>,
      }
      %scan3A_228 = arith.constant 128 : i32
      %dma_start3A_229 = arith.constant 1 : i32
      %dma_start3A_230 = arith.constant 0 : i32
      %dma_start3A_231 = arith.constant 0 : i32
      %dma_start3A_232 = tpu.memref_slice %arg6[%dma_start3A_229, %dma_start3A_230, %dma_start3A_231] : memref<2x128x128xf32, #tpu.memory_space<vmem>> -> memref<1x128x128xf32, #tpu.memory_space<vmem>>
      %dma_start3A_233 = tpu.memref_squeeze %dma_start3A_232 : memref<1x128x128xf32, #tpu.memory_space<vmem>> -> memref<128x128xf32, #tpu.memory_space<vmem>>
      %dma_start3A_234 = arith.constant 0 : i32
      %dma_start3A_235 = tpu.memref_slice %arg4[%select_n3A, %mul3A_111, %add3A_189, %dma_start3A_234] : memref<8x2048x16x256xf32, #tpu.memory_space<hbm>> -> memref<1x128x1x128xf32, #tpu.memory_space<hbm>>
      %dma_start3A_236 = tpu.memref_squeeze %dma_start3A_235 : memref<1x128x1x128xf32, #tpu.memory_space<hbm>> -> memref<128x128xf32, #tpu.memory_space<hbm>>
      %dma_start3A_237 = arith.constant 0 : i32
      %dma_start3A_238 = tpu.memref_slice %arg4[%select_n3A, %mul3A_111, %add3A_189, %dma_start3A_237] : memref<8x2048x16x256xf32, #tpu.memory_space<hbm>> -> memref<1x128x1x128xf32, #tpu.memory_space<hbm>>
      %dma_start3A_239 = tpu.memref_squeeze %dma_start3A_238 : memref<1x128x1x128xf32, #tpu.memory_space<hbm>> -> memref<128x128xf32, #tpu.memory_space<hbm>>
      %dma_start3A_240 = arith.constant 0 : i32
      %dma_start3A_241 = arith.constant 0 : i32
      %dma_start3A_242 = tpu.memref_slice %arg6[%dma_start3A_229, %dma_start3A_240, %dma_start3A_241] : memref<2x128x128xf32, #tpu.memory_space<vmem>> -> memref<1x128x128xf32, #tpu.memory_space<vmem>>
      %dma_start3A_243 = tpu.memref_squeeze %dma_start3A_242 : memref<1x128x128xf32, #tpu.memory_space<vmem>> -> memref<128x128xf32, #tpu.memory_space<vmem>>
      tpu.enqueue_dma source(%dma_start3A_243 : memref<128x128xf32, #tpu.memory_space<vmem>>) target(%dma_start3A_239 : memref<128x128xf32, #tpu.memory_space<hbm>>) target_semaphore(%arg11 : memref<!tpu.dma_semaphore, #tpu.memory_space<semaphore_mem>>)
      %dma_start3A_244 = arith.constant 1 : i32
      %dma_start3A_245 = arith.constant 0 : i32
      %dma_start3A_246 = arith.constant 0 : i32
      %dma_start3A_247 = tpu.memref_slice %arg8[%dma_start3A_244, %dma_start3A_245, %dma_start3A_246] : memref<2x128x128xf32, #tpu.memory_space<vmem>> -> memref<1x128x128xf32, #tpu.memory_space<vmem>>
      %dma_start3A_248 = tpu.memref_squeeze %dma_start3A_247 : memref<1x128x128xf32, #tpu.memory_space<vmem>> -> memref<128x128xf32, #tpu.memory_space<vmem>>
      %dma_start3A_249 = arith.constant 128 : i32
      %dma_start3A_250 = tpu.memref_slice %arg4[%select_n3A, %mul3A_111, %add3A_189, %dma_start3A_249] : memref<8x2048x16x256xf32, #tpu.memory_space<hbm>> -> memref<1x128x1x128xf32, #tpu.memory_space<hbm>>
      %dma_start3A_251 = tpu.memref_squeeze %dma_start3A_250 : memref<1x128x1x128xf32, #tpu.memory_space<hbm>> -> memref<128x128xf32, #tpu.memory_space<hbm>>
      %dma_start3A_252 = arith.constant 128 : i32
      %dma_start3A_253 = tpu.memref_slice %arg4[%select_n3A, %mul3A_111, %add3A_189, %dma_start3A_252] : memref<8x2048x16x256xf32, #tpu.memory_space<hbm>> -> memref<1x128x1x128xf32, #tpu.memory_space<hbm>>
      %dma_start3A_254 = tpu.memref_squeeze %dma_start3A_253 : memref<1x128x1x128xf32, #tpu.memory_space<hbm>> -> memref<128x128xf32, #tpu.memory_space<hbm>>
      %dma_start3A_255 = arith.constant 0 : i32
      %dma_start3A_256 = arith.constant 0 : i32
      %dma_start3A_257 = tpu.memref_slice %arg8[%dma_start3A_244, %dma_start3A_255, %dma_start3A_256] : memref<2x128x128xf32, #tpu.memory_space<vmem>> -> memref<1x128x128xf32, #tpu.memory_space<vmem>>
      %dma_start3A_258 = tpu.memref_squeeze %dma_start3A_257 : memref<1x128x128xf32, #tpu.memory_space<vmem>> -> memref<128x128xf32, #tpu.memory_space<vmem>>
      tpu.enqueue_dma source(%dma_start3A_258 : memref<128x128xf32, #tpu.memory_space<vmem>>) target(%dma_start3A_254 : memref<128x128xf32, #tpu.memory_space<hbm>>) target_semaphore(%arg11 : memref<!tpu.dma_semaphore, #tpu.memory_space<semaphore_mem>>)
      %mul3A_259 = arith.constant 4 : i32
      %mul3A_260 = arith.muli %select_n3A_30, %mul3A_259 : i32
      %add3A_261 = arith.constant 2 : i32
      %add3A_262 = arith.addi %mul3A_260, %add3A_261 : i32
      %mul3A_263 = arith.constant 4 : i32
      %mul3A_264 = arith.muli %scan3A_109, %mul3A_263 : i32
      %add3A_265 = arith.constant 2 : i32
      %add3A_266 = arith.addi %mul3A_264, %add3A_265 : i32
      %ge3A_267 = arith.constant 2 : i32
      %ge3A_268 = arith.cmpi sge, %add3A_266, %ge3A_267 : i32
      %convert_element_type3A_269 = arith.extui %ge3A_268 : i1 to i32
      %cond3A_270 = arith.constant 0 : i32
      %cond3A_271 = arith.cmpi ne, %convert_element_type3A_269, %cond3A_270 : i32
      scf.if %cond3A_271 {
        %dma_wait3A_405 = arith.constant 0 : i32
        %dma_wait3A_406 = arith.constant 0 : i32
        %dma_wait3A_407 = arith.constant 0 : i32
        %dma_wait3A_408 = arith.constant 0 : i32
        %dma_wait3A_409 = tpu.memref_slice %arg6[%dma_wait3A_405, %dma_wait3A_407, %dma_wait3A_408] : memref<2x128x128xf32, #tpu.memory_space<vmem>> -> memref<1x128x128xf32, #tpu.memory_space<vmem>>
        %dma_wait3A_410 = tpu.memref_squeeze %dma_wait3A_409 : memref<1x128x128xf32, #tpu.memory_space<vmem>> -> memref<128x128xf32, #tpu.memory_space<vmem>>
        %dma_wait3A_411 = arith.constant 0 : i32
        %dma_wait3A_412 = arith.constant 0 : i32
        %dma_wait3A_413 = tpu.memref_slice %arg4[%select_n3A, %dma_wait3A_411, %dma_wait3A_406, %dma_wait3A_412] : memref<8x2048x16x256xf32, #tpu.memory_space<hbm>> -> memref<1x128x1x128xf32, #tpu.memory_space<hbm>>
        %dma_wait3A_414 = tpu.memref_squeeze %dma_wait3A_413 : memref<1x128x1x128xf32, #tpu.memory_space<hbm>> -> memref<128x128xf32, #tpu.memory_space<hbm>>
        %dma_wait3A_415 = arith.constant 0 : i32
        %dma_wait3A_416 = arith.constant 0 : i32
        %dma_wait3A_417 = tpu.memref_slice %arg4[%select_n3A, %dma_wait3A_415, %dma_wait3A_406, %dma_wait3A_416] : memref<8x2048x16x256xf32, #tpu.memory_space<hbm>> -> memref<1x128x1x128xf32, #tpu.memory_space<hbm>>
        %dma_wait3A_418 = tpu.memref_squeeze %dma_wait3A_417 : memref<1x128x1x128xf32, #tpu.memory_space<hbm>> -> memref<128x128xf32, #tpu.memory_space<hbm>>
        %dma_wait3A_419 = arith.constant 0 : i32
        %dma_wait3A_420 = arith.constant 0 : i32
        %dma_wait3A_421 = tpu.memref_slice %arg6[%dma_wait3A_405, %dma_wait3A_419, %dma_wait3A_420] : memref<2x128x128xf32, #tpu.memory_space<vmem>> -> memref<1x128x128xf32, #tpu.memory_space<vmem>>
        %dma_wait3A_422 = tpu.memref_squeeze %dma_wait3A_421 : memref<1x128x128xf32, #tpu.memory_space<vmem>> -> memref<128x128xf32, #tpu.memory_space<vmem>>
        tpu.wait_dma2 semaphore(%arg10 : memref<!tpu.dma_semaphore, #tpu.memory_space<semaphore_mem>>) src(%dma_wait3A_422 : memref<128x128xf32, #tpu.memory_space<vmem>>) dst(%dma_wait3A_418 : memref<128x128xf32, #tpu.memory_space<hbm>>)
        %dma_wait3A_423 = arith.constant 0 : i32
        %dma_wait3A_424 = arith.constant 0 : i32
        %dma_wait3A_425 = arith.constant 0 : i32
        %dma_wait3A_426 = arith.constant 0 : i32
        %dma_wait3A_427 = tpu.memref_slice %arg8[%dma_wait3A_423, %dma_wait3A_425, %dma_wait3A_426] : memref<2x128x128xf32, #tpu.memory_space<vmem>> -> memref<1x128x128xf32, #tpu.memory_space<vmem>>
        %dma_wait3A_428 = tpu.memref_squeeze %dma_wait3A_427 : memref<1x128x128xf32, #tpu.memory_space<vmem>> -> memref<128x128xf32, #tpu.memory_space<vmem>>
        %dma_wait3A_429 = arith.constant 0 : i32
        %dma_wait3A_430 = arith.constant 128 : i32
        %dma_wait3A_431 = tpu.memref_slice %arg4[%select_n3A, %dma_wait3A_429, %dma_wait3A_424, %dma_wait3A_430] : memref<8x2048x16x256xf32, #tpu.memory_space<hbm>> -> memref<1x128x1x128xf32, #tpu.memory_space<hbm>>
        %dma_wait3A_432 = tpu.memref_squeeze %dma_wait3A_431 : memref<1x128x1x128xf32, #tpu.memory_space<hbm>> -> memref<128x128xf32, #tpu.memory_space<hbm>>
        %dma_wait3A_433 = arith.constant 0 : i32
        %dma_wait3A_434 = arith.constant 128 : i32
        %dma_wait3A_435 = tpu.memref_slice %arg4[%select_n3A, %dma_wait3A_433, %dma_wait3A_424, %dma_wait3A_434] : memref<8x2048x16x256xf32, #tpu.memory_space<hbm>> -> memref<1x128x1x128xf32, #tpu.memory_space<hbm>>
        %dma_wait3A_436 = tpu.memref_squeeze %dma_wait3A_435 : memref<1x128x1x128xf32, #tpu.memory_space<hbm>> -> memref<128x128xf32, #tpu.memory_space<hbm>>
        %dma_wait3A_437 = arith.constant 0 : i32
        %dma_wait3A_438 = arith.constant 0 : i32
        %dma_wait3A_439 = tpu.memref_slice %arg8[%dma_wait3A_423, %dma_wait3A_437, %dma_wait3A_438] : memref<2x128x128xf32, #tpu.memory_space<vmem>> -> memref<1x128x128xf32, #tpu.memory_space<vmem>>
        %dma_wait3A_440 = tpu.memref_squeeze %dma_wait3A_439 : memref<1x128x128xf32, #tpu.memory_space<vmem>> -> memref<128x128xf32, #tpu.memory_space<vmem>>
        tpu.wait_dma2 semaphore(%arg10 : memref<!tpu.dma_semaphore, #tpu.memory_space<semaphore_mem>>) src(%dma_wait3A_440 : memref<128x128xf32, #tpu.memory_space<vmem>>) dst(%dma_wait3A_436 : memref<128x128xf32, #tpu.memory_space<hbm>>)
      } else {
      }
      %dma_start3A_272 = arith.constant 2 : i32
      %dma_start3A_273 = arith.constant 0 : i32
      %dma_start3A_274 = arith.constant 0 : i32
      %dma_start3A_275 = arith.constant 0 : i32
      %dma_start3A_276 = tpu.memref_slice %arg6[%dma_start3A_273, %dma_start3A_274, %dma_start3A_275] : memref<2x128x128xf32, #tpu.memory_space<vmem>> -> memref<1x128x128xf32, #tpu.memory_space<vmem>>
      %dma_start3A_277 = tpu.memref_squeeze %dma_start3A_276 : memref<1x128x128xf32, #tpu.memory_space<vmem>> -> memref<128x128xf32, #tpu.memory_space<vmem>>
      %dma_start3A_278 = tpu.memref_slice %arg5[%dma_start3A_272, %mul3A_111] : memref<4x2048xi32, #tpu.memory_space<vmem>> -> memref<1x128xi32, #tpu.memory_space<vmem>>
      %dma_start3A_279 = tpu.memref_squeeze %dma_start3A_278 : memref<1x128xi32, #tpu.memory_space<vmem>> -> memref<128xi32, #tpu.memory_space<vmem>>
      %dma_start3A_280 = arith.constant 0 : i32
      %dma_start3A_281 = arith.constant 0 : i32
      %dma_start3A_282 = tpu.memref_slice %arg2[%dma_start3A_280, %dma_start3A_281] : memref<16384x128xf32, #tpu.memory_space<hbm>> -> memref<16384x128xf32, #tpu.memory_space<hbm>>
      tpu.enqueue_indirect_dma source(%dma_start3A_282 : memref<16384x128xf32, #tpu.memory_space<hbm>>) target(%dma_start3A_277 : memref<128x128xf32, #tpu.memory_space<vmem>>) offsets(%dma_start3A_279 : memref<128xi32, #tpu.memory_space<vmem>>) semaphore(%arg9 : memref<!tpu.dma_semaphore, #tpu.memory_space<semaphore_mem>>)
      %dma_wait3A_283 = arith.constant 2 : i32
      %dma_wait3A_284 = arith.constant 0 : i32
      %dma_wait3A_285 = arith.constant 0 : i32
      %dma_wait3A_286 = arith.constant 0 : i32
      %dma_wait3A_287 = tpu.memref_slice %arg6[%dma_wait3A_284, %dma_wait3A_285, %dma_wait3A_286] : memref<2x128x128xf32, #tpu.memory_space<vmem>> -> memref<1x128x128xf32, #tpu.memory_space<vmem>>
      %dma_wait3A_288 = tpu.memref_squeeze %dma_wait3A_287 : memref<1x128x128xf32, #tpu.memory_space<vmem>> -> memref<128x128xf32, #tpu.memory_space<vmem>>
      %dma_wait3A_289 = tpu.memref_slice %arg5[%dma_wait3A_283, %mul3A_111] : memref<4x2048xi32, #tpu.memory_space<vmem>> -> memref<1x128xi32, #tpu.memory_space<vmem>>
      %dma_wait3A_290 = tpu.memref_squeeze %dma_wait3A_289 : memref<1x128xi32, #tpu.memory_space<vmem>> -> memref<128xi32, #tpu.memory_space<vmem>>
      %dma_wait3A_291 = arith.constant 0 : i32
      %dma_wait3A_292 = arith.constant 0 : i32
      %dma_wait3A_293 = tpu.memref_slice %arg2[%dma_wait3A_291, %dma_wait3A_292] : memref<16384x128xf32, #tpu.memory_space<hbm>> -> memref<16384x128xf32, #tpu.memory_space<hbm>>
      tpu.wait_indirect_dma semaphore(%arg9 : memref<!tpu.dma_semaphore, #tpu.memory_space<semaphore_mem>>) src(%dma_wait3A_293 : memref<16384x128xf32, #tpu.memory_space<hbm>>) dst(%dma_wait3A_288 : memref<128x128xf32, #tpu.memory_space<vmem>>)
      %scan3A_294 = arith.constant 0 : i32
      %scan3A_295 = arith.constant 0 : i32
      %scan3A_296 = arith.constant 0 : i32
      %scan3A_297 = arith.constant 0 : i32
      %scan3A_298 = arith.constant 128 : i32
      %scan3A_299 = arith.addi %scan3A_297, %scan3A_298 : i32
      %scan3A_300 = arith.constant 1 : i32
      scf.for %scan3A_405 = %scan3A_297 to %scan3A_299 step %scan3A_300  : i32 {
        %get3A = arith.constant 0 : i32
        %get3A_406 = arith.constant 0 : i32
        %get3A_407 = tpu.memref_slice %arg6[%scan3A_295, %get3A, %get3A_406] : memref<2x128x128xf32, #tpu.memory_space<vmem>> -> memref<1x128x128xf32, #tpu.memory_space<vmem>>
        %get3A_408 = tpu.memref_squeeze %get3A_407 : memref<1x128x128xf32, #tpu.memory_space<vmem>> -> memref<128x128xf32, #tpu.memory_space<vmem>>
        %get3A_409 = arith.index_cast %scan3A_405 : i32 to index
        %get3A_410 = arith.constant 0 : index
        %get3A_411 = tpu.vector_load %get3A_408[%get3A_409, %get3A_410] {strides = array<i32>} : memref<128x128xf32, #tpu.memory_space<vmem>>, vector<1x16xf32>,
        %get3A_412 = vector.shape_cast %get3A_411 : vector<1x16xf32> to vector<16xf32>
        %get3A_413 = arith.index_cast %scan3A_405 : i32 to index
        %get3A_414 = arith.constant 0 : index
        %get3A_415 = tpu.vector_load %arg7[%get3A_413, %get3A_414] {strides = array<i32>} : memref<128x128xf32, #tpu.memory_space<vmem>>, vector<1x16xf32>,
        %get3A_416 = vector.shape_cast %get3A_415 : vector<1x16xf32> to vector<16xf32>
        %sub3A_417 = arith.subf %get3A_412, %get3A_416 : vector<16xf32>
        %swap3A = arith.constant 0 : i32
        %swap3A_418 = arith.constant 0 : i32
        %swap3A_419 = tpu.memref_slice %arg8[%scan3A_296, %swap3A, %swap3A_418] : memref<2x128x128xf32, #tpu.memory_space<vmem>> -> memref<1x128x128xf32, #tpu.memory_space<vmem>>
        %swap3A_420 = tpu.memref_squeeze %swap3A_419 : memref<1x128x128xf32, #tpu.memory_space<vmem>> -> memref<128x128xf32, #tpu.memory_space<vmem>>
        %swap3A_421 = arith.index_cast %scan3A_405 : i32 to index
        %swap3A_422 = arith.constant 0 : index
        %swap3A_423 = tpu.vector_load %swap3A_420[%swap3A_421, %swap3A_422] {strides = array<i32>} : memref<128x128xf32, #tpu.memory_space<vmem>>, vector<1x16xf32>,
        %swap3A_424 = vector.shape_cast %swap3A_423 : vector<1x16xf32> to vector<16xf32>
        %swap3A_425 = vector.shape_cast %sub3A_417 : vector<16xf32> to vector<1x16xf32>
        tpu.vector_store %swap3A_420[%swap3A_421, %swap3A_422], %swap3A_425 {strides = array<i32>} : memref<128x128xf32, #tpu.memory_space<vmem>>, vector<1x16xf32>,
        %get3A_426 = arith.constant 0 : i32
        %get3A_427 = arith.constant 0 : i32
        %get3A_428 = tpu.memref_slice %arg6[%scan3A_295, %get3A_426, %get3A_427] : memref<2x128x128xf32, #tpu.memory_space<vmem>> -> memref<1x128x128xf32, #tpu.memory_space<vmem>>
        %get3A_429 = tpu.memref_squeeze %get3A_428 : memref<1x128x128xf32, #tpu.memory_space<vmem>> -> memref<128x128xf32, #tpu.memory_space<vmem>>
        %get3A_430 = arith.index_cast %scan3A_405 : i32 to index
        %get3A_431 = arith.constant 16 : index
        %get3A_432 = tpu.vector_load %get3A_429[%get3A_430, %get3A_431] {strides = array<i32>} : memref<128x128xf32, #tpu.memory_space<vmem>>, vector<1x16xf32>,
        %get3A_433 = vector.shape_cast %get3A_432 : vector<1x16xf32> to vector<16xf32>
        %get3A_434 = arith.index_cast %scan3A_405 : i32 to index
        %get3A_435 = arith.constant 16 : index
        %get3A_436 = tpu.vector_load %arg7[%get3A_434, %get3A_435] {strides = array<i32>} : memref<128x128xf32, #tpu.memory_space<vmem>>, vector<1x16xf32>,
        %get3A_437 = vector.shape_cast %get3A_436 : vector<1x16xf32> to vector<16xf32>
        %sub3A_438 = arith.subf %get3A_433, %get3A_437 : vector<16xf32>
        %swap3A_439 = arith.constant 0 : i32
        %swap3A_440 = arith.constant 0 : i32
        %swap3A_441 = tpu.memref_slice %arg8[%scan3A_296, %swap3A_439, %swap3A_440] : memref<2x128x128xf32, #tpu.memory_space<vmem>> -> memref<1x128x128xf32, #tpu.memory_space<vmem>>
        %swap3A_442 = tpu.memref_squeeze %swap3A_441 : memref<1x128x128xf32, #tpu.memory_space<vmem>> -> memref<128x128xf32, #tpu.memory_space<vmem>>
        %swap3A_443 = arith.index_cast %scan3A_405 : i32 to index
        %swap3A_444 = arith.constant 16 : index
        %swap3A_445 = tpu.vector_load %swap3A_442[%swap3A_443, %swap3A_444] {strides = array<i32>} : memref<128x128xf32, #tpu.memory_space<vmem>>, vector<1x16xf32>,
        %swap3A_446 = vector.shape_cast %swap3A_445 : vector<1x16xf32> to vector<16xf32>
        %swap3A_447 = vector.shape_cast %sub3A_438 : vector<16xf32> to vector<1x16xf32>
        tpu.vector_store %swap3A_442[%swap3A_443, %swap3A_444], %swap3A_447 {strides = array<i32>} : memref<128x128xf32, #tpu.memory_space<vmem>>, vector<1x16xf32>,
        %get3A_448 = arith.constant 0 : i32
        %get3A_449 = arith.constant 0 : i32
        %get3A_450 = tpu.memref_slice %arg6[%scan3A_295, %get3A_448, %get3A_449] : memref<2x128x128xf32, #tpu.memory_space<vmem>> -> memref<1x128x128xf32, #tpu.memory_space<vmem>>
        %get3A_451 = tpu.memref_squeeze %get3A_450 : memref<1x128x128xf32, #tpu.memory_space<vmem>> -> memref<128x128xf32, #tpu.memory_space<vmem>>
        %get3A_452 = arith.index_cast %scan3A_405 : i32 to index
        %get3A_453 = arith.constant 32 : index
        %get3A_454 = tpu.vector_load %get3A_451[%get3A_452, %get3A_453] {strides = array<i32>} : memref<128x128xf32, #tpu.memory_space<vmem>>, vector<1x16xf32>,
        %get3A_455 = vector.shape_cast %get3A_454 : vector<1x16xf32> to vector<16xf32>
        %get3A_456 = arith.index_cast %scan3A_405 : i32 to index
        %get3A_457 = arith.constant 32 : index
        %get3A_458 = tpu.vector_load %arg7[%get3A_456, %get3A_457] {strides = array<i32>} : memref<128x128xf32, #tpu.memory_space<vmem>>, vector<1x16xf32>,
        %get3A_459 = vector.shape_cast %get3A_458 : vector<1x16xf32> to vector<16xf32>
        %sub3A_460 = arith.subf %get3A_455, %get3A_459 : vector<16xf32>
        %swap3A_461 = arith.constant 0 : i32
        %swap3A_462 = arith.constant 0 : i32
        %swap3A_463 = tpu.memref_slice %arg8[%scan3A_296, %swap3A_461, %swap3A_462] : memref<2x128x128xf32, #tpu.memory_space<vmem>> -> memref<1x128x128xf32, #tpu.memory_space<vmem>>
        %swap3A_464 = tpu.memref_squeeze %swap3A_463 : memref<1x128x128xf32, #tpu.memory_space<vmem>> -> memref<128x128xf32, #tpu.memory_space<vmem>>
        %swap3A_465 = arith.index_cast %scan3A_405 : i32 to index
        %swap3A_466 = arith.constant 32 : index
        %swap3A_467 = tpu.vector_load %swap3A_464[%swap3A_465, %swap3A_466] {strides = array<i32>} : memref<128x128xf32, #tpu.memory_space<vmem>>, vector<1x16xf32>,
        %swap3A_468 = vector.shape_cast %swap3A_467 : vector<1x16xf32> to vector<16xf32>
        %swap3A_469 = vector.shape_cast %sub3A_460 : vector<16xf32> to vector<1x16xf32>
        tpu.vector_store %swap3A_464[%swap3A_465, %swap3A_466], %swap3A_469 {strides = array<i32>} : memref<128x128xf32, #tpu.memory_space<vmem>>, vector<1x16xf32>,
        %get3A_470 = arith.constant 0 : i32
        %get3A_471 = arith.constant 0 : i32
        %get3A_472 = tpu.memref_slice %arg6[%scan3A_295, %get3A_470, %get3A_471] : memref<2x128x128xf32, #tpu.memory_space<vmem>> -> memref<1x128x128xf32, #tpu.memory_space<vmem>>
        %get3A_473 = tpu.memref_squeeze %get3A_472 : memref<1x128x128xf32, #tpu.memory_space<vmem>> -> memref<128x128xf32, #tpu.memory_space<vmem>>
        %get3A_474 = arith.index_cast %scan3A_405 : i32 to index
        %get3A_475 = arith.constant 48 : index
        %get3A_476 = tpu.vector_load %get3A_473[%get3A_474, %get3A_475] {strides = array<i32>} : memref<128x128xf32, #tpu.memory_space<vmem>>, vector<1x16xf32>,
        %get3A_477 = vector.shape_cast %get3A_476 : vector<1x16xf32> to vector<16xf32>
        %get3A_478 = arith.index_cast %scan3A_405 : i32 to index
        %get3A_479 = arith.constant 48 : index
        %get3A_480 = tpu.vector_load %arg7[%get3A_478, %get3A_479] {strides = array<i32>} : memref<128x128xf32, #tpu.memory_space<vmem>>, vector<1x16xf32>,
        %get3A_481 = vector.shape_cast %get3A_480 : vector<1x16xf32> to vector<16xf32>
        %sub3A_482 = arith.subf %get3A_477, %get3A_481 : vector<16xf32>
        %swap3A_483 = arith.constant 0 : i32
        %swap3A_484 = arith.constant 0 : i32
        %swap3A_485 = tpu.memref_slice %arg8[%scan3A_296, %swap3A_483, %swap3A_484] : memref<2x128x128xf32, #tpu.memory_space<vmem>> -> memref<1x128x128xf32, #tpu.memory_space<vmem>>
        %swap3A_486 = tpu.memref_squeeze %swap3A_485 : memref<1x128x128xf32, #tpu.memory_space<vmem>> -> memref<128x128xf32, #tpu.memory_space<vmem>>
        %swap3A_487 = arith.index_cast %scan3A_405 : i32 to index
        %swap3A_488 = arith.constant 48 : index
        %swap3A_489 = tpu.vector_load %swap3A_486[%swap3A_487, %swap3A_488] {strides = array<i32>} : memref<128x128xf32, #tpu.memory_space<vmem>>, vector<1x16xf32>,
        %swap3A_490 = vector.shape_cast %swap3A_489 : vector<1x16xf32> to vector<16xf32>
        %swap3A_491 = vector.shape_cast %sub3A_482 : vector<16xf32> to vector<1x16xf32>
        tpu.vector_store %swap3A_486[%swap3A_487, %swap3A_488], %swap3A_491 {strides = array<i32>} : memref<128x128xf32, #tpu.memory_space<vmem>>, vector<1x16xf32>,
        %get3A_492 = arith.constant 0 : i32
        %get3A_493 = arith.constant 0 : i32
        %get3A_494 = tpu.memref_slice %arg6[%scan3A_295, %get3A_492, %get3A_493] : memref<2x128x128xf32, #tpu.memory_space<vmem>> -> memref<1x128x128xf32, #tpu.memory_space<vmem>>
        %get3A_495 = tpu.memref_squeeze %get3A_494 : memref<1x128x128xf32, #tpu.memory_space<vmem>> -> memref<128x128xf32, #tpu.memory_space<vmem>>
        %get3A_496 = arith.index_cast %scan3A_405 : i32 to index
        %get3A_497 = arith.constant 64 : index
        %get3A_498 = tpu.vector_load %get3A_495[%get3A_496, %get3A_497] {strides = array<i32>} : memref<128x128xf32, #tpu.memory_space<vmem>>, vector<1x16xf32>,
        %get3A_499 = vector.shape_cast %get3A_498 : vector<1x16xf32> to vector<16xf32>
        %get3A_500 = arith.index_cast %scan3A_405 : i32 to index
        %get3A_501 = arith.constant 64 : index
        %get3A_502 = tpu.vector_load %arg7[%get3A_500, %get3A_501] {strides = array<i32>} : memref<128x128xf32, #tpu.memory_space<vmem>>, vector<1x16xf32>,
        %get3A_503 = vector.shape_cast %get3A_502 : vector<1x16xf32> to vector<16xf32>
        %sub3A_504 = arith.subf %get3A_499, %get3A_503 : vector<16xf32>
        %swap3A_505 = arith.constant 0 : i32
        %swap3A_506 = arith.constant 0 : i32
        %swap3A_507 = tpu.memref_slice %arg8[%scan3A_296, %swap3A_505, %swap3A_506] : memref<2x128x128xf32, #tpu.memory_space<vmem>> -> memref<1x128x128xf32, #tpu.memory_space<vmem>>
        %swap3A_508 = tpu.memref_squeeze %swap3A_507 : memref<1x128x128xf32, #tpu.memory_space<vmem>> -> memref<128x128xf32, #tpu.memory_space<vmem>>
        %swap3A_509 = arith.index_cast %scan3A_405 : i32 to index
        %swap3A_510 = arith.constant 64 : index
        %swap3A_511 = tpu.vector_load %swap3A_508[%swap3A_509, %swap3A_510] {strides = array<i32>} : memref<128x128xf32, #tpu.memory_space<vmem>>, vector<1x16xf32>,
        %swap3A_512 = vector.shape_cast %swap3A_511 : vector<1x16xf32> to vector<16xf32>
        %swap3A_513 = vector.shape_cast %sub3A_504 : vector<16xf32> to vector<1x16xf32>
        tpu.vector_store %swap3A_508[%swap3A_509, %swap3A_510], %swap3A_513 {strides = array<i32>} : memref<128x128xf32, #tpu.memory_space<vmem>>, vector<1x16xf32>,
        %get3A_514 = arith.constant 0 : i32
        %get3A_515 = arith.constant 0 : i32
        %get3A_516 = tpu.memref_slice %arg6[%scan3A_295, %get3A_514, %get3A_515] : memref<2x128x128xf32, #tpu.memory_space<vmem>> -> memref<1x128x128xf32, #tpu.memory_space<vmem>>
        %get3A_517 = tpu.memref_squeeze %get3A_516 : memref<1x128x128xf32, #tpu.memory_space<vmem>> -> memref<128x128xf32, #tpu.memory_space<vmem>>
        %get3A_518 = arith.index_cast %scan3A_405 : i32 to index
        %get3A_519 = arith.constant 80 : index
        %get3A_520 = tpu.vector_load %get3A_517[%get3A_518, %get3A_519] {strides = array<i32>} : memref<128x128xf32, #tpu.memory_space<vmem>>, vector<1x16xf32>,
        %get3A_521 = vector.shape_cast %get3A_520 : vector<1x16xf32> to vector<16xf32>
        %get3A_522 = arith.index_cast %scan3A_405 : i32 to index
        %get3A_523 = arith.constant 80 : index
        %get3A_524 = tpu.vector_load %arg7[%get3A_522, %get3A_523] {strides = array<i32>} : memref<128x128xf32, #tpu.memory_space<vmem>>, vector<1x16xf32>,
        %get3A_525 = vector.shape_cast %get3A_524 : vector<1x16xf32> to vector<16xf32>
        %sub3A_526 = arith.subf %get3A_521, %get3A_525 : vector<16xf32>
        %swap3A_527 = arith.constant 0 : i32
        %swap3A_528 = arith.constant 0 : i32
        %swap3A_529 = tpu.memref_slice %arg8[%scan3A_296, %swap3A_527, %swap3A_528] : memref<2x128x128xf32, #tpu.memory_space<vmem>> -> memref<1x128x128xf32, #tpu.memory_space<vmem>>
        %swap3A_530 = tpu.memref_squeeze %swap3A_529 : memref<1x128x128xf32, #tpu.memory_space<vmem>> -> memref<128x128xf32, #tpu.memory_space<vmem>>
        %swap3A_531 = arith.index_cast %scan3A_405 : i32 to index
        %swap3A_532 = arith.constant 80 : index
        %swap3A_533 = tpu.vector_load %swap3A_530[%swap3A_531, %swap3A_532] {strides = array<i32>} : memref<128x128xf32, #tpu.memory_space<vmem>>, vector<1x16xf32>,
        %swap3A_534 = vector.shape_cast %swap3A_533 : vector<1x16xf32> to vector<16xf32>
        %swap3A_535 = vector.shape_cast %sub3A_526 : vector<16xf32> to vector<1x16xf32>
        tpu.vector_store %swap3A_530[%swap3A_531, %swap3A_532], %swap3A_535 {strides = array<i32>} : memref<128x128xf32, #tpu.memory_space<vmem>>, vector<1x16xf32>,
        %get3A_536 = arith.constant 0 : i32
        %get3A_537 = arith.constant 0 : i32
        %get3A_538 = tpu.memref_slice %arg6[%scan3A_295, %get3A_536, %get3A_537] : memref<2x128x128xf32, #tpu.memory_space<vmem>> -> memref<1x128x128xf32, #tpu.memory_space<vmem>>
        %get3A_539 = tpu.memref_squeeze %get3A_538 : memref<1x128x128xf32, #tpu.memory_space<vmem>> -> memref<128x128xf32, #tpu.memory_space<vmem>>
        %get3A_540 = arith.index_cast %scan3A_405 : i32 to index
        %get3A_541 = arith.constant 96 : index
        %get3A_542 = tpu.vector_load %get3A_539[%get3A_540, %get3A_541] {strides = array<i32>} : memref<128x128xf32, #tpu.memory_space<vmem>>, vector<1x16xf32>,
        %get3A_543 = vector.shape_cast %get3A_542 : vector<1x16xf32> to vector<16xf32>
        %get3A_544 = arith.index_cast %scan3A_405 : i32 to index
        %get3A_545 = arith.constant 96 : index
        %get3A_546 = tpu.vector_load %arg7[%get3A_544, %get3A_545] {strides = array<i32>} : memref<128x128xf32, #tpu.memory_space<vmem>>, vector<1x16xf32>,
        %get3A_547 = vector.shape_cast %get3A_546 : vector<1x16xf32> to vector<16xf32>
        %sub3A_548 = arith.subf %get3A_543, %get3A_547 : vector<16xf32>
        %swap3A_549 = arith.constant 0 : i32
        %swap3A_550 = arith.constant 0 : i32
        %swap3A_551 = tpu.memref_slice %arg8[%scan3A_296, %swap3A_549, %swap3A_550] : memref<2x128x128xf32, #tpu.memory_space<vmem>> -> memref<1x128x128xf32, #tpu.memory_space<vmem>>
        %swap3A_552 = tpu.memref_squeeze %swap3A_551 : memref<1x128x128xf32, #tpu.memory_space<vmem>> -> memref<128x128xf32, #tpu.memory_space<vmem>>
        %swap3A_553 = arith.index_cast %scan3A_405 : i32 to index
        %swap3A_554 = arith.constant 96 : index
        %swap3A_555 = tpu.vector_load %swap3A_552[%swap3A_553, %swap3A_554] {strides = array<i32>} : memref<128x128xf32, #tpu.memory_space<vmem>>, vector<1x16xf32>,
        %swap3A_556 = vector.shape_cast %swap3A_555 : vector<1x16xf32> to vector<16xf32>
        %swap3A_557 = vector.shape_cast %sub3A_548 : vector<16xf32> to vector<1x16xf32>
        tpu.vector_store %swap3A_552[%swap3A_553, %swap3A_554], %swap3A_557 {strides = array<i32>} : memref<128x128xf32, #tpu.memory_space<vmem>>, vector<1x16xf32>,
        %get3A_558 = arith.constant 0 : i32
        %get3A_559 = arith.constant 0 : i32
        %get3A_560 = tpu.memref_slice %arg6[%scan3A_295, %get3A_558, %get3A_559] : memref<2x128x128xf32, #tpu.memory_space<vmem>> -> memref<1x128x128xf32, #tpu.memory_space<vmem>>
        %get3A_561 = tpu.memref_squeeze %get3A_560 : memref<1x128x128xf32, #tpu.memory_space<vmem>> -> memref<128x128xf32, #tpu.memory_space<vmem>>
        %get3A_562 = arith.index_cast %scan3A_405 : i32 to index
        %get3A_563 = arith.constant 112 : index
        %get3A_564 = tpu.vector_load %get3A_561[%get3A_562, %get3A_563] {strides = array<i32>} : memref<128x128xf32, #tpu.memory_space<vmem>>, vector<1x16xf32>,
        %get3A_565 = vector.shape_cast %get3A_564 : vector<1x16xf32> to vector<16xf32>
        %get3A_566 = arith.index_cast %scan3A_405 : i32 to index
        %get3A_567 = arith.constant 112 : index
        %get3A_568 = tpu.vector_load %arg7[%get3A_566, %get3A_567] {strides = array<i32>} : memref<128x128xf32, #tpu.memory_space<vmem>>, vector<1x16xf32>,
        %get3A_569 = vector.shape_cast %get3A_568 : vector<1x16xf32> to vector<16xf32>
        %sub3A_570 = arith.subf %get3A_565, %get3A_569 : vector<16xf32>
        %swap3A_571 = arith.constant 0 : i32
        %swap3A_572 = arith.constant 0 : i32
        %swap3A_573 = tpu.memref_slice %arg8[%scan3A_296, %swap3A_571, %swap3A_572] : memref<2x128x128xf32, #tpu.memory_space<vmem>> -> memref<1x128x128xf32, #tpu.memory_space<vmem>>
        %swap3A_574 = tpu.memref_squeeze %swap3A_573 : memref<1x128x128xf32, #tpu.memory_space<vmem>> -> memref<128x128xf32, #tpu.memory_space<vmem>>
        %swap3A_575 = arith.index_cast %scan3A_405 : i32 to index
        %swap3A_576 = arith.constant 112 : index
        %swap3A_577 = tpu.vector_load %swap3A_574[%swap3A_575, %swap3A_576] {strides = array<i32>} : memref<128x128xf32, #tpu.memory_space<vmem>>, vector<1x16xf32>,
        %swap3A_578 = vector.shape_cast %swap3A_577 : vector<1x16xf32> to vector<16xf32>
        %swap3A_579 = vector.shape_cast %sub3A_570 : vector<16xf32> to vector<1x16xf32>
        tpu.vector_store %swap3A_574[%swap3A_575, %swap3A_576], %swap3A_579 {strides = array<i32>} : memref<128x128xf32, #tpu.memory_space<vmem>>, vector<1x16xf32>,
      }
      %scan3A_301 = arith.constant 128 : i32
      %dma_start3A_302 = arith.constant 0 : i32
      %dma_start3A_303 = arith.constant 0 : i32
      %dma_start3A_304 = arith.constant 0 : i32
      %dma_start3A_305 = tpu.memref_slice %arg6[%dma_start3A_302, %dma_start3A_303, %dma_start3A_304] : memref<2x128x128xf32, #tpu.memory_space<vmem>> -> memref<1x128x128xf32, #tpu.memory_space<vmem>>
      %dma_start3A_306 = tpu.memref_squeeze %dma_start3A_305 : memref<1x128x128xf32, #tpu.memory_space<vmem>> -> memref<128x128xf32, #tpu.memory_space<vmem>>
      %dma_start3A_307 = arith.constant 0 : i32
      %dma_start3A_308 = tpu.memref_slice %arg4[%select_n3A, %mul3A_111, %add3A_262, %dma_start3A_307] : memref<8x2048x16x256xf32, #tpu.memory_space<hbm>> -> memref<1x128x1x128xf32, #tpu.memory_space<hbm>>
      %dma_start3A_309 = tpu.memref_squeeze %dma_start3A_308 : memref<1x128x1x128xf32, #tpu.memory_space<hbm>> -> memref<128x128xf32, #tpu.memory_space<hbm>>
      %dma_start3A_310 = arith.constant 0 : i32
      %dma_start3A_311 = tpu.memref_slice %arg4[%select_n3A, %mul3A_111, %add3A_262, %dma_start3A_310] : memref<8x2048x16x256xf32, #tpu.memory_space<hbm>> -> memref<1x128x1x128xf32, #tpu.memory_space<hbm>>
      %dma_start3A_312 = tpu.memref_squeeze %dma_start3A_311 : memref<1x128x1x128xf32, #tpu.memory_space<hbm>> -> memref<128x128xf32, #tpu.memory_space<hbm>>
      %dma_start3A_313 = arith.constant 0 : i32
      %dma_start3A_314 = arith.constant 0 : i32
      %dma_start3A_315 = tpu.memref_slice %arg6[%dma_start3A_302, %dma_start3A_313, %dma_start3A_314] : memref<2x128x128xf32, #tpu.memory_space<vmem>> -> memref<1x128x128xf32, #tpu.memory_space<vmem>>
      %dma_start3A_316 = tpu.memref_squeeze %dma_start3A_315 : memref<1x128x128xf32, #tpu.memory_space<vmem>> -> memref<128x128xf32, #tpu.memory_space<vmem>>
      tpu.enqueue_dma source(%dma_start3A_316 : memref<128x128xf32, #tpu.memory_space<vmem>>) target(%dma_start3A_312 : memref<128x128xf32, #tpu.memory_space<hbm>>) target_semaphore(%arg10 : memref<!tpu.dma_semaphore, #tpu.memory_space<semaphore_mem>>)
      %dma_start3A_317 = arith.constant 0 : i32
      %dma_start3A_318 = arith.constant 0 : i32
      %dma_start3A_319 = arith.constant 0 : i32
      %dma_start3A_320 = tpu.memref_slice %arg8[%dma_start3A_317, %dma_start3A_318, %dma_start3A_319] : memref<2x128x128xf32, #tpu.memory_space<vmem>> -> memref<1x128x128xf32, #tpu.memory_space<vmem>>
      %dma_start3A_321 = tpu.memref_squeeze %dma_start3A_320 : memref<1x128x128xf32, #tpu.memory_space<vmem>> -> memref<128x128xf32, #tpu.memory_space<vmem>>
      %dma_start3A_322 = arith.constant 128 : i32
      %dma_start3A_323 = tpu.memref_slice %arg4[%select_n3A, %mul3A_111, %add3A_262, %dma_start3A_322] : memref<8x2048x16x256xf32, #tpu.memory_space<hbm>> -> memref<1x128x1x128xf32, #tpu.memory_space<hbm>>
      %dma_start3A_324 = tpu.memref_squeeze %dma_start3A_323 : memref<1x128x1x128xf32, #tpu.memory_space<hbm>> -> memref<128x128xf32, #tpu.memory_space<hbm>>
      %dma_start3A_325 = arith.constant 128 : i32
      %dma_start3A_326 = tpu.memref_slice %arg4[%select_n3A, %mul3A_111, %add3A_262, %dma_start3A_325] : memref<8x2048x16x256xf32, #tpu.memory_space<hbm>> -> memref<1x128x1x128xf32, #tpu.memory_space<hbm>>
      %dma_start3A_327 = tpu.memref_squeeze %dma_start3A_326 : memref<1x128x1x128xf32, #tpu.memory_space<hbm>> -> memref<128x128xf32, #tpu.memory_space<hbm>>
      %dma_start3A_328 = arith.constant 0 : i32
      %dma_start3A_329 = arith.constant 0 : i32
      %dma_start3A_330 = tpu.memref_slice %arg8[%dma_start3A_317, %dma_start3A_328, %dma_start3A_329] : memref<2x128x128xf32, #tpu.memory_space<vmem>> -> memref<1x128x128xf32, #tpu.memory_space<vmem>>
      %dma_start3A_331 = tpu.memref_squeeze %dma_start3A_330 : memref<1x128x128xf32, #tpu.memory_space<vmem>> -> memref<128x128xf32, #tpu.memory_space<vmem>>
      tpu.enqueue_dma source(%dma_start3A_331 : memref<128x128xf32, #tpu.memory_space<vmem>>) target(%dma_start3A_327 : memref<128x128xf32, #tpu.memory_space<hbm>>) target_semaphore(%arg10 : memref<!tpu.dma_semaphore, #tpu.memory_space<semaphore_mem>>)
      %mul3A_332 = arith.constant 4 : i32
      %mul3A_333 = arith.muli %select_n3A_30, %mul3A_332 : i32
      %add3A_334 = arith.constant 3 : i32
      %add3A_335 = arith.addi %mul3A_333, %add3A_334 : i32
      %mul3A_336 = arith.constant 4 : i32
      %mul3A_337 = arith.muli %scan3A_109, %mul3A_336 : i32
      %add3A_338 = arith.constant 3 : i32
      %add3A_339 = arith.addi %mul3A_337, %add3A_338 : i32
      %ge3A_340 = arith.constant 2 : i32
      %ge3A_341 = arith.cmpi sge, %add3A_339, %ge3A_340 : i32
      %convert_element_type3A_342 = arith.extui %ge3A_341 : i1 to i32
      %cond3A_343 = arith.constant 0 : i32
      %cond3A_344 = arith.cmpi ne, %convert_element_type3A_342, %cond3A_343 : i32
      scf.if %cond3A_344 {
        %dma_wait3A_405 = arith.constant 1 : i32
        %dma_wait3A_406 = arith.constant 0 : i32
        %dma_wait3A_407 = arith.constant 0 : i32
        %dma_wait3A_408 = arith.constant 0 : i32
        %dma_wait3A_409 = tpu.memref_slice %arg6[%dma_wait3A_405, %dma_wait3A_407, %dma_wait3A_408] : memref<2x128x128xf32, #tpu.memory_space<vmem>> -> memref<1x128x128xf32, #tpu.memory_space<vmem>>
        %dma_wait3A_410 = tpu.memref_squeeze %dma_wait3A_409 : memref<1x128x128xf32, #tpu.memory_space<vmem>> -> memref<128x128xf32, #tpu.memory_space<vmem>>
        %dma_wait3A_411 = arith.constant 0 : i32
        %dma_wait3A_412 = arith.constant 0 : i32
        %dma_wait3A_413 = tpu.memref_slice %arg4[%select_n3A, %dma_wait3A_411, %dma_wait3A_406, %dma_wait3A_412] : memref<8x2048x16x256xf32, #tpu.memory_space<hbm>> -> memref<1x128x1x128xf32, #tpu.memory_space<hbm>>
        %dma_wait3A_414 = tpu.memref_squeeze %dma_wait3A_413 : memref<1x128x1x128xf32, #tpu.memory_space<hbm>> -> memref<128x128xf32, #tpu.memory_space<hbm>>
        %dma_wait3A_415 = arith.constant 0 : i32
        %dma_wait3A_416 = arith.constant 0 : i32
        %dma_wait3A_417 = tpu.memref_slice %arg4[%select_n3A, %dma_wait3A_415, %dma_wait3A_406, %dma_wait3A_416] : memref<8x2048x16x256xf32, #tpu.memory_space<hbm>> -> memref<1x128x1x128xf32, #tpu.memory_space<hbm>>
        %dma_wait3A_418 = tpu.memref_squeeze %dma_wait3A_417 : memref<1x128x1x128xf32, #tpu.memory_space<hbm>> -> memref<128x128xf32, #tpu.memory_space<hbm>>
        %dma_wait3A_419 = arith.constant 0 : i32
        %dma_wait3A_420 = arith.constant 0 : i32
        %dma_wait3A_421 = tpu.memref_slice %arg6[%dma_wait3A_405, %dma_wait3A_419, %dma_wait3A_420] : memref<2x128x128xf32, #tpu.memory_space<vmem>> -> memref<1x128x128xf32, #tpu.memory_space<vmem>>
        %dma_wait3A_422 = tpu.memref_squeeze %dma_wait3A_421 : memref<1x128x128xf32, #tpu.memory_space<vmem>> -> memref<128x128xf32, #tpu.memory_space<vmem>>
        tpu.wait_dma2 semaphore(%arg11 : memref<!tpu.dma_semaphore, #tpu.memory_space<semaphore_mem>>) src(%dma_wait3A_422 : memref<128x128xf32, #tpu.memory_space<vmem>>) dst(%dma_wait3A_418 : memref<128x128xf32, #tpu.memory_space<hbm>>)
        %dma_wait3A_423 = arith.constant 1 : i32
        %dma_wait3A_424 = arith.constant 0 : i32
        %dma_wait3A_425 = arith.constant 0 : i32
        %dma_wait3A_426 = arith.constant 0 : i32
        %dma_wait3A_427 = tpu.memref_slice %arg8[%dma_wait3A_423, %dma_wait3A_425, %dma_wait3A_426] : memref<2x128x128xf32, #tpu.memory_space<vmem>> -> memref<1x128x128xf32, #tpu.memory_space<vmem>>
        %dma_wait3A_428 = tpu.memref_squeeze %dma_wait3A_427 : memref<1x128x128xf32, #tpu.memory_space<vmem>> -> memref<128x128xf32, #tpu.memory_space<vmem>>
        %dma_wait3A_429 = arith.constant 0 : i32
        %dma_wait3A_430 = arith.constant 128 : i32
        %dma_wait3A_431 = tpu.memref_slice %arg4[%select_n3A, %dma_wait3A_429, %dma_wait3A_424, %dma_wait3A_430] : memref<8x2048x16x256xf32, #tpu.memory_space<hbm>> -> memref<1x128x1x128xf32, #tpu.memory_space<hbm>>
        %dma_wait3A_432 = tpu.memref_squeeze %dma_wait3A_431 : memref<1x128x1x128xf32, #tpu.memory_space<hbm>> -> memref<128x128xf32, #tpu.memory_space<hbm>>
        %dma_wait3A_433 = arith.constant 0 : i32
        %dma_wait3A_434 = arith.constant 128 : i32
        %dma_wait3A_435 = tpu.memref_slice %arg4[%select_n3A, %dma_wait3A_433, %dma_wait3A_424, %dma_wait3A_434] : memref<8x2048x16x256xf32, #tpu.memory_space<hbm>> -> memref<1x128x1x128xf32, #tpu.memory_space<hbm>>
        %dma_wait3A_436 = tpu.memref_squeeze %dma_wait3A_435 : memref<1x128x1x128xf32, #tpu.memory_space<hbm>> -> memref<128x128xf32, #tpu.memory_space<hbm>>
        %dma_wait3A_437 = arith.constant 0 : i32
        %dma_wait3A_438 = arith.constant 0 : i32
        %dma_wait3A_439 = tpu.memref_slice %arg8[%dma_wait3A_423, %dma_wait3A_437, %dma_wait3A_438] : memref<2x128x128xf32, #tpu.memory_space<vmem>> -> memref<1x128x128xf32, #tpu.memory_space<vmem>>
        %dma_wait3A_440 = tpu.memref_squeeze %dma_wait3A_439 : memref<1x128x128xf32, #tpu.memory_space<vmem>> -> memref<128x128xf32, #tpu.memory_space<vmem>>
        tpu.wait_dma2 semaphore(%arg11 : memref<!tpu.dma_semaphore, #tpu.memory_space<semaphore_mem>>) src(%dma_wait3A_440 : memref<128x128xf32, #tpu.memory_space<vmem>>) dst(%dma_wait3A_436 : memref<128x128xf32, #tpu.memory_space<hbm>>)
      } else {
      }
      %dma_start3A_345 = arith.constant 3 : i32
      %dma_start3A_346 = arith.constant 1 : i32
      %dma_start3A_347 = arith.constant 0 : i32
      %dma_start3A_348 = arith.constant 0 : i32
      %dma_start3A_349 = tpu.memref_slice %arg6[%dma_start3A_346, %dma_start3A_347, %dma_start3A_348] : memref<2x128x128xf32, #tpu.memory_space<vmem>> -> memref<1x128x128xf32, #tpu.memory_space<vmem>>
      %dma_start3A_350 = tpu.memref_squeeze %dma_start3A_349 : memref<1x128x128xf32, #tpu.memory_space<vmem>> -> memref<128x128xf32, #tpu.memory_space<vmem>>
      %dma_start3A_351 = tpu.memref_slice %arg5[%dma_start3A_345, %mul3A_111] : memref<4x2048xi32, #tpu.memory_space<vmem>> -> memref<1x128xi32, #tpu.memory_space<vmem>>
      %dma_start3A_352 = tpu.memref_squeeze %dma_start3A_351 : memref<1x128xi32, #tpu.memory_space<vmem>> -> memref<128xi32, #tpu.memory_space<vmem>>
      %dma_start3A_353 = arith.constant 0 : i32
      %dma_start3A_354 = arith.constant 0 : i32
      %dma_start3A_355 = tpu.memref_slice %arg2[%dma_start3A_353, %dma_start3A_354] : memref<16384x128xf32, #tpu.memory_space<hbm>> -> memref<16384x128xf32, #tpu.memory_space<hbm>>
      tpu.enqueue_indirect_dma source(%dma_start3A_355 : memref<16384x128xf32, #tpu.memory_space<hbm>>) target(%dma_start3A_350 : memref<128x128xf32, #tpu.memory_space<vmem>>) offsets(%dma_start3A_352 : memref<128xi32, #tpu.memory_space<vmem>>) semaphore(%arg9 : memref<!tpu.dma_semaphore, #tpu.memory_space<semaphore_mem>>)
      %dma_wait3A_356 = arith.constant 3 : i32
      %dma_wait3A_357 = arith.constant 1 : i32
      %dma_wait3A_358 = arith.constant 0 : i32
      %dma_wait3A_359 = arith.constant 0 : i32
      %dma_wait3A_360 = tpu.memref_slice %arg6[%dma_wait3A_357, %dma_wait3A_358, %dma_wait3A_359] : memref<2x128x128xf32, #tpu.memory_space<vmem>> -> memref<1x128x128xf32, #tpu.memory_space<vmem>>
      %dma_wait3A_361 = tpu.memref_squeeze %dma_wait3A_360 : memref<1x128x128xf32, #tpu.memory_space<vmem>> -> memref<128x128xf32, #tpu.memory_space<vmem>>
      %dma_wait3A_362 = tpu.memref_slice %arg5[%dma_wait3A_356, %mul3A_111] : memref<4x2048xi32, #tpu.memory_space<vmem>> -> memref<1x128xi32, #tpu.memory_space<vmem>>
      %dma_wait3A_363 = tpu.memref_squeeze %dma_wait3A_362 : memref<1x128xi32, #tpu.memory_space<vmem>> -> memref<128xi32, #tpu.memory_space<vmem>>
      %dma_wait3A_364 = arith.constant 0 : i32
      %dma_wait3A_365 = arith.constant 0 : i32
      %dma_wait3A_366 = tpu.memref_slice %arg2[%dma_wait3A_364, %dma_wait3A_365] : memref<16384x128xf32, #tpu.memory_space<hbm>> -> memref<16384x128xf32, #tpu.memory_space<hbm>>
      tpu.wait_indirect_dma semaphore(%arg9 : memref<!tpu.dma_semaphore, #tpu.memory_space<semaphore_mem>>) src(%dma_wait3A_366 : memref<16384x128xf32, #tpu.memory_space<hbm>>) dst(%dma_wait3A_361 : memref<128x128xf32, #tpu.memory_space<vmem>>)
      %scan3A_367 = arith.constant 0 : i32
      %scan3A_368 = arith.constant 1 : i32
      %scan3A_369 = arith.constant 1 : i32
      %scan3A_370 = arith.constant 0 : i32
      %scan3A_371 = arith.constant 128 : i32
      %scan3A_372 = arith.addi %scan3A_370, %scan3A_371 : i32
      %scan3A_373 = arith.constant 1 : i32
      scf.for %scan3A_405 = %scan3A_370 to %scan3A_372 step %scan3A_373  : i32 {
        %get3A = arith.constant 0 : i32
        %get3A_406 = arith.constant 0 : i32
        %get3A_407 = tpu.memref_slice %arg6[%scan3A_368, %get3A, %get3A_406] : memref<2x128x128xf32, #tpu.memory_space<vmem>> -> memref<1x128x128xf32, #tpu.memory_space<vmem>>
        %get3A_408 = tpu.memref_squeeze %get3A_407 : memref<1x128x128xf32, #tpu.memory_space<vmem>> -> memref<128x128xf32, #tpu.memory_space<vmem>>
        %get3A_409 = arith.index_cast %scan3A_405 : i32 to index
        %get3A_410 = arith.constant 0 : index
        %get3A_411 = tpu.vector_load %get3A_408[%get3A_409, %get3A_410] {strides = array<i32>} : memref<128x128xf32, #tpu.memory_space<vmem>>, vector<1x16xf32>,
        %get3A_412 = vector.shape_cast %get3A_411 : vector<1x16xf32> to vector<16xf32>
        %get3A_413 = arith.index_cast %scan3A_405 : i32 to index
        %get3A_414 = arith.constant 0 : index
        %get3A_415 = tpu.vector_load %arg7[%get3A_413, %get3A_414] {strides = array<i32>} : memref<128x128xf32, #tpu.memory_space<vmem>>, vector<1x16xf32>,
        %get3A_416 = vector.shape_cast %get3A_415 : vector<1x16xf32> to vector<16xf32>
        %sub3A_417 = arith.subf %get3A_412, %get3A_416 : vector<16xf32>
        %swap3A = arith.constant 0 : i32
        %swap3A_418 = arith.constant 0 : i32
        %swap3A_419 = tpu.memref_slice %arg8[%scan3A_369, %swap3A, %swap3A_418] : memref<2x128x128xf32, #tpu.memory_space<vmem>> -> memref<1x128x128xf32, #tpu.memory_space<vmem>>
        %swap3A_420 = tpu.memref_squeeze %swap3A_419 : memref<1x128x128xf32, #tpu.memory_space<vmem>> -> memref<128x128xf32, #tpu.memory_space<vmem>>
        %swap3A_421 = arith.index_cast %scan3A_405 : i32 to index
        %swap3A_422 = arith.constant 0 : index
        %swap3A_423 = tpu.vector_load %swap3A_420[%swap3A_421, %swap3A_422] {strides = array<i32>} : memref<128x128xf32, #tpu.memory_space<vmem>>, vector<1x16xf32>,
        %swap3A_424 = vector.shape_cast %swap3A_423 : vector<1x16xf32> to vector<16xf32>
        %swap3A_425 = vector.shape_cast %sub3A_417 : vector<16xf32> to vector<1x16xf32>
        tpu.vector_store %swap3A_420[%swap3A_421, %swap3A_422], %swap3A_425 {strides = array<i32>} : memref<128x128xf32, #tpu.memory_space<vmem>>, vector<1x16xf32>,
        %get3A_426 = arith.constant 0 : i32
        %get3A_427 = arith.constant 0 : i32
        %get3A_428 = tpu.memref_slice %arg6[%scan3A_368, %get3A_426, %get3A_427] : memref<2x128x128xf32, #tpu.memory_space<vmem>> -> memref<1x128x128xf32, #tpu.memory_space<vmem>>
        %get3A_429 = tpu.memref_squeeze %get3A_428 : memref<1x128x128xf32, #tpu.memory_space<vmem>> -> memref<128x128xf32, #tpu.memory_space<vmem>>
        %get3A_430 = arith.index_cast %scan3A_405 : i32 to index
        %get3A_431 = arith.constant 16 : index
        %get3A_432 = tpu.vector_load %get3A_429[%get3A_430, %get3A_431] {strides = array<i32>} : memref<128x128xf32, #tpu.memory_space<vmem>>, vector<1x16xf32>,
        %get3A_433 = vector.shape_cast %get3A_432 : vector<1x16xf32> to vector<16xf32>
        %get3A_434 = arith.index_cast %scan3A_405 : i32 to index
        %get3A_435 = arith.constant 16 : index
        %get3A_436 = tpu.vector_load %arg7[%get3A_434, %get3A_435] {strides = array<i32>} : memref<128x128xf32, #tpu.memory_space<vmem>>, vector<1x16xf32>,
        %get3A_437 = vector.shape_cast %get3A_436 : vector<1x16xf32> to vector<16xf32>
        %sub3A_438 = arith.subf %get3A_433, %get3A_437 : vector<16xf32>
        %swap3A_439 = arith.constant 0 : i32
        %swap3A_440 = arith.constant 0 : i32
        %swap3A_441 = tpu.memref_slice %arg8[%scan3A_369, %swap3A_439, %swap3A_440] : memref<2x128x128xf32, #tpu.memory_space<vmem>> -> memref<1x128x128xf32, #tpu.memory_space<vmem>>
        %swap3A_442 = tpu.memref_squeeze %swap3A_441 : memref<1x128x128xf32, #tpu.memory_space<vmem>> -> memref<128x128xf32, #tpu.memory_space<vmem>>
        %swap3A_443 = arith.index_cast %scan3A_405 : i32 to index
        %swap3A_444 = arith.constant 16 : index
        %swap3A_445 = tpu.vector_load %swap3A_442[%swap3A_443, %swap3A_444] {strides = array<i32>} : memref<128x128xf32, #tpu.memory_space<vmem>>, vector<1x16xf32>,
        %swap3A_446 = vector.shape_cast %swap3A_445 : vector<1x16xf32> to vector<16xf32>
        %swap3A_447 = vector.shape_cast %sub3A_438 : vector<16xf32> to vector<1x16xf32>
        tpu.vector_store %swap3A_442[%swap3A_443, %swap3A_444], %swap3A_447 {strides = array<i32>} : memref<128x128xf32, #tpu.memory_space<vmem>>, vector<1x16xf32>,
        %get3A_448 = arith.constant 0 : i32
        %get3A_449 = arith.constant 0 : i32
        %get3A_450 = tpu.memref_slice %arg6[%scan3A_368, %get3A_448, %get3A_449] : memref<2x128x128xf32, #tpu.memory_space<vmem>> -> memref<1x128x128xf32, #tpu.memory_space<vmem>>
        %get3A_451 = tpu.memref_squeeze %get3A_450 : memref<1x128x128xf32, #tpu.memory_space<vmem>> -> memref<128x128xf32, #tpu.memory_space<vmem>>
        %get3A_452 = arith.index_cast %scan3A_405 : i32 to index
        %get3A_453 = arith.constant 32 : index
        %get3A_454 = tpu.vector_load %get3A_451[%get3A_452, %get3A_453] {strides = array<i32>} : memref<128x128xf32, #tpu.memory_space<vmem>>, vector<1x16xf32>,
        %get3A_455 = vector.shape_cast %get3A_454 : vector<1x16xf32> to vector<16xf32>
        %get3A_456 = arith.index_cast %scan3A_405 : i32 to index
        %get3A_457 = arith.constant 32 : index
        %get3A_458 = tpu.vector_load %arg7[%get3A_456, %get3A_457] {strides = array<i32>} : memref<128x128xf32, #tpu.memory_space<vmem>>, vector<1x16xf32>,
        %get3A_459 = vector.shape_cast %get3A_458 : vector<1x16xf32> to vector<16xf32>
        %sub3A_460 = arith.subf %get3A_455, %get3A_459 : vector<16xf32>
        %swap3A_461 = arith.constant 0 : i32
        %swap3A_462 = arith.constant 0 : i32
        %swap3A_463 = tpu.memref_slice %arg8[%scan3A_369, %swap3A_461, %swap3A_462] : memref<2x128x128xf32, #tpu.memory_space<vmem>> -> memref<1x128x128xf32, #tpu.memory_space<vmem>>
        %swap3A_464 = tpu.memref_squeeze %swap3A_463 : memref<1x128x128xf32, #tpu.memory_space<vmem>> -> memref<128x128xf32, #tpu.memory_space<vmem>>
        %swap3A_465 = arith.index_cast %scan3A_405 : i32 to index
        %swap3A_466 = arith.constant 32 : index
        %swap3A_467 = tpu.vector_load %swap3A_464[%swap3A_465, %swap3A_466] {strides = array<i32>} : memref<128x128xf32, #tpu.memory_space<vmem>>, vector<1x16xf32>,
        %swap3A_468 = vector.shape_cast %swap3A_467 : vector<1x16xf32> to vector<16xf32>
        %swap3A_469 = vector.shape_cast %sub3A_460 : vector<16xf32> to vector<1x16xf32>
        tpu.vector_store %swap3A_464[%swap3A_465, %swap3A_466], %swap3A_469 {strides = array<i32>} : memref<128x128xf32, #tpu.memory_space<vmem>>, vector<1x16xf32>,
        %get3A_470 = arith.constant 0 : i32
        %get3A_471 = arith.constant 0 : i32
        %get3A_472 = tpu.memref_slice %arg6[%scan3A_368, %get3A_470, %get3A_471] : memref<2x128x128xf32, #tpu.memory_space<vmem>> -> memref<1x128x128xf32, #tpu.memory_space<vmem>>
        %get3A_473 = tpu.memref_squeeze %get3A_472 : memref<1x128x128xf32, #tpu.memory_space<vmem>> -> memref<128x128xf32, #tpu.memory_space<vmem>>
        %get3A_474 = arith.index_cast %scan3A_405 : i32 to index
        %get3A_475 = arith.constant 48 : index
        %get3A_476 = tpu.vector_load %get3A_473[%get3A_474, %get3A_475] {strides = array<i32>} : memref<128x128xf32, #tpu.memory_space<vmem>>, vector<1x16xf32>,
        %get3A_477 = vector.shape_cast %get3A_476 : vector<1x16xf32> to vector<16xf32>
        %get3A_478 = arith.index_cast %scan3A_405 : i32 to index
        %get3A_479 = arith.constant 48 : index
        %get3A_480 = tpu.vector_load %arg7[%get3A_478, %get3A_479] {strides = array<i32>} : memref<128x128xf32, #tpu.memory_space<vmem>>, vector<1x16xf32>,
        %get3A_481 = vector.shape_cast %get3A_480 : vector<1x16xf32> to vector<16xf32>
        %sub3A_482 = arith.subf %get3A_477, %get3A_481 : vector<16xf32>
        %swap3A_483 = arith.constant 0 : i32
        %swap3A_484 = arith.constant 0 : i32
        %swap3A_485 = tpu.memref_slice %arg8[%scan3A_369, %swap3A_483, %swap3A_484] : memref<2x128x128xf32, #tpu.memory_space<vmem>> -> memref<1x128x128xf32, #tpu.memory_space<vmem>>
        %swap3A_486 = tpu.memref_squeeze %swap3A_485 : memref<1x128x128xf32, #tpu.memory_space<vmem>> -> memref<128x128xf32, #tpu.memory_space<vmem>>
        %swap3A_487 = arith.index_cast %scan3A_405 : i32 to index
        %swap3A_488 = arith.constant 48 : index
        %swap3A_489 = tpu.vector_load %swap3A_486[%swap3A_487, %swap3A_488] {strides = array<i32>} : memref<128x128xf32, #tpu.memory_space<vmem>>, vector<1x16xf32>,
        %swap3A_490 = vector.shape_cast %swap3A_489 : vector<1x16xf32> to vector<16xf32>
        %swap3A_491 = vector.shape_cast %sub3A_482 : vector<16xf32> to vector<1x16xf32>
        tpu.vector_store %swap3A_486[%swap3A_487, %swap3A_488], %swap3A_491 {strides = array<i32>} : memref<128x128xf32, #tpu.memory_space<vmem>>, vector<1x16xf32>,
        %get3A_492 = arith.constant 0 : i32
        %get3A_493 = arith.constant 0 : i32
        %get3A_494 = tpu.memref_slice %arg6[%scan3A_368, %get3A_492, %get3A_493] : memref<2x128x128xf32, #tpu.memory_space<vmem>> -> memref<1x128x128xf32, #tpu.memory_space<vmem>>
        %get3A_495 = tpu.memref_squeeze %get3A_494 : memref<1x128x128xf32, #tpu.memory_space<vmem>> -> memref<128x128xf32, #tpu.memory_space<vmem>>
        %get3A_496 = arith.index_cast %scan3A_405 : i32 to index
        %get3A_497 = arith.constant 64 : index
        %get3A_498 = tpu.vector_load %get3A_495[%get3A_496, %get3A_497] {strides = array<i32>} : memref<128x128xf32, #tpu.memory_space<vmem>>, vector<1x16xf32>,
        %get3A_499 = vector.shape_cast %get3A_498 : vector<1x16xf32> to vector<16xf32>
        %get3A_500 = arith.index_cast %scan3A_405 : i32 to index
        %get3A_501 = arith.constant 64 : index
        %get3A_502 = tpu.vector_load %arg7[%get3A_500, %get3A_501] {strides = array<i32>} : memref<128x128xf32, #tpu.memory_space<vmem>>, vector<1x16xf32>,
        %get3A_503 = vector.shape_cast %get3A_502 : vector<1x16xf32> to vector<16xf32>
        %sub3A_504 = arith.subf %get3A_499, %get3A_503 : vector<16xf32>
        %swap3A_505 = arith.constant 0 : i32
        %swap3A_506 = arith.constant 0 : i32
        %swap3A_507 = tpu.memref_slice %arg8[%scan3A_369, %swap3A_505, %swap3A_506] : memref<2x128x128xf32, #tpu.memory_space<vmem>> -> memref<1x128x128xf32, #tpu.memory_space<vmem>>
        %swap3A_508 = tpu.memref_squeeze %swap3A_507 : memref<1x128x128xf32, #tpu.memory_space<vmem>> -> memref<128x128xf32, #tpu.memory_space<vmem>>
        %swap3A_509 = arith.index_cast %scan3A_405 : i32 to index
        %swap3A_510 = arith.constant 64 : index
        %swap3A_511 = tpu.vector_load %swap3A_508[%swap3A_509, %swap3A_510] {strides = array<i32>} : memref<128x128xf32, #tpu.memory_space<vmem>>, vector<1x16xf32>,
        %swap3A_512 = vector.shape_cast %swap3A_511 : vector<1x16xf32> to vector<16xf32>
        %swap3A_513 = vector.shape_cast %sub3A_504 : vector<16xf32> to vector<1x16xf32>
        tpu.vector_store %swap3A_508[%swap3A_509, %swap3A_510], %swap3A_513 {strides = array<i32>} : memref<128x128xf32, #tpu.memory_space<vmem>>, vector<1x16xf32>,
        %get3A_514 = arith.constant 0 : i32
        %get3A_515 = arith.constant 0 : i32
        %get3A_516 = tpu.memref_slice %arg6[%scan3A_368, %get3A_514, %get3A_515] : memref<2x128x128xf32, #tpu.memory_space<vmem>> -> memref<1x128x128xf32, #tpu.memory_space<vmem>>
        %get3A_517 = tpu.memref_squeeze %get3A_516 : memref<1x128x128xf32, #tpu.memory_space<vmem>> -> memref<128x128xf32, #tpu.memory_space<vmem>>
        %get3A_518 = arith.index_cast %scan3A_405 : i32 to index
        %get3A_519 = arith.constant 80 : index
        %get3A_520 = tpu.vector_load %get3A_517[%get3A_518, %get3A_519] {strides = array<i32>} : memref<128x128xf32, #tpu.memory_space<vmem>>, vector<1x16xf32>,
        %get3A_521 = vector.shape_cast %get3A_520 : vector<1x16xf32> to vector<16xf32>
        %get3A_522 = arith.index_cast %scan3A_405 : i32 to index
        %get3A_523 = arith.constant 80 : index
        %get3A_524 = tpu.vector_load %arg7[%get3A_522, %get3A_523] {strides = array<i32>} : memref<128x128xf32, #tpu.memory_space<vmem>>, vector<1x16xf32>,
        %get3A_525 = vector.shape_cast %get3A_524 : vector<1x16xf32> to vector<16xf32>
        %sub3A_526 = arith.subf %get3A_521, %get3A_525 : vector<16xf32>
        %swap3A_527 = arith.constant 0 : i32
        %swap3A_528 = arith.constant 0 : i32
        %swap3A_529 = tpu.memref_slice %arg8[%scan3A_369, %swap3A_527, %swap3A_528] : memref<2x128x128xf32, #tpu.memory_space<vmem>> -> memref<1x128x128xf32, #tpu.memory_space<vmem>>
        %swap3A_530 = tpu.memref_squeeze %swap3A_529 : memref<1x128x128xf32, #tpu.memory_space<vmem>> -> memref<128x128xf32, #tpu.memory_space<vmem>>
        %swap3A_531 = arith.index_cast %scan3A_405 : i32 to index
        %swap3A_532 = arith.constant 80 : index
        %swap3A_533 = tpu.vector_load %swap3A_530[%swap3A_531, %swap3A_532] {strides = array<i32>} : memref<128x128xf32, #tpu.memory_space<vmem>>, vector<1x16xf32>,
        %swap3A_534 = vector.shape_cast %swap3A_533 : vector<1x16xf32> to vector<16xf32>
        %swap3A_535 = vector.shape_cast %sub3A_526 : vector<16xf32> to vector<1x16xf32>
        tpu.vector_store %swap3A_530[%swap3A_531, %swap3A_532], %swap3A_535 {strides = array<i32>} : memref<128x128xf32, #tpu.memory_space<vmem>>, vector<1x16xf32>,
        %get3A_536 = arith.constant 0 : i32
        %get3A_537 = arith.constant 0 : i32
        %get3A_538 = tpu.memref_slice %arg6[%scan3A_368, %get3A_536, %get3A_537] : memref<2x128x128xf32, #tpu.memory_space<vmem>> -> memref<1x128x128xf32, #tpu.memory_space<vmem>>
        %get3A_539 = tpu.memref_squeeze %get3A_538 : memref<1x128x128xf32, #tpu.memory_space<vmem>> -> memref<128x128xf32, #tpu.memory_space<vmem>>
        %get3A_540 = arith.index_cast %scan3A_405 : i32 to index
        %get3A_541 = arith.constant 96 : index
        %get3A_542 = tpu.vector_load %get3A_539[%get3A_540, %get3A_541] {strides = array<i32>} : memref<128x128xf32, #tpu.memory_space<vmem>>, vector<1x16xf32>,
        %get3A_543 = vector.shape_cast %get3A_542 : vector<1x16xf32> to vector<16xf32>
        %get3A_544 = arith.index_cast %scan3A_405 : i32 to index
        %get3A_545 = arith.constant 96 : index
        %get3A_546 = tpu.vector_load %arg7[%get3A_544, %get3A_545] {strides = array<i32>} : memref<128x128xf32, #tpu.memory_space<vmem>>, vector<1x16xf32>,
        %get3A_547 = vector.shape_cast %get3A_546 : vector<1x16xf32> to vector<16xf32>
        %sub3A_548 = arith.subf %get3A_543, %get3A_547 : vector<16xf32>
        %swap3A_549 = arith.constant 0 : i32
        %swap3A_550 = arith.constant 0 : i32
        %swap3A_551 = tpu.memref_slice %arg8[%scan3A_369, %swap3A_549, %swap3A_550] : memref<2x128x128xf32, #tpu.memory_space<vmem>> -> memref<1x128x128xf32, #tpu.memory_space<vmem>>
        %swap3A_552 = tpu.memref_squeeze %swap3A_551 : memref<1x128x128xf32, #tpu.memory_space<vmem>> -> memref<128x128xf32, #tpu.memory_space<vmem>>
        %swap3A_553 = arith.index_cast %scan3A_405 : i32 to index
        %swap3A_554 = arith.constant 96 : index
        %swap3A_555 = tpu.vector_load %swap3A_552[%swap3A_553, %swap3A_554] {strides = array<i32>} : memref<128x128xf32, #tpu.memory_space<vmem>>, vector<1x16xf32>,
        %swap3A_556 = vector.shape_cast %swap3A_555 : vector<1x16xf32> to vector<16xf32>
        %swap3A_557 = vector.shape_cast %sub3A_548 : vector<16xf32> to vector<1x16xf32>
        tpu.vector_store %swap3A_552[%swap3A_553, %swap3A_554], %swap3A_557 {strides = array<i32>} : memref<128x128xf32, #tpu.memory_space<vmem>>, vector<1x16xf32>,
        %get3A_558 = arith.constant 0 : i32
        %get3A_559 = arith.constant 0 : i32
        %get3A_560 = tpu.memref_slice %arg6[%scan3A_368, %get3A_558, %get3A_559] : memref<2x128x128xf32, #tpu.memory_space<vmem>> -> memref<1x128x128xf32, #tpu.memory_space<vmem>>
        %get3A_561 = tpu.memref_squeeze %get3A_560 : memref<1x128x128xf32, #tpu.memory_space<vmem>> -> memref<128x128xf32, #tpu.memory_space<vmem>>
        %get3A_562 = arith.index_cast %scan3A_405 : i32 to index
        %get3A_563 = arith.constant 112 : index
        %get3A_564 = tpu.vector_load %get3A_561[%get3A_562, %get3A_563] {strides = array<i32>} : memref<128x128xf32, #tpu.memory_space<vmem>>, vector<1x16xf32>,
        %get3A_565 = vector.shape_cast %get3A_564 : vector<1x16xf32> to vector<16xf32>
        %get3A_566 = arith.index_cast %scan3A_405 : i32 to index
        %get3A_567 = arith.constant 112 : index
        %get3A_568 = tpu.vector_load %arg7[%get3A_566, %get3A_567] {strides = array<i32>} : memref<128x128xf32, #tpu.memory_space<vmem>>, vector<1x16xf32>,
        %get3A_569 = vector.shape_cast %get3A_568 : vector<1x16xf32> to vector<16xf32>
        %sub3A_570 = arith.subf %get3A_565, %get3A_569 : vector<16xf32>
        %swap3A_571 = arith.constant 0 : i32
        %swap3A_572 = arith.constant 0 : i32
        %swap3A_573 = tpu.memref_slice %arg8[%scan3A_369, %swap3A_571, %swap3A_572] : memref<2x128x128xf32, #tpu.memory_space<vmem>> -> memref<1x128x128xf32, #tpu.memory_space<vmem>>
        %swap3A_574 = tpu.memref_squeeze %swap3A_573 : memref<1x128x128xf32, #tpu.memory_space<vmem>> -> memref<128x128xf32, #tpu.memory_space<vmem>>
        %swap3A_575 = arith.index_cast %scan3A_405 : i32 to index
        %swap3A_576 = arith.constant 112 : index
        %swap3A_577 = tpu.vector_load %swap3A_574[%swap3A_575, %swap3A_576] {strides = array<i32>} : memref<128x128xf32, #tpu.memory_space<vmem>>, vector<1x16xf32>,
        %swap3A_578 = vector.shape_cast %swap3A_577 : vector<1x16xf32> to vector<16xf32>
        %swap3A_579 = vector.shape_cast %sub3A_570 : vector<16xf32> to vector<1x16xf32>
        tpu.vector_store %swap3A_574[%swap3A_575, %swap3A_576], %swap3A_579 {strides = array<i32>} : memref<128x128xf32, #tpu.memory_space<vmem>>, vector<1x16xf32>,
      }
      %scan3A_374 = arith.constant 128 : i32
      %dma_start3A_375 = arith.constant 1 : i32
      %dma_start3A_376 = arith.constant 0 : i32
      %dma_start3A_377 = arith.constant 0 : i32
      %dma_start3A_378 = tpu.memref_slice %arg6[%dma_start3A_375, %dma_start3A_376, %dma_start3A_377] : memref<2x128x128xf32, #tpu.memory_space<vmem>> -> memref<1x128x128xf32, #tpu.memory_space<vmem>>
      %dma_start3A_379 = tpu.memref_squeeze %dma_start3A_378 : memref<1x128x128xf32, #tpu.memory_space<vmem>> -> memref<128x128xf32, #tpu.memory_space<vmem>>
      %dma_start3A_380 = arith.constant 0 : i32
      %dma_start3A_381 = tpu.memref_slice %arg4[%select_n3A, %mul3A_111, %add3A_335, %dma_start3A_380] : memref<8x2048x16x256xf32, #tpu.memory_space<hbm>> -> memref<1x128x1x128xf32, #tpu.memory_space<hbm>>
      %dma_start3A_382 = tpu.memref_squeeze %dma_start3A_381 : memref<1x128x1x128xf32, #tpu.memory_space<hbm>> -> memref<128x128xf32, #tpu.memory_space<hbm>>
      %dma_start3A_383 = arith.constant 0 : i32
      %dma_start3A_384 = tpu.memref_slice %arg4[%select_n3A, %mul3A_111, %add3A_335, %dma_start3A_383] : memref<8x2048x16x256xf32, #tpu.memory_space<hbm>> -> memref<1x128x1x128xf32, #tpu.memory_space<hbm>>
      %dma_start3A_385 = tpu.memref_squeeze %dma_start3A_384 : memref<1x128x1x128xf32, #tpu.memory_space<hbm>> -> memref<128x128xf32, #tpu.memory_space<hbm>>
      %dma_start3A_386 = arith.constant 0 : i32
      %dma_start3A_387 = arith.constant 0 : i32
      %dma_start3A_388 = tpu.memref_slice %arg6[%dma_start3A_375, %dma_start3A_386, %dma_start3A_387] : memref<2x128x128xf32, #tpu.memory_space<vmem>> -> memref<1x128x128xf32, #tpu.memory_space<vmem>>
      %dma_start3A_389 = tpu.memref_squeeze %dma_start3A_388 : memref<1x128x128xf32, #tpu.memory_space<vmem>> -> memref<128x128xf32, #tpu.memory_space<vmem>>
      tpu.enqueue_dma source(%dma_start3A_389 : memref<128x128xf32, #tpu.memory_space<vmem>>) target(%dma_start3A_385 : memref<128x128xf32, #tpu.memory_space<hbm>>) target_semaphore(%arg11 : memref<!tpu.dma_semaphore, #tpu.memory_space<semaphore_mem>>)
      %dma_start3A_390 = arith.constant 1 : i32
      %dma_start3A_391 = arith.constant 0 : i32
      %dma_start3A_392 = arith.constant 0 : i32
      %dma_start3A_393 = tpu.memref_slice %arg8[%dma_start3A_390, %dma_start3A_391, %dma_start3A_392] : memref<2x128x128xf32, #tpu.memory_space<vmem>> -> memref<1x128x128xf32, #tpu.memory_space<vmem>>
      %dma_start3A_394 = tpu.memref_squeeze %dma_start3A_393 : memref<1x128x128xf32, #tpu.memory_space<vmem>> -> memref<128x128xf32, #tpu.memory_space<vmem>>
      %dma_start3A_395 = arith.constant 128 : i32
      %dma_start3A_396 = tpu.memref_slice %arg4[%select_n3A, %mul3A_111, %add3A_335, %dma_start3A_395] : memref<8x2048x16x256xf32, #tpu.memory_space<hbm>> -> memref<1x128x1x128xf32, #tpu.memory_space<hbm>>
      %dma_start3A_397 = tpu.memref_squeeze %dma_start3A_396 : memref<1x128x1x128xf32, #tpu.memory_space<hbm>> -> memref<128x128xf32, #tpu.memory_space<hbm>>
      %dma_start3A_398 = arith.constant 128 : i32
      %dma_start3A_399 = tpu.memref_slice %arg4[%select_n3A, %mul3A_111, %add3A_335, %dma_start3A_398] : memref<8x2048x16x256xf32, #tpu.memory_space<hbm>> -> memref<1x128x1x128xf32, #tpu.memory_space<hbm>>
      %dma_start3A_400 = tpu.memref_squeeze %dma_start3A_399 : memref<1x128x1x128xf32, #tpu.memory_space<hbm>> -> memref<128x128xf32, #tpu.memory_space<hbm>>
      %dma_start3A_401 = arith.constant 0 : i32
      %dma_start3A_402 = arith.constant 0 : i32
      %dma_start3A_403 = tpu.memref_slice %arg8[%dma_start3A_390, %dma_start3A_401, %dma_start3A_402] : memref<2x128x128xf32, #tpu.memory_space<vmem>> -> memref<1x128x128xf32, #tpu.memory_space<vmem>>
      %dma_start3A_404 = tpu.memref_squeeze %dma_start3A_403 : memref<1x128x128xf32, #tpu.memory_space<vmem>> -> memref<128x128xf32, #tpu.memory_space<vmem>>
      tpu.enqueue_dma source(%dma_start3A_404 : memref<128x128xf32, #tpu.memory_space<vmem>>) target(%dma_start3A_400 : memref<128x128xf32, #tpu.memory_space<hbm>>) target_semaphore(%arg11 : memref<!tpu.dma_semaphore, #tpu.memory_space<semaphore_mem>>)
    }
    %scan3A_37 = arith.constant 16 : i32
    %dma_wait3A = arith.constant 0 : i32
    %dma_wait3A_38 = arith.constant 0 : i32
    %dma_wait3A_39 = arith.constant 0 : i32
    %dma_wait3A_40 = arith.constant 0 : i32
    %dma_wait3A_41 = tpu.memref_slice %arg6[%dma_wait3A, %dma_wait3A_39, %dma_wait3A_40] : memref<2x128x128xf32, #tpu.memory_space<vmem>> -> memref<1x128x128xf32, #tpu.memory_space<vmem>>
    %dma_wait3A_42 = tpu.memref_squeeze %dma_wait3A_41 : memref<1x128x128xf32, #tpu.memory_space<vmem>> -> memref<128x128xf32, #tpu.memory_space<vmem>>
    %dma_wait3A_43 = arith.constant 0 : i32
    %dma_wait3A_44 = arith.constant 0 : i32
    %dma_wait3A_45 = tpu.memref_slice %arg4[%select_n3A, %dma_wait3A_43, %dma_wait3A_38, %dma_wait3A_44] : memref<8x2048x16x256xf32, #tpu.memory_space<hbm>> -> memref<1x128x1x128xf32, #tpu.memory_space<hbm>>
    %dma_wait3A_46 = tpu.memref_squeeze %dma_wait3A_45 : memref<1x128x1x128xf32, #tpu.memory_space<hbm>> -> memref<128x128xf32, #tpu.memory_space<hbm>>
    %dma_wait3A_47 = arith.constant 0 : i32
    %dma_wait3A_48 = arith.constant 0 : i32
    %dma_wait3A_49 = tpu.memref_slice %arg4[%select_n3A, %dma_wait3A_47, %dma_wait3A_38, %dma_wait3A_48] : memref<8x2048x16x256xf32, #tpu.memory_space<hbm>> -> memref<1x128x1x128xf32, #tpu.memory_space<hbm>>
    %dma_wait3A_50 = tpu.memref_squeeze %dma_wait3A_49 : memref<1x128x1x128xf32, #tpu.memory_space<hbm>> -> memref<128x128xf32, #tpu.memory_space<hbm>>
    %dma_wait3A_51 = arith.constant 0 : i32
    %dma_wait3A_52 = arith.constant 0 : i32
    %dma_wait3A_53 = tpu.memref_slice %arg6[%dma_wait3A, %dma_wait3A_51, %dma_wait3A_52] : memref<2x128x128xf32, #tpu.memory_space<vmem>> -> memref<1x128x128xf32, #tpu.memory_space<vmem>>
    %dma_wait3A_54 = tpu.memref_squeeze %dma_wait3A_53 : memref<1x128x128xf32, #tpu.memory_space<vmem>> -> memref<128x128xf32, #tpu.memory_space<vmem>>
    tpu.wait_dma2 semaphore(%arg10 : memref<!tpu.dma_semaphore, #tpu.memory_space<semaphore_mem>>) src(%dma_wait3A_54 : memref<128x128xf32, #tpu.memory_space<vmem>>) dst(%dma_wait3A_50 : memref<128x128xf32, #tpu.memory_space<hbm>>)
    %dma_wait3A_55 = arith.constant 0 : i32
    %dma_wait3A_56 = arith.constant 0 : i32
    %dma_wait3A_57 = arith.constant 0 : i32
    %dma_wait3A_58 = arith.constant 0 : i32
    %dma_wait3A_59 = tpu.memref_slice %arg8[%dma_wait3A_55, %dma_wait3A_57, %dma_wait3A_58] : memref<2x128x128xf32, #tpu.memory_space<vmem>> -> memref<1x128x128xf32, #tpu.memory_space<vmem>>
    %dma_wait3A_60 = tpu.memref_squeeze %dma_wait3A_59 : memref<1x128x128xf32, #tpu.memory_space<vmem>> -> memref<128x128xf32, #tpu.memory_space<vmem>>
    %dma_wait3A_61 = arith.constant 0 : i32
    %dma_wait3A_62 = arith.constant 128 : i32
    %dma_wait3A_63 = tpu.memref_slice %arg4[%select_n3A, %dma_wait3A_61, %dma_wait3A_56, %dma_wait3A_62] : memref<8x2048x16x256xf32, #tpu.memory_space<hbm>> -> memref<1x128x1x128xf32, #tpu.memory_space<hbm>>
    %dma_wait3A_64 = tpu.memref_squeeze %dma_wait3A_63 : memref<1x128x1x128xf32, #tpu.memory_space<hbm>> -> memref<128x128xf32, #tpu.memory_space<hbm>>
    %dma_wait3A_65 = arith.constant 0 : i32
    %dma_wait3A_66 = arith.constant 128 : i32
    %dma_wait3A_67 = tpu.memref_slice %arg4[%select_n3A, %dma_wait3A_65, %dma_wait3A_56, %dma_wait3A_66] : memref<8x2048x16x256xf32, #tpu.memory_space<hbm>> -> memref<1x128x1x128xf32, #tpu.memory_space<hbm>>
    %dma_wait3A_68 = tpu.memref_squeeze %dma_wait3A_67 : memref<1x128x1x128xf32, #tpu.memory_space<hbm>> -> memref<128x128xf32, #tpu.memory_space<hbm>>
    %dma_wait3A_69 = arith.constant 0 : i32
    %dma_wait3A_70 = arith.constant 0 : i32
    %dma_wait3A_71 = tpu.memref_slice %arg8[%dma_wait3A_55, %dma_wait3A_69, %dma_wait3A_70] : memref<2x128x128xf32, #tpu.memory_space<vmem>> -> memref<1x128x128xf32, #tpu.memory_space<vmem>>
    %dma_wait3A_72 = tpu.memref_squeeze %dma_wait3A_71 : memref<1x128x128xf32, #tpu.memory_space<vmem>> -> memref<128x128xf32, #tpu.memory_space<vmem>>
    tpu.wait_dma2 semaphore(%arg10 : memref<!tpu.dma_semaphore, #tpu.memory_space<semaphore_mem>>) src(%dma_wait3A_72 : memref<128x128xf32, #tpu.memory_space<vmem>>) dst(%dma_wait3A_68 : memref<128x128xf32, #tpu.memory_space<hbm>>)
    %dma_wait3A_73 = arith.constant 1 : i32
    %dma_wait3A_74 = arith.constant 0 : i32
    %dma_wait3A_75 = arith.constant 0 : i32
    %dma_wait3A_76 = arith.constant 0 : i32
    %dma_wait3A_77 = tpu.memref_slice %arg6[%dma_wait3A_73, %dma_wait3A_75, %dma_wait3A_76] : memref<2x128x128xf32, #tpu.memory_space<vmem>> -> memref<1x128x128xf32, #tpu.memory_space<vmem>>
    %dma_wait3A_78 = tpu.memref_squeeze %dma_wait3A_77 : memref<1x128x128xf32, #tpu.memory_space<vmem>> -> memref<128x128xf32, #tpu.memory_space<vmem>>
    %dma_wait3A_79 = arith.constant 0 : i32
    %dma_wait3A_80 = arith.constant 0 : i32
    %dma_wait3A_81 = tpu.memref_slice %arg4[%select_n3A, %dma_wait3A_79, %dma_wait3A_74, %dma_wait3A_80] : memref<8x2048x16x256xf32, #tpu.memory_space<hbm>> -> memref<1x128x1x128xf32, #tpu.memory_space<hbm>>
    %dma_wait3A_82 = tpu.memref_squeeze %dma_wait3A_81 : memref<1x128x1x128xf32, #tpu.memory_space<hbm>> -> memref<128x128xf32, #tpu.memory_space<hbm>>
    %dma_wait3A_83 = arith.constant 0 : i32
    %dma_wait3A_84 = arith.constant 0 : i32
    %dma_wait3A_85 = tpu.memref_slice %arg4[%select_n3A, %dma_wait3A_83, %dma_wait3A_74, %dma_wait3A_84] : memref<8x2048x16x256xf32, #tpu.memory_space<hbm>> -> memref<1x128x1x128xf32, #tpu.memory_space<hbm>>
    %dma_wait3A_86 = tpu.memref_squeeze %dma_wait3A_85 : memref<1x128x1x128xf32, #tpu.memory_space<hbm>> -> memref<128x128xf32, #tpu.memory_space<hbm>>
    %dma_wait3A_87 = arith.constant 0 : i32
    %dma_wait3A_88 = arith.constant 0 : i32
    %dma_wait3A_89 = tpu.memref_slice %arg6[%dma_wait3A_73, %dma_wait3A_87, %dma_wait3A_88] : memref<2x128x128xf32, #tpu.memory_space<vmem>> -> memref<1x128x128xf32, #tpu.memory_space<vmem>>
    %dma_wait3A_90 = tpu.memref_squeeze %dma_wait3A_89 : memref<1x128x128xf32, #tpu.memory_space<vmem>> -> memref<128x128xf32, #tpu.memory_space<vmem>>
    tpu.wait_dma2 semaphore(%arg11 : memref<!tpu.dma_semaphore, #tpu.memory_space<semaphore_mem>>) src(%dma_wait3A_90 : memref<128x128xf32, #tpu.memory_space<vmem>>) dst(%dma_wait3A_86 : memref<128x128xf32, #tpu.memory_space<hbm>>)
    %dma_wait3A_91 = arith.constant 1 : i32
    %dma_wait3A_92 = arith.constant 0 : i32
    %dma_wait3A_93 = arith.constant 0 : i32
    %dma_wait3A_94 = arith.constant 0 : i32
    %dma_wait3A_95 = tpu.memref_slice %arg8[%dma_wait3A_91, %dma_wait3A_93, %dma_wait3A_94] : memref<2x128x128xf32, #tpu.memory_space<vmem>> -> memref<1x128x128xf32, #tpu.memory_space<vmem>>
    %dma_wait3A_96 = tpu.memref_squeeze %dma_wait3A_95 : memref<1x128x128xf32, #tpu.memory_space<vmem>> -> memref<128x128xf32, #tpu.memory_space<vmem>>
    %dma_wait3A_97 = arith.constant 0 : i32
    %dma_wait3A_98 = arith.constant 128 : i32
    %dma_wait3A_99 = tpu.memref_slice %arg4[%select_n3A, %dma_wait3A_97, %dma_wait3A_92, %dma_wait3A_98] : memref<8x2048x16x256xf32, #tpu.memory_space<hbm>> -> memref<1x128x1x128xf32, #tpu.memory_space<hbm>>
    %dma_wait3A_100 = tpu.memref_squeeze %dma_wait3A_99 : memref<1x128x1x128xf32, #tpu.memory_space<hbm>> -> memref<128x128xf32, #tpu.memory_space<hbm>>
    %dma_wait3A_101 = arith.constant 0 : i32
    %dma_wait3A_102 = arith.constant 128 : i32
    %dma_wait3A_103 = tpu.memref_slice %arg4[%select_n3A, %dma_wait3A_101, %dma_wait3A_92, %dma_wait3A_102] : memref<8x2048x16x256xf32, #tpu.memory_space<hbm>> -> memref<1x128x1x128xf32, #tpu.memory_space<hbm>>
    %dma_wait3A_104 = tpu.memref_squeeze %dma_wait3A_103 : memref<1x128x1x128xf32, #tpu.memory_space<hbm>> -> memref<128x128xf32, #tpu.memory_space<hbm>>
    %dma_wait3A_105 = arith.constant 0 : i32
    %dma_wait3A_106 = arith.constant 0 : i32
    %dma_wait3A_107 = tpu.memref_slice %arg8[%dma_wait3A_91, %dma_wait3A_105, %dma_wait3A_106] : memref<2x128x128xf32, #tpu.memory_space<vmem>> -> memref<1x128x128xf32, #tpu.memory_space<vmem>>
    %dma_wait3A_108 = tpu.memref_squeeze %dma_wait3A_107 : memref<1x128x128xf32, #tpu.memory_space<vmem>> -> memref<128x128xf32, #tpu.memory_space<vmem>>
    tpu.wait_dma2 semaphore(%arg11 : memref<!tpu.dma_semaphore, #tpu.memory_space<semaphore_mem>>) src(%dma_wait3A_108 : memref<128x128xf32, #tpu.memory_space<vmem>>) dst(%dma_wait3A_104 : memref<128x128xf32, #tpu.memory_space<hbm>>)
    return
  }
}

module attributes {stable_mosaic.version = 14 : i64} {
  func.func @_topk_body(%arg0: i32, %arg1: i32, %arg2: memref<1x128x32xf32, #tpu.memory_space<vmem>>, %arg3: memref<1x2048x32xf32, #tpu.memory_space<vmem>>, %arg4: memref<1x16x128xi32, #tpu.memory_space<vmem>>, %arg5: memref<128x2048xf32, #tpu.memory_space<vmem>>) attributes {dimension_semantics = [#tpu.dimension_semantics<arbitrary>, #tpu.dimension_semantics<arbitrary>], iteration_bounds = array<i64: 8, 16>, scalar_prefetch = 0 : i64, scratch_operands = 1 : i64, tpu.core_type = #tpu.core_type<tc>, window_params = [{transform_indices = @transform_0, window_bounds = array<i64: 1, 128, 32>}, {transform_indices = @transform_1, window_bounds = array<i64: 1, 2048, 32>}, {transform_indices = @transform_2, window_bounds = array<i64: 1, 16, 128>}]} {
    %add3A = arith.constant 0 : i32
    %add3A_0 = arith.addi %arg0, %add3A : i32
    %get3A = arith.constant 0 : index
    %get3A_1 = arith.constant 0 : index
    %get3A_2 = arith.constant 0 : index
    %get3A_3 = vector.load %arg2[%get3A, %get3A_1, %get3A_2] : memref<1x128x32xf32, #tpu.memory_space<vmem>>, vector<1x128x32xf32>
    %get3A_4 = vector.shape_cast %get3A_3 : vector<1x128x32xf32> to vector<128x32xf32>
    %get3A_5 = arith.constant 0 : index
    %get3A_6 = arith.constant 0 : index
    %get3A_7 = arith.constant 0 : index
    %get3A_8 = vector.load %arg3[%get3A_5, %get3A_6, %get3A_7] : memref<1x2048x32xf32, #tpu.memory_space<vmem>>, vector<1x2048x32xf32>
    %get3A_9 = vector.shape_cast %get3A_8 : vector<1x2048x32xf32> to vector<2048x32xf32>
    %mul3A = arith.mulf %get3A_4, %get3A_4 : vector<128x32xf32>
    %reduce_sum3A = arith.constant dense<0.000000e+00> : vector<128xf32>
    %reduce_sum3A_10 = vector.multi_reduction <add>, %mul3A, %reduce_sum3A [1] : vector<128x32xf32> to vector<128xf32>
    %broadcast_in_dim3A = vector.shape_cast %reduce_sum3A_10 : vector<128xf32> to vector<128x1xf32>
    %mul3A_11 = arith.mulf %get3A_9, %get3A_9 : vector<2048x32xf32>
    %reduce_sum3A_12 = arith.constant dense<0.000000e+00> : vector<2048xf32>
    %reduce_sum3A_13 = vector.multi_reduction <add>, %mul3A_11, %reduce_sum3A_12 [1] : vector<2048x32xf32> to vector<2048xf32>
    %broadcast_in_dim3A_14 = vector.shape_cast %reduce_sum3A_13 : vector<2048xf32> to vector<1x2048xf32>
    %dot_general3A = arith.constant dense<0.000000e+00> : vector<128x2048xf32>
    %dot_general3A_15 = tpu.matmul %get3A_4, %get3A_9, %dot_general3A {dimension_numbers = #tpu.dot_dimension_numbers<[1], [1], [0], [0], [0, 0, 1, 0], [], []>, transpose_lhs_hint = false} : vector<128x32xf32>, vector<2048x32xf32>, vector<128x2048xf32> -> vector<128x2048xf32>
    %mul3A_16 = arith.constant 2.000000e+00 : f32
    %mul3A_17 = vector.broadcast %mul3A_16 : f32 to vector<128x2048xf32>
    %mul3A_18 = arith.mulf %mul3A_17, %dot_general3A_15 : vector<128x2048xf32>
    %sub3A = vector.broadcast %broadcast_in_dim3A : vector<128x1xf32> to vector<128x2048xf32>
    %sub3A_19 = arith.subf %sub3A, %mul3A_18 : vector<128x2048xf32>
    %add3A_20 = vector.broadcast %broadcast_in_dim3A_14 : vector<1x2048xf32> to vector<128x2048xf32>
    %add3A_21 = arith.addf %sub3A_19, %add3A_20 : vector<128x2048xf32>
    %mul3A_22 = arith.constant 2048 : i32
    %mul3A_23 = arith.muli %add3A_0, %mul3A_22 : i32
    %iota3A = tpu.iota {dimensions = array<i32: 1>} : vector<128x2048xi32>
    %convert_element_type3A = arith.sitofp %iota3A : vector<128x2048xi32> to vector<128x2048xf32>
    %swap3A = arith.constant 0 : index
    %swap3A_24 = arith.constant 0 : index
    %swap3A_25 = vector.load %arg5[%swap3A, %swap3A_24] : memref<128x2048xf32, #tpu.memory_space<vmem>>, vector<128x2048xf32>
    tpu.vector_store %arg5[%swap3A, %swap3A_24], %convert_element_type3A {strides = array<i32>} : memref<128x2048xf32, #tpu.memory_space<vmem>>, vector<128x2048xf32>,
    %iota3A_26 = tpu.iota {dimensions = array<i32: 0>} : vector<128x1xi32>
    %mul3A_27 = arith.constant 128 : i32
    %mul3A_28 = arith.muli %arg1, %mul3A_27 : i32
    %add3A_29 = vector.broadcast %mul3A_28 : i32 to vector<128x1xi32>
    %add3A_30 = arith.addi %iota3A_26, %add3A_29 : vector<128x1xi32>
    %convert_element_type3A_31 = arith.sitofp %add3A_30 : vector<128x1xi32> to vector<128x1xf32>
    %get3A_32 = arith.constant 0 : index
    %get3A_33 = arith.constant 0 : index
    %get3A_34 = vector.load %arg5[%get3A_32, %get3A_33] : memref<128x2048xf32, #tpu.memory_space<vmem>>, vector<128x2048xf32>
    %eq3A = vector.broadcast %convert_element_type3A_31 : vector<128x1xf32> to vector<128x2048xf32>
    %eq3A_35 = arith.cmpf oeq, %get3A_34, %eq3A : vector<128x2048xf32>
    %jit3A = arith.constant 0x7F800000 : f32
    %broadcast_in_dim3A_36 = vector.broadcast %jit3A : f32 to vector<128x2048xf32>
    %select_n3A = arith.select %eq3A_35, %broadcast_in_dim3A_36, %add3A_21 : vector<128x2048xi1>, vector<128x2048xf32>
    %reduce_min3A = arith.constant dense<0x7F800000> : vector<128xf32>
    %reduce_min3A_37 = vector.multi_reduction <minimumf>, %select_n3A, %reduce_min3A [1] : vector<128x2048xf32> to vector<128xf32>
    %broadcast_in_dim3A_38 = vector.shape_cast %reduce_min3A_37 : vector<128xf32> to vector<128x1xf32>
    %le3A = vector.broadcast %broadcast_in_dim3A_38 : vector<128x1xf32> to vector<128x2048xf32>
    %le3A_39 = arith.cmpf ole, %select_n3A, %le3A : vector<128x2048xf32>
    %get3A_40 = arith.constant 0 : index
    %get3A_41 = arith.constant 0 : index
    %get3A_42 = vector.load %arg5[%get3A_40, %get3A_41] : memref<128x2048xf32, #tpu.memory_space<vmem>>, vector<128x2048xf32>
    %jit3A_43 = arith.constant 2.048000e+03 : f32
    %broadcast_in_dim3A_44 = vector.broadcast %jit3A_43 : f32 to vector<128x2048xf32>
    %select_n3A_45 = arith.select %le3A_39, %get3A_42, %broadcast_in_dim3A_44 : vector<128x2048xi1>, vector<128x2048xf32>
    %reduce_min3A_46 = arith.constant dense<0x7F800000> : vector<128xf32>
    %reduce_min3A_47 = vector.multi_reduction <minimumf>, %select_n3A_45, %reduce_min3A_46 [1] : vector<128x2048xf32> to vector<128xf32>
    %convert_element_type3A_48 = arith.fptosi %reduce_min3A_47 : vector<128xf32> to vector<128xi32>
    %add3A_49 = vector.broadcast %mul3A_23 : i32 to vector<128xi32>
    %add3A_50 = arith.addi %convert_element_type3A_48, %add3A_49 : vector<128xi32>
    %swap3A_51 = arith.constant 0 : index
    %swap3A_52 = arith.constant 0 : index
    %swap3A_53 = arith.constant 0 : index
    %swap3A_54 = vector.load %arg4[%swap3A_51, %swap3A_52, %swap3A_53] : memref<1x16x128xi32, #tpu.memory_space<vmem>>, vector<1x1x128xi32>
    %swap3A_55 = vector.shape_cast %swap3A_54 : vector<1x1x128xi32> to vector<128xi32>
    %swap3A_56 = vector.shape_cast %add3A_50 : vector<128xi32> to vector<1x1x128xi32>
    tpu.vector_store %arg4[%swap3A_51, %swap3A_52, %swap3A_53], %swap3A_56 {strides = array<i32>} : memref<1x16x128xi32, #tpu.memory_space<vmem>>, vector<1x1x128xi32>,
    %get3A_57 = arith.constant 0 : index
    %get3A_58 = arith.constant 0 : index
    %get3A_59 = vector.load %arg5[%get3A_57, %get3A_58] : memref<128x2048xf32, #tpu.memory_space<vmem>>, vector<128x2048xf32>
    %broadcast_in_dim3A_60 = vector.shape_cast %reduce_min3A_47 : vector<128xf32> to vector<128x1xf32>
    %eq3A_61 = vector.broadcast %broadcast_in_dim3A_60 : vector<128x1xf32> to vector<128x2048xf32>
    %eq3A_62 = arith.cmpf oeq, %get3A_59, %eq3A_61 : vector<128x2048xf32>
    %jit3A_63 = arith.constant 0x7F800000 : f32
    %broadcast_in_dim3A_64 = vector.broadcast %jit3A_63 : f32 to vector<128x2048xf32>
    %select_n3A_65 = arith.select %eq3A_62, %broadcast_in_dim3A_64, %select_n3A : vector<128x2048xi1>, vector<128x2048xf32>
    %reduce_min3A_66 = arith.constant dense<0x7F800000> : vector<128xf32>
    %reduce_min3A_67 = vector.multi_reduction <minimumf>, %select_n3A_65, %reduce_min3A_66 [1] : vector<128x2048xf32> to vector<128xf32>
    %broadcast_in_dim3A_68 = vector.shape_cast %reduce_min3A_67 : vector<128xf32> to vector<128x1xf32>
    %le3A_69 = vector.broadcast %broadcast_in_dim3A_68 : vector<128x1xf32> to vector<128x2048xf32>
    %le3A_70 = arith.cmpf ole, %select_n3A_65, %le3A_69 : vector<128x2048xf32>
    %get3A_71 = arith.constant 0 : index
    %get3A_72 = arith.constant 0 : index
    %get3A_73 = vector.load %arg5[%get3A_71, %get3A_72] : memref<128x2048xf32, #tpu.memory_space<vmem>>, vector<128x2048xf32>
    %jit3A_74 = arith.constant 2.048000e+03 : f32
    %broadcast_in_dim3A_75 = vector.broadcast %jit3A_74 : f32 to vector<128x2048xf32>
    %select_n3A_76 = arith.select %le3A_70, %get3A_73, %broadcast_in_dim3A_75 : vector<128x2048xi1>, vector<128x2048xf32>
    %reduce_min3A_77 = arith.constant dense<0x7F800000> : vector<128xf32>
    %reduce_min3A_78 = vector.multi_reduction <minimumf>, %select_n3A_76, %reduce_min3A_77 [1] : vector<128x2048xf32> to vector<128xf32>
    %convert_element_type3A_79 = arith.fptosi %reduce_min3A_78 : vector<128xf32> to vector<128xi32>
    %add3A_80 = vector.broadcast %mul3A_23 : i32 to vector<128xi32>
    %add3A_81 = arith.addi %convert_element_type3A_79, %add3A_80 : vector<128xi32>
    %swap3A_82 = arith.constant 0 : index
    %swap3A_83 = arith.constant 1 : index
    %swap3A_84 = arith.constant 0 : index
    %swap3A_85 = vector.load %arg4[%swap3A_82, %swap3A_83, %swap3A_84] : memref<1x16x128xi32, #tpu.memory_space<vmem>>, vector<1x1x128xi32>
    %swap3A_86 = vector.shape_cast %swap3A_85 : vector<1x1x128xi32> to vector<128xi32>
    %swap3A_87 = vector.shape_cast %add3A_81 : vector<128xi32> to vector<1x1x128xi32>
    tpu.vector_store %arg4[%swap3A_82, %swap3A_83, %swap3A_84], %swap3A_87 {strides = array<i32>} : memref<1x16x128xi32, #tpu.memory_space<vmem>>, vector<1x1x128xi32>,
    %get3A_88 = arith.constant 0 : index
    %get3A_89 = arith.constant 0 : index
    %get3A_90 = vector.load %arg5[%get3A_88, %get3A_89] : memref<128x2048xf32, #tpu.memory_space<vmem>>, vector<128x2048xf32>
    %broadcast_in_dim3A_91 = vector.shape_cast %reduce_min3A_78 : vector<128xf32> to vector<128x1xf32>
    %eq3A_92 = vector.broadcast %broadcast_in_dim3A_91 : vector<128x1xf32> to vector<128x2048xf32>
    %eq3A_93 = arith.cmpf oeq, %get3A_90, %eq3A_92 : vector<128x2048xf32>
    %jit3A_94 = arith.constant 0x7F800000 : f32
    %broadcast_in_dim3A_95 = vector.broadcast %jit3A_94 : f32 to vector<128x2048xf32>
    %select_n3A_96 = arith.select %eq3A_93, %broadcast_in_dim3A_95, %select_n3A_65 : vector<128x2048xi1>, vector<128x2048xf32>
    %reduce_min3A_97 = arith.constant dense<0x7F800000> : vector<128xf32>
    %reduce_min3A_98 = vector.multi_reduction <minimumf>, %select_n3A_96, %reduce_min3A_97 [1] : vector<128x2048xf32> to vector<128xf32>
    %broadcast_in_dim3A_99 = vector.shape_cast %reduce_min3A_98 : vector<128xf32> to vector<128x1xf32>
    %le3A_100 = vector.broadcast %broadcast_in_dim3A_99 : vector<128x1xf32> to vector<128x2048xf32>
    %le3A_101 = arith.cmpf ole, %select_n3A_96, %le3A_100 : vector<128x2048xf32>
    %get3A_102 = arith.constant 0 : index
    %get3A_103 = arith.constant 0 : index
    %get3A_104 = vector.load %arg5[%get3A_102, %get3A_103] : memref<128x2048xf32, #tpu.memory_space<vmem>>, vector<128x2048xf32>
    %jit3A_105 = arith.constant 2.048000e+03 : f32
    %broadcast_in_dim3A_106 = vector.broadcast %jit3A_105 : f32 to vector<128x2048xf32>
    %select_n3A_107 = arith.select %le3A_101, %get3A_104, %broadcast_in_dim3A_106 : vector<128x2048xi1>, vector<128x2048xf32>
    %reduce_min3A_108 = arith.constant dense<0x7F800000> : vector<128xf32>
    %reduce_min3A_109 = vector.multi_reduction <minimumf>, %select_n3A_107, %reduce_min3A_108 [1] : vector<128x2048xf32> to vector<128xf32>
    %convert_element_type3A_110 = arith.fptosi %reduce_min3A_109 : vector<128xf32> to vector<128xi32>
    %add3A_111 = vector.broadcast %mul3A_23 : i32 to vector<128xi32>
    %add3A_112 = arith.addi %convert_element_type3A_110, %add3A_111 : vector<128xi32>
    %swap3A_113 = arith.constant 0 : index
    %swap3A_114 = arith.constant 2 : index
    %swap3A_115 = arith.constant 0 : index
    %swap3A_116 = vector.load %arg4[%swap3A_113, %swap3A_114, %swap3A_115] : memref<1x16x128xi32, #tpu.memory_space<vmem>>, vector<1x1x128xi32>
    %swap3A_117 = vector.shape_cast %swap3A_116 : vector<1x1x128xi32> to vector<128xi32>
    %swap3A_118 = vector.shape_cast %add3A_112 : vector<128xi32> to vector<1x1x128xi32>
    tpu.vector_store %arg4[%swap3A_113, %swap3A_114, %swap3A_115], %swap3A_118 {strides = array<i32>} : memref<1x16x128xi32, #tpu.memory_space<vmem>>, vector<1x1x128xi32>,
    %get3A_119 = arith.constant 0 : index
    %get3A_120 = arith.constant 0 : index
    %get3A_121 = vector.load %arg5[%get3A_119, %get3A_120] : memref<128x2048xf32, #tpu.memory_space<vmem>>, vector<128x2048xf32>
    %broadcast_in_dim3A_122 = vector.shape_cast %reduce_min3A_109 : vector<128xf32> to vector<128x1xf32>
    %eq3A_123 = vector.broadcast %broadcast_in_dim3A_122 : vector<128x1xf32> to vector<128x2048xf32>
    %eq3A_124 = arith.cmpf oeq, %get3A_121, %eq3A_123 : vector<128x2048xf32>
    %jit3A_125 = arith.constant 0x7F800000 : f32
    %broadcast_in_dim3A_126 = vector.broadcast %jit3A_125 : f32 to vector<128x2048xf32>
    %select_n3A_127 = arith.select %eq3A_124, %broadcast_in_dim3A_126, %select_n3A_96 : vector<128x2048xi1>, vector<128x2048xf32>
    %reduce_min3A_128 = arith.constant dense<0x7F800000> : vector<128xf32>
    %reduce_min3A_129 = vector.multi_reduction <minimumf>, %select_n3A_127, %reduce_min3A_128 [1] : vector<128x2048xf32> to vector<128xf32>
    %broadcast_in_dim3A_130 = vector.shape_cast %reduce_min3A_129 : vector<128xf32> to vector<128x1xf32>
    %le3A_131 = vector.broadcast %broadcast_in_dim3A_130 : vector<128x1xf32> to vector<128x2048xf32>
    %le3A_132 = arith.cmpf ole, %select_n3A_127, %le3A_131 : vector<128x2048xf32>
    %get3A_133 = arith.constant 0 : index
    %get3A_134 = arith.constant 0 : index
    %get3A_135 = vector.load %arg5[%get3A_133, %get3A_134] : memref<128x2048xf32, #tpu.memory_space<vmem>>, vector<128x2048xf32>
    %jit3A_136 = arith.constant 2.048000e+03 : f32
    %broadcast_in_dim3A_137 = vector.broadcast %jit3A_136 : f32 to vector<128x2048xf32>
    %select_n3A_138 = arith.select %le3A_132, %get3A_135, %broadcast_in_dim3A_137 : vector<128x2048xi1>, vector<128x2048xf32>
    %reduce_min3A_139 = arith.constant dense<0x7F800000> : vector<128xf32>
    %reduce_min3A_140 = vector.multi_reduction <minimumf>, %select_n3A_138, %reduce_min3A_139 [1] : vector<128x2048xf32> to vector<128xf32>
    %convert_element_type3A_141 = arith.fptosi %reduce_min3A_140 : vector<128xf32> to vector<128xi32>
    %add3A_142 = vector.broadcast %mul3A_23 : i32 to vector<128xi32>
    %add3A_143 = arith.addi %convert_element_type3A_141, %add3A_142 : vector<128xi32>
    %swap3A_144 = arith.constant 0 : index
    %swap3A_145 = arith.constant 3 : index
    %swap3A_146 = arith.constant 0 : index
    %swap3A_147 = vector.load %arg4[%swap3A_144, %swap3A_145, %swap3A_146] : memref<1x16x128xi32, #tpu.memory_space<vmem>>, vector<1x1x128xi32>
    %swap3A_148 = vector.shape_cast %swap3A_147 : vector<1x1x128xi32> to vector<128xi32>
    %swap3A_149 = vector.shape_cast %add3A_143 : vector<128xi32> to vector<1x1x128xi32>
    tpu.vector_store %arg4[%swap3A_144, %swap3A_145, %swap3A_146], %swap3A_149 {strides = array<i32>} : memref<1x16x128xi32, #tpu.memory_space<vmem>>, vector<1x1x128xi32>,
    %get3A_150 = arith.constant 0 : index
    %get3A_151 = arith.constant 0 : index
    %get3A_152 = vector.load %arg5[%get3A_150, %get3A_151] : memref<128x2048xf32, #tpu.memory_space<vmem>>, vector<128x2048xf32>
    %broadcast_in_dim3A_153 = vector.shape_cast %reduce_min3A_140 : vector<128xf32> to vector<128x1xf32>
    %eq3A_154 = vector.broadcast %broadcast_in_dim3A_153 : vector<128x1xf32> to vector<128x2048xf32>
    %eq3A_155 = arith.cmpf oeq, %get3A_152, %eq3A_154 : vector<128x2048xf32>
    %jit3A_156 = arith.constant 0x7F800000 : f32
    %broadcast_in_dim3A_157 = vector.broadcast %jit3A_156 : f32 to vector<128x2048xf32>
    %select_n3A_158 = arith.select %eq3A_155, %broadcast_in_dim3A_157, %select_n3A_127 : vector<128x2048xi1>, vector<128x2048xf32>
    %reduce_min3A_159 = arith.constant dense<0x7F800000> : vector<128xf32>
    %reduce_min3A_160 = vector.multi_reduction <minimumf>, %select_n3A_158, %reduce_min3A_159 [1] : vector<128x2048xf32> to vector<128xf32>
    %broadcast_in_dim3A_161 = vector.shape_cast %reduce_min3A_160 : vector<128xf32> to vector<128x1xf32>
    %le3A_162 = vector.broadcast %broadcast_in_dim3A_161 : vector<128x1xf32> to vector<128x2048xf32>
    %le3A_163 = arith.cmpf ole, %select_n3A_158, %le3A_162 : vector<128x2048xf32>
    %get3A_164 = arith.constant 0 : index
    %get3A_165 = arith.constant 0 : index
    %get3A_166 = vector.load %arg5[%get3A_164, %get3A_165] : memref<128x2048xf32, #tpu.memory_space<vmem>>, vector<128x2048xf32>
    %jit3A_167 = arith.constant 2.048000e+03 : f32
    %broadcast_in_dim3A_168 = vector.broadcast %jit3A_167 : f32 to vector<128x2048xf32>
    %select_n3A_169 = arith.select %le3A_163, %get3A_166, %broadcast_in_dim3A_168 : vector<128x2048xi1>, vector<128x2048xf32>
    %reduce_min3A_170 = arith.constant dense<0x7F800000> : vector<128xf32>
    %reduce_min3A_171 = vector.multi_reduction <minimumf>, %select_n3A_169, %reduce_min3A_170 [1] : vector<128x2048xf32> to vector<128xf32>
    %convert_element_type3A_172 = arith.fptosi %reduce_min3A_171 : vector<128xf32> to vector<128xi32>
    %add3A_173 = vector.broadcast %mul3A_23 : i32 to vector<128xi32>
    %add3A_174 = arith.addi %convert_element_type3A_172, %add3A_173 : vector<128xi32>
    %swap3A_175 = arith.constant 0 : index
    %swap3A_176 = arith.constant 4 : index
    %swap3A_177 = arith.constant 0 : index
    %swap3A_178 = vector.load %arg4[%swap3A_175, %swap3A_176, %swap3A_177] : memref<1x16x128xi32, #tpu.memory_space<vmem>>, vector<1x1x128xi32>
    %swap3A_179 = vector.shape_cast %swap3A_178 : vector<1x1x128xi32> to vector<128xi32>
    %swap3A_180 = vector.shape_cast %add3A_174 : vector<128xi32> to vector<1x1x128xi32>
    tpu.vector_store %arg4[%swap3A_175, %swap3A_176, %swap3A_177], %swap3A_180 {strides = array<i32>} : memref<1x16x128xi32, #tpu.memory_space<vmem>>, vector<1x1x128xi32>,
    %get3A_181 = arith.constant 0 : index
    %get3A_182 = arith.constant 0 : index
    %get3A_183 = vector.load %arg5[%get3A_181, %get3A_182] : memref<128x2048xf32, #tpu.memory_space<vmem>>, vector<128x2048xf32>
    %broadcast_in_dim3A_184 = vector.shape_cast %reduce_min3A_171 : vector<128xf32> to vector<128x1xf32>
    %eq3A_185 = vector.broadcast %broadcast_in_dim3A_184 : vector<128x1xf32> to vector<128x2048xf32>
    %eq3A_186 = arith.cmpf oeq, %get3A_183, %eq3A_185 : vector<128x2048xf32>
    %jit3A_187 = arith.constant 0x7F800000 : f32
    %broadcast_in_dim3A_188 = vector.broadcast %jit3A_187 : f32 to vector<128x2048xf32>
    %select_n3A_189 = arith.select %eq3A_186, %broadcast_in_dim3A_188, %select_n3A_158 : vector<128x2048xi1>, vector<128x2048xf32>
    %reduce_min3A_190 = arith.constant dense<0x7F800000> : vector<128xf32>
    %reduce_min3A_191 = vector.multi_reduction <minimumf>, %select_n3A_189, %reduce_min3A_190 [1] : vector<128x2048xf32> to vector<128xf32>
    %broadcast_in_dim3A_192 = vector.shape_cast %reduce_min3A_191 : vector<128xf32> to vector<128x1xf32>
    %le3A_193 = vector.broadcast %broadcast_in_dim3A_192 : vector<128x1xf32> to vector<128x2048xf32>
    %le3A_194 = arith.cmpf ole, %select_n3A_189, %le3A_193 : vector<128x2048xf32>
    %get3A_195 = arith.constant 0 : index
    %get3A_196 = arith.constant 0 : index
    %get3A_197 = vector.load %arg5[%get3A_195, %get3A_196] : memref<128x2048xf32, #tpu.memory_space<vmem>>, vector<128x2048xf32>
    %jit3A_198 = arith.constant 2.048000e+03 : f32
    %broadcast_in_dim3A_199 = vector.broadcast %jit3A_198 : f32 to vector<128x2048xf32>
    %select_n3A_200 = arith.select %le3A_194, %get3A_197, %broadcast_in_dim3A_199 : vector<128x2048xi1>, vector<128x2048xf32>
    %reduce_min3A_201 = arith.constant dense<0x7F800000> : vector<128xf32>
    %reduce_min3A_202 = vector.multi_reduction <minimumf>, %select_n3A_200, %reduce_min3A_201 [1] : vector<128x2048xf32> to vector<128xf32>
    %convert_element_type3A_203 = arith.fptosi %reduce_min3A_202 : vector<128xf32> to vector<128xi32>
    %add3A_204 = vector.broadcast %mul3A_23 : i32 to vector<128xi32>
    %add3A_205 = arith.addi %convert_element_type3A_203, %add3A_204 : vector<128xi32>
    %swap3A_206 = arith.constant 0 : index
    %swap3A_207 = arith.constant 5 : index
    %swap3A_208 = arith.constant 0 : index
    %swap3A_209 = vector.load %arg4[%swap3A_206, %swap3A_207, %swap3A_208] : memref<1x16x128xi32, #tpu.memory_space<vmem>>, vector<1x1x128xi32>
    %swap3A_210 = vector.shape_cast %swap3A_209 : vector<1x1x128xi32> to vector<128xi32>
    %swap3A_211 = vector.shape_cast %add3A_205 : vector<128xi32> to vector<1x1x128xi32>
    tpu.vector_store %arg4[%swap3A_206, %swap3A_207, %swap3A_208], %swap3A_211 {strides = array<i32>} : memref<1x16x128xi32, #tpu.memory_space<vmem>>, vector<1x1x128xi32>,
    %get3A_212 = arith.constant 0 : index
    %get3A_213 = arith.constant 0 : index
    %get3A_214 = vector.load %arg5[%get3A_212, %get3A_213] : memref<128x2048xf32, #tpu.memory_space<vmem>>, vector<128x2048xf32>
    %broadcast_in_dim3A_215 = vector.shape_cast %reduce_min3A_202 : vector<128xf32> to vector<128x1xf32>
    %eq3A_216 = vector.broadcast %broadcast_in_dim3A_215 : vector<128x1xf32> to vector<128x2048xf32>
    %eq3A_217 = arith.cmpf oeq, %get3A_214, %eq3A_216 : vector<128x2048xf32>
    %jit3A_218 = arith.constant 0x7F800000 : f32
    %broadcast_in_dim3A_219 = vector.broadcast %jit3A_218 : f32 to vector<128x2048xf32>
    %select_n3A_220 = arith.select %eq3A_217, %broadcast_in_dim3A_219, %select_n3A_189 : vector<128x2048xi1>, vector<128x2048xf32>
    %reduce_min3A_221 = arith.constant dense<0x7F800000> : vector<128xf32>
    %reduce_min3A_222 = vector.multi_reduction <minimumf>, %select_n3A_220, %reduce_min3A_221 [1] : vector<128x2048xf32> to vector<128xf32>
    %broadcast_in_dim3A_223 = vector.shape_cast %reduce_min3A_222 : vector<128xf32> to vector<128x1xf32>
    %le3A_224 = vector.broadcast %broadcast_in_dim3A_223 : vector<128x1xf32> to vector<128x2048xf32>
    %le3A_225 = arith.cmpf ole, %select_n3A_220, %le3A_224 : vector<128x2048xf32>
    %get3A_226 = arith.constant 0 : index
    %get3A_227 = arith.constant 0 : index
    %get3A_228 = vector.load %arg5[%get3A_226, %get3A_227] : memref<128x2048xf32, #tpu.memory_space<vmem>>, vector<128x2048xf32>
    %jit3A_229 = arith.constant 2.048000e+03 : f32
    %broadcast_in_dim3A_230 = vector.broadcast %jit3A_229 : f32 to vector<128x2048xf32>
    %select_n3A_231 = arith.select %le3A_225, %get3A_228, %broadcast_in_dim3A_230 : vector<128x2048xi1>, vector<128x2048xf32>
    %reduce_min3A_232 = arith.constant dense<0x7F800000> : vector<128xf32>
    %reduce_min3A_233 = vector.multi_reduction <minimumf>, %select_n3A_231, %reduce_min3A_232 [1] : vector<128x2048xf32> to vector<128xf32>
    %convert_element_type3A_234 = arith.fptosi %reduce_min3A_233 : vector<128xf32> to vector<128xi32>
    %add3A_235 = vector.broadcast %mul3A_23 : i32 to vector<128xi32>
    %add3A_236 = arith.addi %convert_element_type3A_234, %add3A_235 : vector<128xi32>
    %swap3A_237 = arith.constant 0 : index
    %swap3A_238 = arith.constant 6 : index
    %swap3A_239 = arith.constant 0 : index
    %swap3A_240 = vector.load %arg4[%swap3A_237, %swap3A_238, %swap3A_239] : memref<1x16x128xi32, #tpu.memory_space<vmem>>, vector<1x1x128xi32>
    %swap3A_241 = vector.shape_cast %swap3A_240 : vector<1x1x128xi32> to vector<128xi32>
    %swap3A_242 = vector.shape_cast %add3A_236 : vector<128xi32> to vector<1x1x128xi32>
    tpu.vector_store %arg4[%swap3A_237, %swap3A_238, %swap3A_239], %swap3A_242 {strides = array<i32>} : memref<1x16x128xi32, #tpu.memory_space<vmem>>, vector<1x1x128xi32>,
    %get3A_243 = arith.constant 0 : index
    %get3A_244 = arith.constant 0 : index
    %get3A_245 = vector.load %arg5[%get3A_243, %get3A_244] : memref<128x2048xf32, #tpu.memory_space<vmem>>, vector<128x2048xf32>
    %broadcast_in_dim3A_246 = vector.shape_cast %reduce_min3A_233 : vector<128xf32> to vector<128x1xf32>
    %eq3A_247 = vector.broadcast %broadcast_in_dim3A_246 : vector<128x1xf32> to vector<128x2048xf32>
    %eq3A_248 = arith.cmpf oeq, %get3A_245, %eq3A_247 : vector<128x2048xf32>
    %jit3A_249 = arith.constant 0x7F800000 : f32
    %broadcast_in_dim3A_250 = vector.broadcast %jit3A_249 : f32 to vector<128x2048xf32>
    %select_n3A_251 = arith.select %eq3A_248, %broadcast_in_dim3A_250, %select_n3A_220 : vector<128x2048xi1>, vector<128x2048xf32>
    %reduce_min3A_252 = arith.constant dense<0x7F800000> : vector<128xf32>
    %reduce_min3A_253 = vector.multi_reduction <minimumf>, %select_n3A_251, %reduce_min3A_252 [1] : vector<128x2048xf32> to vector<128xf32>
    %broadcast_in_dim3A_254 = vector.shape_cast %reduce_min3A_253 : vector<128xf32> to vector<128x1xf32>
    %le3A_255 = vector.broadcast %broadcast_in_dim3A_254 : vector<128x1xf32> to vector<128x2048xf32>
    %le3A_256 = arith.cmpf ole, %select_n3A_251, %le3A_255 : vector<128x2048xf32>
    %get3A_257 = arith.constant 0 : index
    %get3A_258 = arith.constant 0 : index
    %get3A_259 = vector.load %arg5[%get3A_257, %get3A_258] : memref<128x2048xf32, #tpu.memory_space<vmem>>, vector<128x2048xf32>
    %jit3A_260 = arith.constant 2.048000e+03 : f32
    %broadcast_in_dim3A_261 = vector.broadcast %jit3A_260 : f32 to vector<128x2048xf32>
    %select_n3A_262 = arith.select %le3A_256, %get3A_259, %broadcast_in_dim3A_261 : vector<128x2048xi1>, vector<128x2048xf32>
    %reduce_min3A_263 = arith.constant dense<0x7F800000> : vector<128xf32>
    %reduce_min3A_264 = vector.multi_reduction <minimumf>, %select_n3A_262, %reduce_min3A_263 [1] : vector<128x2048xf32> to vector<128xf32>
    %convert_element_type3A_265 = arith.fptosi %reduce_min3A_264 : vector<128xf32> to vector<128xi32>
    %add3A_266 = vector.broadcast %mul3A_23 : i32 to vector<128xi32>
    %add3A_267 = arith.addi %convert_element_type3A_265, %add3A_266 : vector<128xi32>
    %swap3A_268 = arith.constant 0 : index
    %swap3A_269 = arith.constant 7 : index
    %swap3A_270 = arith.constant 0 : index
    %swap3A_271 = vector.load %arg4[%swap3A_268, %swap3A_269, %swap3A_270] : memref<1x16x128xi32, #tpu.memory_space<vmem>>, vector<1x1x128xi32>
    %swap3A_272 = vector.shape_cast %swap3A_271 : vector<1x1x128xi32> to vector<128xi32>
    %swap3A_273 = vector.shape_cast %add3A_267 : vector<128xi32> to vector<1x1x128xi32>
    tpu.vector_store %arg4[%swap3A_268, %swap3A_269, %swap3A_270], %swap3A_273 {strides = array<i32>} : memref<1x16x128xi32, #tpu.memory_space<vmem>>, vector<1x1x128xi32>,
    %get3A_274 = arith.constant 0 : index
    %get3A_275 = arith.constant 0 : index
    %get3A_276 = vector.load %arg5[%get3A_274, %get3A_275] : memref<128x2048xf32, #tpu.memory_space<vmem>>, vector<128x2048xf32>
    %broadcast_in_dim3A_277 = vector.shape_cast %reduce_min3A_264 : vector<128xf32> to vector<128x1xf32>
    %eq3A_278 = vector.broadcast %broadcast_in_dim3A_277 : vector<128x1xf32> to vector<128x2048xf32>
    %eq3A_279 = arith.cmpf oeq, %get3A_276, %eq3A_278 : vector<128x2048xf32>
    %jit3A_280 = arith.constant 0x7F800000 : f32
    %broadcast_in_dim3A_281 = vector.broadcast %jit3A_280 : f32 to vector<128x2048xf32>
    %select_n3A_282 = arith.select %eq3A_279, %broadcast_in_dim3A_281, %select_n3A_251 : vector<128x2048xi1>, vector<128x2048xf32>
    %reduce_min3A_283 = arith.constant dense<0x7F800000> : vector<128xf32>
    %reduce_min3A_284 = vector.multi_reduction <minimumf>, %select_n3A_282, %reduce_min3A_283 [1] : vector<128x2048xf32> to vector<128xf32>
    %broadcast_in_dim3A_285 = vector.shape_cast %reduce_min3A_284 : vector<128xf32> to vector<128x1xf32>
    %le3A_286 = vector.broadcast %broadcast_in_dim3A_285 : vector<128x1xf32> to vector<128x2048xf32>
    %le3A_287 = arith.cmpf ole, %select_n3A_282, %le3A_286 : vector<128x2048xf32>
    %get3A_288 = arith.constant 0 : index
    %get3A_289 = arith.constant 0 : index
    %get3A_290 = vector.load %arg5[%get3A_288, %get3A_289] : memref<128x2048xf32, #tpu.memory_space<vmem>>, vector<128x2048xf32>
    %jit3A_291 = arith.constant 2.048000e+03 : f32
    %broadcast_in_dim3A_292 = vector.broadcast %jit3A_291 : f32 to vector<128x2048xf32>
    %select_n3A_293 = arith.select %le3A_287, %get3A_290, %broadcast_in_dim3A_292 : vector<128x2048xi1>, vector<128x2048xf32>
    %reduce_min3A_294 = arith.constant dense<0x7F800000> : vector<128xf32>
    %reduce_min3A_295 = vector.multi_reduction <minimumf>, %select_n3A_293, %reduce_min3A_294 [1] : vector<128x2048xf32> to vector<128xf32>
    %convert_element_type3A_296 = arith.fptosi %reduce_min3A_295 : vector<128xf32> to vector<128xi32>
    %add3A_297 = vector.broadcast %mul3A_23 : i32 to vector<128xi32>
    %add3A_298 = arith.addi %convert_element_type3A_296, %add3A_297 : vector<128xi32>
    %swap3A_299 = arith.constant 0 : index
    %swap3A_300 = arith.constant 8 : index
    %swap3A_301 = arith.constant 0 : index
    %swap3A_302 = vector.load %arg4[%swap3A_299, %swap3A_300, %swap3A_301] : memref<1x16x128xi32, #tpu.memory_space<vmem>>, vector<1x1x128xi32>
    %swap3A_303 = vector.shape_cast %swap3A_302 : vector<1x1x128xi32> to vector<128xi32>
    %swap3A_304 = vector.shape_cast %add3A_298 : vector<128xi32> to vector<1x1x128xi32>
    tpu.vector_store %arg4[%swap3A_299, %swap3A_300, %swap3A_301], %swap3A_304 {strides = array<i32>} : memref<1x16x128xi32, #tpu.memory_space<vmem>>, vector<1x1x128xi32>,
    %get3A_305 = arith.constant 0 : index
    %get3A_306 = arith.constant 0 : index
    %get3A_307 = vector.load %arg5[%get3A_305, %get3A_306] : memref<128x2048xf32, #tpu.memory_space<vmem>>, vector<128x2048xf32>
    %broadcast_in_dim3A_308 = vector.shape_cast %reduce_min3A_295 : vector<128xf32> to vector<128x1xf32>
    %eq3A_309 = vector.broadcast %broadcast_in_dim3A_308 : vector<128x1xf32> to vector<128x2048xf32>
    %eq3A_310 = arith.cmpf oeq, %get3A_307, %eq3A_309 : vector<128x2048xf32>
    %jit3A_311 = arith.constant 0x7F800000 : f32
    %broadcast_in_dim3A_312 = vector.broadcast %jit3A_311 : f32 to vector<128x2048xf32>
    %select_n3A_313 = arith.select %eq3A_310, %broadcast_in_dim3A_312, %select_n3A_282 : vector<128x2048xi1>, vector<128x2048xf32>
    %reduce_min3A_314 = arith.constant dense<0x7F800000> : vector<128xf32>
    %reduce_min3A_315 = vector.multi_reduction <minimumf>, %select_n3A_313, %reduce_min3A_314 [1] : vector<128x2048xf32> to vector<128xf32>
    %broadcast_in_dim3A_316 = vector.shape_cast %reduce_min3A_315 : vector<128xf32> to vector<128x1xf32>
    %le3A_317 = vector.broadcast %broadcast_in_dim3A_316 : vector<128x1xf32> to vector<128x2048xf32>
    %le3A_318 = arith.cmpf ole, %select_n3A_313, %le3A_317 : vector<128x2048xf32>
    %get3A_319 = arith.constant 0 : index
    %get3A_320 = arith.constant 0 : index
    %get3A_321 = vector.load %arg5[%get3A_319, %get3A_320] : memref<128x2048xf32, #tpu.memory_space<vmem>>, vector<128x2048xf32>
    %jit3A_322 = arith.constant 2.048000e+03 : f32
    %broadcast_in_dim3A_323 = vector.broadcast %jit3A_322 : f32 to vector<128x2048xf32>
    %select_n3A_324 = arith.select %le3A_318, %get3A_321, %broadcast_in_dim3A_323 : vector<128x2048xi1>, vector<128x2048xf32>
    %reduce_min3A_325 = arith.constant dense<0x7F800000> : vector<128xf32>
    %reduce_min3A_326 = vector.multi_reduction <minimumf>, %select_n3A_324, %reduce_min3A_325 [1] : vector<128x2048xf32> to vector<128xf32>
    %convert_element_type3A_327 = arith.fptosi %reduce_min3A_326 : vector<128xf32> to vector<128xi32>
    %add3A_328 = vector.broadcast %mul3A_23 : i32 to vector<128xi32>
    %add3A_329 = arith.addi %convert_element_type3A_327, %add3A_328 : vector<128xi32>
    %swap3A_330 = arith.constant 0 : index
    %swap3A_331 = arith.constant 9 : index
    %swap3A_332 = arith.constant 0 : index
    %swap3A_333 = vector.load %arg4[%swap3A_330, %swap3A_331, %swap3A_332] : memref<1x16x128xi32, #tpu.memory_space<vmem>>, vector<1x1x128xi32>
    %swap3A_334 = vector.shape_cast %swap3A_333 : vector<1x1x128xi32> to vector<128xi32>
    %swap3A_335 = vector.shape_cast %add3A_329 : vector<128xi32> to vector<1x1x128xi32>
    tpu.vector_store %arg4[%swap3A_330, %swap3A_331, %swap3A_332], %swap3A_335 {strides = array<i32>} : memref<1x16x128xi32, #tpu.memory_space<vmem>>, vector<1x1x128xi32>,
    %get3A_336 = arith.constant 0 : index
    %get3A_337 = arith.constant 0 : index
    %get3A_338 = vector.load %arg5[%get3A_336, %get3A_337] : memref<128x2048xf32, #tpu.memory_space<vmem>>, vector<128x2048xf32>
    %broadcast_in_dim3A_339 = vector.shape_cast %reduce_min3A_326 : vector<128xf32> to vector<128x1xf32>
    %eq3A_340 = vector.broadcast %broadcast_in_dim3A_339 : vector<128x1xf32> to vector<128x2048xf32>
    %eq3A_341 = arith.cmpf oeq, %get3A_338, %eq3A_340 : vector<128x2048xf32>
    %jit3A_342 = arith.constant 0x7F800000 : f32
    %broadcast_in_dim3A_343 = vector.broadcast %jit3A_342 : f32 to vector<128x2048xf32>
    %select_n3A_344 = arith.select %eq3A_341, %broadcast_in_dim3A_343, %select_n3A_313 : vector<128x2048xi1>, vector<128x2048xf32>
    %reduce_min3A_345 = arith.constant dense<0x7F800000> : vector<128xf32>
    %reduce_min3A_346 = vector.multi_reduction <minimumf>, %select_n3A_344, %reduce_min3A_345 [1] : vector<128x2048xf32> to vector<128xf32>
    %broadcast_in_dim3A_347 = vector.shape_cast %reduce_min3A_346 : vector<128xf32> to vector<128x1xf32>
    %le3A_348 = vector.broadcast %broadcast_in_dim3A_347 : vector<128x1xf32> to vector<128x2048xf32>
    %le3A_349 = arith.cmpf ole, %select_n3A_344, %le3A_348 : vector<128x2048xf32>
    %get3A_350 = arith.constant 0 : index
    %get3A_351 = arith.constant 0 : index
    %get3A_352 = vector.load %arg5[%get3A_350, %get3A_351] : memref<128x2048xf32, #tpu.memory_space<vmem>>, vector<128x2048xf32>
    %jit3A_353 = arith.constant 2.048000e+03 : f32
    %broadcast_in_dim3A_354 = vector.broadcast %jit3A_353 : f32 to vector<128x2048xf32>
    %select_n3A_355 = arith.select %le3A_349, %get3A_352, %broadcast_in_dim3A_354 : vector<128x2048xi1>, vector<128x2048xf32>
    %reduce_min3A_356 = arith.constant dense<0x7F800000> : vector<128xf32>
    %reduce_min3A_357 = vector.multi_reduction <minimumf>, %select_n3A_355, %reduce_min3A_356 [1] : vector<128x2048xf32> to vector<128xf32>
    %convert_element_type3A_358 = arith.fptosi %reduce_min3A_357 : vector<128xf32> to vector<128xi32>
    %add3A_359 = vector.broadcast %mul3A_23 : i32 to vector<128xi32>
    %add3A_360 = arith.addi %convert_element_type3A_358, %add3A_359 : vector<128xi32>
    %swap3A_361 = arith.constant 0 : index
    %swap3A_362 = arith.constant 10 : index
    %swap3A_363 = arith.constant 0 : index
    %swap3A_364 = vector.load %arg4[%swap3A_361, %swap3A_362, %swap3A_363] : memref<1x16x128xi32, #tpu.memory_space<vmem>>, vector<1x1x128xi32>
    %swap3A_365 = vector.shape_cast %swap3A_364 : vector<1x1x128xi32> to vector<128xi32>
    %swap3A_366 = vector.shape_cast %add3A_360 : vector<128xi32> to vector<1x1x128xi32>
    tpu.vector_store %arg4[%swap3A_361, %swap3A_362, %swap3A_363], %swap3A_366 {strides = array<i32>} : memref<1x16x128xi32, #tpu.memory_space<vmem>>, vector<1x1x128xi32>,
    %get3A_367 = arith.constant 0 : index
    %get3A_368 = arith.constant 0 : index
    %get3A_369 = vector.load %arg5[%get3A_367, %get3A_368] : memref<128x2048xf32, #tpu.memory_space<vmem>>, vector<128x2048xf32>
    %broadcast_in_dim3A_370 = vector.shape_cast %reduce_min3A_357 : vector<128xf32> to vector<128x1xf32>
    %eq3A_371 = vector.broadcast %broadcast_in_dim3A_370 : vector<128x1xf32> to vector<128x2048xf32>
    %eq3A_372 = arith.cmpf oeq, %get3A_369, %eq3A_371 : vector<128x2048xf32>
    %jit3A_373 = arith.constant 0x7F800000 : f32
    %broadcast_in_dim3A_374 = vector.broadcast %jit3A_373 : f32 to vector<128x2048xf32>
    %select_n3A_375 = arith.select %eq3A_372, %broadcast_in_dim3A_374, %select_n3A_344 : vector<128x2048xi1>, vector<128x2048xf32>
    %reduce_min3A_376 = arith.constant dense<0x7F800000> : vector<128xf32>
    %reduce_min3A_377 = vector.multi_reduction <minimumf>, %select_n3A_375, %reduce_min3A_376 [1] : vector<128x2048xf32> to vector<128xf32>
    %broadcast_in_dim3A_378 = vector.shape_cast %reduce_min3A_377 : vector<128xf32> to vector<128x1xf32>
    %le3A_379 = vector.broadcast %broadcast_in_dim3A_378 : vector<128x1xf32> to vector<128x2048xf32>
    %le3A_380 = arith.cmpf ole, %select_n3A_375, %le3A_379 : vector<128x2048xf32>
    %get3A_381 = arith.constant 0 : index
    %get3A_382 = arith.constant 0 : index
    %get3A_383 = vector.load %arg5[%get3A_381, %get3A_382] : memref<128x2048xf32, #tpu.memory_space<vmem>>, vector<128x2048xf32>
    %jit3A_384 = arith.constant 2.048000e+03 : f32
    %broadcast_in_dim3A_385 = vector.broadcast %jit3A_384 : f32 to vector<128x2048xf32>
    %select_n3A_386 = arith.select %le3A_380, %get3A_383, %broadcast_in_dim3A_385 : vector<128x2048xi1>, vector<128x2048xf32>
    %reduce_min3A_387 = arith.constant dense<0x7F800000> : vector<128xf32>
    %reduce_min3A_388 = vector.multi_reduction <minimumf>, %select_n3A_386, %reduce_min3A_387 [1] : vector<128x2048xf32> to vector<128xf32>
    %convert_element_type3A_389 = arith.fptosi %reduce_min3A_388 : vector<128xf32> to vector<128xi32>
    %add3A_390 = vector.broadcast %mul3A_23 : i32 to vector<128xi32>
    %add3A_391 = arith.addi %convert_element_type3A_389, %add3A_390 : vector<128xi32>
    %swap3A_392 = arith.constant 0 : index
    %swap3A_393 = arith.constant 11 : index
    %swap3A_394 = arith.constant 0 : index
    %swap3A_395 = vector.load %arg4[%swap3A_392, %swap3A_393, %swap3A_394] : memref<1x16x128xi32, #tpu.memory_space<vmem>>, vector<1x1x128xi32>
    %swap3A_396 = vector.shape_cast %swap3A_395 : vector<1x1x128xi32> to vector<128xi32>
    %swap3A_397 = vector.shape_cast %add3A_391 : vector<128xi32> to vector<1x1x128xi32>
    tpu.vector_store %arg4[%swap3A_392, %swap3A_393, %swap3A_394], %swap3A_397 {strides = array<i32>} : memref<1x16x128xi32, #tpu.memory_space<vmem>>, vector<1x1x128xi32>,
    %get3A_398 = arith.constant 0 : index
    %get3A_399 = arith.constant 0 : index
    %get3A_400 = vector.load %arg5[%get3A_398, %get3A_399] : memref<128x2048xf32, #tpu.memory_space<vmem>>, vector<128x2048xf32>
    %broadcast_in_dim3A_401 = vector.shape_cast %reduce_min3A_388 : vector<128xf32> to vector<128x1xf32>
    %eq3A_402 = vector.broadcast %broadcast_in_dim3A_401 : vector<128x1xf32> to vector<128x2048xf32>
    %eq3A_403 = arith.cmpf oeq, %get3A_400, %eq3A_402 : vector<128x2048xf32>
    %jit3A_404 = arith.constant 0x7F800000 : f32
    %broadcast_in_dim3A_405 = vector.broadcast %jit3A_404 : f32 to vector<128x2048xf32>
    %select_n3A_406 = arith.select %eq3A_403, %broadcast_in_dim3A_405, %select_n3A_375 : vector<128x2048xi1>, vector<128x2048xf32>
    %reduce_min3A_407 = arith.constant dense<0x7F800000> : vector<128xf32>
    %reduce_min3A_408 = vector.multi_reduction <minimumf>, %select_n3A_406, %reduce_min3A_407 [1] : vector<128x2048xf32> to vector<128xf32>
    %broadcast_in_dim3A_409 = vector.shape_cast %reduce_min3A_408 : vector<128xf32> to vector<128x1xf32>
    %le3A_410 = vector.broadcast %broadcast_in_dim3A_409 : vector<128x1xf32> to vector<128x2048xf32>
    %le3A_411 = arith.cmpf ole, %select_n3A_406, %le3A_410 : vector<128x2048xf32>
    %get3A_412 = arith.constant 0 : index
    %get3A_413 = arith.constant 0 : index
    %get3A_414 = vector.load %arg5[%get3A_412, %get3A_413] : memref<128x2048xf32, #tpu.memory_space<vmem>>, vector<128x2048xf32>
    %jit3A_415 = arith.constant 2.048000e+03 : f32
    %broadcast_in_dim3A_416 = vector.broadcast %jit3A_415 : f32 to vector<128x2048xf32>
    %select_n3A_417 = arith.select %le3A_411, %get3A_414, %broadcast_in_dim3A_416 : vector<128x2048xi1>, vector<128x2048xf32>
    %reduce_min3A_418 = arith.constant dense<0x7F800000> : vector<128xf32>
    %reduce_min3A_419 = vector.multi_reduction <minimumf>, %select_n3A_417, %reduce_min3A_418 [1] : vector<128x2048xf32> to vector<128xf32>
    %convert_element_type3A_420 = arith.fptosi %reduce_min3A_419 : vector<128xf32> to vector<128xi32>
    %add3A_421 = vector.broadcast %mul3A_23 : i32 to vector<128xi32>
    %add3A_422 = arith.addi %convert_element_type3A_420, %add3A_421 : vector<128xi32>
    %swap3A_423 = arith.constant 0 : index
    %swap3A_424 = arith.constant 12 : index
    %swap3A_425 = arith.constant 0 : index
    %swap3A_426 = vector.load %arg4[%swap3A_423, %swap3A_424, %swap3A_425] : memref<1x16x128xi32, #tpu.memory_space<vmem>>, vector<1x1x128xi32>
    %swap3A_427 = vector.shape_cast %swap3A_426 : vector<1x1x128xi32> to vector<128xi32>
    %swap3A_428 = vector.shape_cast %add3A_422 : vector<128xi32> to vector<1x1x128xi32>
    tpu.vector_store %arg4[%swap3A_423, %swap3A_424, %swap3A_425], %swap3A_428 {strides = array<i32>} : memref<1x16x128xi32, #tpu.memory_space<vmem>>, vector<1x1x128xi32>,
    %get3A_429 = arith.constant 0 : index
    %get3A_430 = arith.constant 0 : index
    %get3A_431 = vector.load %arg5[%get3A_429, %get3A_430] : memref<128x2048xf32, #tpu.memory_space<vmem>>, vector<128x2048xf32>
    %broadcast_in_dim3A_432 = vector.shape_cast %reduce_min3A_419 : vector<128xf32> to vector<128x1xf32>
    %eq3A_433 = vector.broadcast %broadcast_in_dim3A_432 : vector<128x1xf32> to vector<128x2048xf32>
    %eq3A_434 = arith.cmpf oeq, %get3A_431, %eq3A_433 : vector<128x2048xf32>
    %jit3A_435 = arith.constant 0x7F800000 : f32
    %broadcast_in_dim3A_436 = vector.broadcast %jit3A_435 : f32 to vector<128x2048xf32>
    %select_n3A_437 = arith.select %eq3A_434, %broadcast_in_dim3A_436, %select_n3A_406 : vector<128x2048xi1>, vector<128x2048xf32>
    %reduce_min3A_438 = arith.constant dense<0x7F800000> : vector<128xf32>
    %reduce_min3A_439 = vector.multi_reduction <minimumf>, %select_n3A_437, %reduce_min3A_438 [1] : vector<128x2048xf32> to vector<128xf32>
    %broadcast_in_dim3A_440 = vector.shape_cast %reduce_min3A_439 : vector<128xf32> to vector<128x1xf32>
    %le3A_441 = vector.broadcast %broadcast_in_dim3A_440 : vector<128x1xf32> to vector<128x2048xf32>
    %le3A_442 = arith.cmpf ole, %select_n3A_437, %le3A_441 : vector<128x2048xf32>
    %get3A_443 = arith.constant 0 : index
    %get3A_444 = arith.constant 0 : index
    %get3A_445 = vector.load %arg5[%get3A_443, %get3A_444] : memref<128x2048xf32, #tpu.memory_space<vmem>>, vector<128x2048xf32>
    %jit3A_446 = arith.constant 2.048000e+03 : f32
    %broadcast_in_dim3A_447 = vector.broadcast %jit3A_446 : f32 to vector<128x2048xf32>
    %select_n3A_448 = arith.select %le3A_442, %get3A_445, %broadcast_in_dim3A_447 : vector<128x2048xi1>, vector<128x2048xf32>
    %reduce_min3A_449 = arith.constant dense<0x7F800000> : vector<128xf32>
    %reduce_min3A_450 = vector.multi_reduction <minimumf>, %select_n3A_448, %reduce_min3A_449 [1] : vector<128x2048xf32> to vector<128xf32>
    %convert_element_type3A_451 = arith.fptosi %reduce_min3A_450 : vector<128xf32> to vector<128xi32>
    %add3A_452 = vector.broadcast %mul3A_23 : i32 to vector<128xi32>
    %add3A_453 = arith.addi %convert_element_type3A_451, %add3A_452 : vector<128xi32>
    %swap3A_454 = arith.constant 0 : index
    %swap3A_455 = arith.constant 13 : index
    %swap3A_456 = arith.constant 0 : index
    %swap3A_457 = vector.load %arg4[%swap3A_454, %swap3A_455, %swap3A_456] : memref<1x16x128xi32, #tpu.memory_space<vmem>>, vector<1x1x128xi32>
    %swap3A_458 = vector.shape_cast %swap3A_457 : vector<1x1x128xi32> to vector<128xi32>
    %swap3A_459 = vector.shape_cast %add3A_453 : vector<128xi32> to vector<1x1x128xi32>
    tpu.vector_store %arg4[%swap3A_454, %swap3A_455, %swap3A_456], %swap3A_459 {strides = array<i32>} : memref<1x16x128xi32, #tpu.memory_space<vmem>>, vector<1x1x128xi32>,
    %get3A_460 = arith.constant 0 : index
    %get3A_461 = arith.constant 0 : index
    %get3A_462 = vector.load %arg5[%get3A_460, %get3A_461] : memref<128x2048xf32, #tpu.memory_space<vmem>>, vector<128x2048xf32>
    %broadcast_in_dim3A_463 = vector.shape_cast %reduce_min3A_450 : vector<128xf32> to vector<128x1xf32>
    %eq3A_464 = vector.broadcast %broadcast_in_dim3A_463 : vector<128x1xf32> to vector<128x2048xf32>
    %eq3A_465 = arith.cmpf oeq, %get3A_462, %eq3A_464 : vector<128x2048xf32>
    %jit3A_466 = arith.constant 0x7F800000 : f32
    %broadcast_in_dim3A_467 = vector.broadcast %jit3A_466 : f32 to vector<128x2048xf32>
    %select_n3A_468 = arith.select %eq3A_465, %broadcast_in_dim3A_467, %select_n3A_437 : vector<128x2048xi1>, vector<128x2048xf32>
    %reduce_min3A_469 = arith.constant dense<0x7F800000> : vector<128xf32>
    %reduce_min3A_470 = vector.multi_reduction <minimumf>, %select_n3A_468, %reduce_min3A_469 [1] : vector<128x2048xf32> to vector<128xf32>
    %broadcast_in_dim3A_471 = vector.shape_cast %reduce_min3A_470 : vector<128xf32> to vector<128x1xf32>
    %le3A_472 = vector.broadcast %broadcast_in_dim3A_471 : vector<128x1xf32> to vector<128x2048xf32>
    %le3A_473 = arith.cmpf ole, %select_n3A_468, %le3A_472 : vector<128x2048xf32>
    %get3A_474 = arith.constant 0 : index
    %get3A_475 = arith.constant 0 : index
    %get3A_476 = vector.load %arg5[%get3A_474, %get3A_475] : memref<128x2048xf32, #tpu.memory_space<vmem>>, vector<128x2048xf32>
    %jit3A_477 = arith.constant 2.048000e+03 : f32
    %broadcast_in_dim3A_478 = vector.broadcast %jit3A_477 : f32 to vector<128x2048xf32>
    %select_n3A_479 = arith.select %le3A_473, %get3A_476, %broadcast_in_dim3A_478 : vector<128x2048xi1>, vector<128x2048xf32>
    %reduce_min3A_480 = arith.constant dense<0x7F800000> : vector<128xf32>
    %reduce_min3A_481 = vector.multi_reduction <minimumf>, %select_n3A_479, %reduce_min3A_480 [1] : vector<128x2048xf32> to vector<128xf32>
    %convert_element_type3A_482 = arith.fptosi %reduce_min3A_481 : vector<128xf32> to vector<128xi32>
    %add3A_483 = vector.broadcast %mul3A_23 : i32 to vector<128xi32>
    %add3A_484 = arith.addi %convert_element_type3A_482, %add3A_483 : vector<128xi32>
    %swap3A_485 = arith.constant 0 : index
    %swap3A_486 = arith.constant 14 : index
    %swap3A_487 = arith.constant 0 : index
    %swap3A_488 = vector.load %arg4[%swap3A_485, %swap3A_486, %swap3A_487] : memref<1x16x128xi32, #tpu.memory_space<vmem>>, vector<1x1x128xi32>
    %swap3A_489 = vector.shape_cast %swap3A_488 : vector<1x1x128xi32> to vector<128xi32>
    %swap3A_490 = vector.shape_cast %add3A_484 : vector<128xi32> to vector<1x1x128xi32>
    tpu.vector_store %arg4[%swap3A_485, %swap3A_486, %swap3A_487], %swap3A_490 {strides = array<i32>} : memref<1x16x128xi32, #tpu.memory_space<vmem>>, vector<1x1x128xi32>,
    %get3A_491 = arith.constant 0 : index
    %get3A_492 = arith.constant 0 : index
    %get3A_493 = vector.load %arg5[%get3A_491, %get3A_492] : memref<128x2048xf32, #tpu.memory_space<vmem>>, vector<128x2048xf32>
    %broadcast_in_dim3A_494 = vector.shape_cast %reduce_min3A_481 : vector<128xf32> to vector<128x1xf32>
    %eq3A_495 = vector.broadcast %broadcast_in_dim3A_494 : vector<128x1xf32> to vector<128x2048xf32>
    %eq3A_496 = arith.cmpf oeq, %get3A_493, %eq3A_495 : vector<128x2048xf32>
    %jit3A_497 = arith.constant 0x7F800000 : f32
    %broadcast_in_dim3A_498 = vector.broadcast %jit3A_497 : f32 to vector<128x2048xf32>
    %select_n3A_499 = arith.select %eq3A_496, %broadcast_in_dim3A_498, %select_n3A_468 : vector<128x2048xi1>, vector<128x2048xf32>
    %reduce_min3A_500 = arith.constant dense<0x7F800000> : vector<128xf32>
    %reduce_min3A_501 = vector.multi_reduction <minimumf>, %select_n3A_499, %reduce_min3A_500 [1] : vector<128x2048xf32> to vector<128xf32>
    %broadcast_in_dim3A_502 = vector.shape_cast %reduce_min3A_501 : vector<128xf32> to vector<128x1xf32>
    %le3A_503 = vector.broadcast %broadcast_in_dim3A_502 : vector<128x1xf32> to vector<128x2048xf32>
    %le3A_504 = arith.cmpf ole, %select_n3A_499, %le3A_503 : vector<128x2048xf32>
    %get3A_505 = arith.constant 0 : index
    %get3A_506 = arith.constant 0 : index
    %get3A_507 = vector.load %arg5[%get3A_505, %get3A_506] : memref<128x2048xf32, #tpu.memory_space<vmem>>, vector<128x2048xf32>
    %jit3A_508 = arith.constant 2.048000e+03 : f32
    %broadcast_in_dim3A_509 = vector.broadcast %jit3A_508 : f32 to vector<128x2048xf32>
    %select_n3A_510 = arith.select %le3A_504, %get3A_507, %broadcast_in_dim3A_509 : vector<128x2048xi1>, vector<128x2048xf32>
    %reduce_min3A_511 = arith.constant dense<0x7F800000> : vector<128xf32>
    %reduce_min3A_512 = vector.multi_reduction <minimumf>, %select_n3A_510, %reduce_min3A_511 [1] : vector<128x2048xf32> to vector<128xf32>
    %convert_element_type3A_513 = arith.fptosi %reduce_min3A_512 : vector<128xf32> to vector<128xi32>
    %add3A_514 = vector.broadcast %mul3A_23 : i32 to vector<128xi32>
    %add3A_515 = arith.addi %convert_element_type3A_513, %add3A_514 : vector<128xi32>
    %swap3A_516 = arith.constant 0 : index
    %swap3A_517 = arith.constant 15 : index
    %swap3A_518 = arith.constant 0 : index
    %swap3A_519 = vector.load %arg4[%swap3A_516, %swap3A_517, %swap3A_518] : memref<1x16x128xi32, #tpu.memory_space<vmem>>, vector<1x1x128xi32>
    %swap3A_520 = vector.shape_cast %swap3A_519 : vector<1x1x128xi32> to vector<128xi32>
    %swap3A_521 = vector.shape_cast %add3A_515 : vector<128xi32> to vector<1x1x128xi32>
    tpu.vector_store %arg4[%swap3A_516, %swap3A_517, %swap3A_518], %swap3A_521 {strides = array<i32>} : memref<1x16x128xi32, #tpu.memory_space<vmem>>, vector<1x1x128xi32>,
    return
  }
  func.func @transform_0(%arg0: i32, %arg1: i32) -> (i32, i32, i32) {
    %c0_i32 = arith.constant 0 : i32
    %c0_i32_0 = arith.constant 0 : i32
    return %arg0, %arg1, %c0_i32 : i32, i32, i32
  }
  func.func @transform_1(%arg0: i32, %arg1: i32) -> (i32, i32, i32) {
    %c0_i32 = arith.constant 0 : i32
    %c0_i32_0 = arith.constant 0 : i32
    %c0_i32_1 = arith.constant 0 : i32
    return %arg0, %c0_i32, %c0_i32_0 : i32, i32, i32
  }
  func.func @transform_2(%arg0: i32, %arg1: i32) -> (i32, i32, i32) {
    %c0_i32 = arith.constant 0 : i32
    %c0_i32_0 = arith.constant 0 : i32
    return %arg0, %c0_i32, %arg1 : i32, i32, i32
  }
}

</mosaic_0001>

<sc_bundles>
// kernel: kernel.4.cloned.1.call-start
scs
__scs_entry_jumppad:
0x0: {  	(pc) =	sbr.rel $0x88, $3  }
0x1: {  	(tag) =	ssettag $0x0;
	lr =	simm.s32 $0x1  }
0x2: {  	[smem:$0x3F9F] =	sst lr;
	_ =	strace $0xD0000000  }
0x3: {  	_ = 	snop  }
0x4: {  	_ = 	snop  }
0x5: {  	_ = 	snop  }
0x6: {  	_ = 	snop  }
0x7: {  	_ = 	snop  }
__scs_overlays_trampoline_lowered:
0x8: {  	[smem:$0x3FAE] =	sst s0  }
0x9: {  	[smem:$0x3FAF] =	sst s1  }
0xa: {  	[smem:$0x3FB0] =	sst s2  }
0xb: {  	[smem:$0x3FB1] =	sst s3  }
0xc: {  	[smem:$0x3FB2] =	sst s4  }
0xd: {  	[smem:$0x3FB3] =	sst s5  }
0xe: {  	[smem:$0x3FB4] =	sst s6  }
0xf: {  	[smem:$0x3FB5] =	sst s7  }
0x10: {  	[smem:$0x3FB6] =	sst s8  }
0x11: {  	[smem:$0x3FB7] =	sst s9;
	s0 =	simm.s32 @!p0 $0x0  }
0x12: {  	s1 =	sld [smem:$0x3F9D];
	s0 =	simm.s32 @p0 $0x1  }
0x13: {  	[smem:$0x3FB8] =	sst s0;
	s0 =	simm.s32 @!p1 $0x0  }
0x14: {  	s2 =	sld [smem:$0x3F9C];
	s0 =	simm.s32 @p1 $0x1  }
0x15: {  	[smem:$0x3FB9] =	sst s0;
	s0 =	simm.s32 @!p2 $0x0  }
0x16: {  	s3 =	sld [smem:$0x3FDB];
	s0 =	simm.s32 @p2 $0x1  }
0x17: {  	s4 =	simm.s32 $0x1BF5;
	[smem:$0x3FBB] =	sst s0  }
0x18: {  	s0 =	sld [smem:$0x3F9E];
	_ =	swait.ge [sflag:s4], $0x0  }
0x19: {  	s7 =	sld [smem:$0x3F9F]  }
0x1a: {  	s8 =	sadd.s32 $0xFFFFE003, lr  }
0x1b: {  	s9 =	sadd.s32 $0xFFFFFEF7, lr;
	s5 =	simm.s32 $0xFFFFFFFF;
	p2 =	slt.u32 s8, $0xFFFFF086  }
0x1c: {  	p1 =	slt.u32 s9, $0xF7A;
	s5 =	simm.s32 @!p2 $0x0  }
0x1d: {  	s5 =	simm.s32 @p1 $0x1;
	p0 =	seq.s32 s7, s2  }
0x1e: {  	s7 =	smul.u32 @!p0 $0xF7A, s2;
	p2 =	seq.s32 @!p0 s5, $0x0  }
0x1f: {  	s9 =	smul.u32 $0xF7A, s1;
	s8 =	simm.s32 @!p0 $0x1BF5;
	p2 =	por !p2, p0  }
0x20: {  	[sflag:s8] =	ssyncset.s32 @!p0 $0xFFFFF086;
	s6 =	sadd.s32 @!p0 s3, s7;
	s7 =	simm.s32 @!p0 $0x108  }
0x21: {  	s3 =	sadd.s32 s3, s9;
	s6 =	sadd.s32 @!p0 $0x88, s6;
	s7 =	simm.s32 @p2 $0x1082  }
0x22: {  	[simem:s7], [sflag:s8] =	dma.local @!p0 [hbm:s6], $0xF7A  }
0x23: {  	s9 =	sor.u32 $0xD0000000, s2;
	s6 =	simm.s32 $0x108;
	_ =	swait.ge @!p0 [sflag:s8], $0x0  }
0x24: {  	s3 =	sadd.s32 $0x88, s3;
	s6 =	simm.s32 @!p1 $0x1082;
	[sflag:s4] =	ssyncset.s32 $0xFFFFF086  }
0x25: {  	[simem:s6], [sflag:s4] =	dma.local [hbm:s3], $0xF7A  }
0x26: {  	[smem:$0x3F9F] =	sst s1;
	(tag) =	ssettag s2;
	_ =	strace s9  }
0x27: {  	s1 =	sld [smem:$0x3FAF]  }
0x28: {  	s2 =	sld [smem:$0x3FB0]  }
0x29: {  	s4 =	sld [smem:$0x3FB2]  }
0x2a: {  	p0 =	seq.s32 s5, $0x0;
	s5 =	sld [smem:$0x3FB3]  }
0x2b: {  	s6 =	sld [smem:$0x3FB4]  }
0x2c: {  	s7 =	sld [smem:$0x3FB5]  }
0x2d: {  	s3 =	simm.s32 $0x108;
	s8 =	sld [smem:$0x3FB6]  }
0x2e: {  	s3 =	simm.s32 @!p0 $0x1082;
	s9 =	sld [smem:$0x3FB7]  }
0x2f: {  	lr =	sadd.s32 s0, s3;
	s0 =	sld [smem:$0x3FAE]  }
0x30: {  	s3 =	sld [smem:$0x3FB1]  }
0x31: {  	[smem:$0x3FBA] =	sst s10  }
0x32: {  	s10 =	sld [smem:$0x3FB8];
	_ =	sdelay $0x3  }
0x33: {  	p0 =	seq.s32 s10, $0x1;
	s10 =	sld [smem:$0x3FBA];
	_ =	sdelay $0x3  }
0x34: {  	[smem:$0x3FBA] =	sst s10  }
0x35: {  	s10 =	sld [smem:$0x3FB9];
	_ =	sdelay $0x3  }
0x36: {  	p1 =	seq.s32 s10, $0x1;
	s10 =	sld [smem:$0x3FBA];
	_ =	sdelay $0x3  }
0x37: {  	[smem:$0x3FBA] =	sst s10  }
0x38: {  	s10 =	sld [smem:$0x3FBB]  }
0x39: {  	_ = 	snop;
	(pc) =	sbr.ind lr, $3  }
0x3a: {  	_ = 	snop  }
0x3b: {  	_ = 	snop  }
0x3c: {  	p2 =	seq.s32 s10, $0x1;
	s10 =	sld [smem:$0x3FBA]  }
0x3d: {  	_ =	shalt  }
0x3e: {  	_ =	shalt  }
0x3f: {  	_ =	shalt  }
0x40: {  	_ =	shalt  }
0x41: {  	_ =	shalt  }
0x42: {  	_ =	shalt  }
0x43: {  	_ =	shalt  }
0x44: {  	_ =	shalt  }
0x45: {  	_ =	shalt  }
0x46: {  	_ =	shalt  }
0x47: {  	_ =	shalt  }
0x48: {  	_ =	shalt  }
0x49: {  	_ =	shalt  }
0x4a: {  	_ =	shalt  }
0x4b: {  	_ =	shalt  }
0x4c: {  	_ =	shalt  }
0x4d: {  	_ =	shalt  }
0x4e: {  	_ =	shalt  }
0x4f: {  	_ =	shalt  }
0x50: {  	_ =	shalt  }
0x51: {  	_ =	shalt  }
0x52: {  	_ =	shalt  }
0x53: {  	_ =	shalt  }
0x54: {  	_ =	shalt  }
0x55: {  	_ =	shalt  }
0x56: {  	_ =	shalt  }
0x57: {  	_ =	shalt  }
0x58: {  	_ =	shalt  }
0x59: {  	_ =	shalt  }
0x5a: {  	_ =	shalt  }
0x5b: {  	_ =	shalt  }
0x5c: {  	_ =	shalt  }
0x5d: {  	_ =	shalt  }
0x5e: {  	_ =	shalt  }
0x5f: {  	_ =	shalt  }
0x60: {  	_ =	shalt  }
0x61: {  	_ =	shalt  }
0x62: {  	_ =	shalt  }
0x63: {  	_ =	shalt  }
0x64: {  	_ =	shalt  }
0x65: {  	_ =	shalt  }
0x66: {  	_ =	shalt  }
0x67: {  	_ =	shalt  }
0x68: {  	_ =	shalt  }
0x69: {  	_ =	shalt  }
0x6a: {  	_ =	shalt  }
0x6b: {  	_ =	shalt  }
0x6c: {  	_ =	shalt  }
0x6d: {  	_ =	shalt  }
0x6e: {  	_ =	shalt  }
0x6f: {  	_ =	shalt  }
0x70: {  	_ =	shalt  }
0x71: {  	_ =	shalt  }
0x72: {  	_ =	shalt  }
0x73: {  	_ =	shalt  }
0x74: {  	_ =	shalt  }
0x75: {  	_ =	shalt  }
0x76: {  	_ =	shalt  }
0x77: {  	_ =	shalt  }
0x78: {  	_ =	shalt  }
0x79: {  	_ =	shalt  }
0x7a: {  	_ =	shalt  }
0x7b: {  	_ =	shalt  }
0x7c: {  	_ =	shalt  }
0x7d: {  	_ =	shalt  }
0x7e: {  	_ =	shalt  }
0x7f: {  	_ =	shalt  }
0x80: {  	_ =	shalt  }
0x81: {  	_ =	shalt  }
0x82: {  	_ =	shalt  }
0x83: {  	_ =	shalt  }
0x84: {  	_ =	shalt  }
0x85: {  	_ =	shalt  }
0x86: {  	_ =	shalt  }
0x87: {  	_ =	shalt  }
.Lfunc_end0:
.L_simem_size_0:
called_computation_lowered:
.L_overlay_start_0:
0x88: {  	s2 =	sld [smem:$0x3FD9]  }
0x89: {  	s3 =	sld [smem:$0x3FFE];
	_ =	sdelay $0x1  }
0x8a: {  	s1 =	srdreg.scid  }
0x8b: {  	s0 =	sand.u32 $0x1, s1  }
0x8c: {  	s17 =	sshll.u32 s0, $0xA;
	s2 =	sadd.s32 s3, s2  }
0x8d: {  	s2 =	sadd.s32 s2, s17  }
0x8e: {  	[smem:$0x3FC6] =	sst s2  }
0x8f: {  	_ = 	snop  }
0x90: {  	s2 =	sld [smem:$0x3FC8]  }
0x91: {  	s18 =	sld [smem:$0x3FD0];
	(tm) =	ssettm $0x1  }
0x92: {  	s4 =	sld [smem:$0x3FFB];
	_ =	sdelay $0x3  }
0x93: {  	_ =	strace s4  }
0x94: {  	s4 =	sld [smem:$0x3FFC];
	_ =	sdelay $0x3  }
0x95: {  	_ =	strace s4  }
0x96: {  	s4 =	sld [smem:$0x3FFD];
	_ =	sdelay $0x3  }
0x97: {  	_ =	strace s4  }
0x98: {  	_ =	strace $0x8FFFFFFF  }
0x99: {  	s19 =	sld [smem:$0x3FDB];
	_ =	sdelay $0x1  }
0x9a: {  	s5 =	simm.s32 $_scs_section_size  }
0x9b: {  	s6 =	simm.s32 $_size__tile_overlayer_lowered;
	s7 =	simm.s32 $_tile_overlayer_lowered  }
0x9c: {  	s22 =	simm.s32 $0x1BFF;
	s21 =	sshll.u32 s7, $0x1;
	s4 =	sadd.s32 s5, s19  }
0x9d: {  	s8 =	simm.s32 $0x0;
	s20 =	sshll.u32 s6, $0x1;
	s6 =	sadd.s32 s21, s4  }
0x9e: {  	[timem:s8], [sflag:s22] =	dma.local [hbm:s6], s20  }
0x9f: {  	_ =	swait.ge [sflag:s22], s20  }
0xa0: {  	s5 =	ssub.s32 $0x0, s20;
	[sflag:s22] =	ssyncset.done $0x0  }
0xa1: {  	[sflag:s22] =	ssyncadd.s32 s5;
	_ =	sdelay $0x1  }
0xa2: {  	s23 =	simm.s32 $0x1B8B  }
0xa3: {  	_ =	swait.ge [sflag:s23], $0x1  }
0xa4: {  	[sflag:s23] =	ssyncset.done $0x0  }
0xa5: {  	s25 =	simm.s32 $0x1B8E;
	s24 =	sld [smem:$0x3FFE];
	[sflag:s23] =	ssyncadd.s32 $0xFFFFFFFF  }
0xa6: {  	s26 =	simm.s32 $execute0_lowered;
	[smem:$0x3FD2] =	sst s25  }
0xa7: {  	s6 =	sshll.u32 s26, $0x1;
	_ =	strace $0x80000046;
	[dreg:$0x1] =	wrdreg $0xFFFFFFFF  }
0xa8: {  	s28 =	simm.s32 $_size_execute0_lowered;
	s4 =	sadd.s32 s4, s6;
	[dreg:$0x0] =	wrdreg $0x0  }
0xa9: {  	s6 =	sshll.u32 s28, $0x1;
	[dreg:$0x2] =	wrdreg s4  }
0xaa: {  	[dreg:$0x3] =	wrdreg s6  }
0xab: {  	[dreg:$0x4] =	wrdreg $0xC0  }
0xac: {  	_ =	task [dreg:s8], $0x5FFFF  }
0xad: {  	[dreg:$0x1] =	wrdreg $0xFFFFFFFF  }
0xae: {  	[dreg:$0x0] =	wrdreg $0x60  }
0xaf: {  	[dreg:$0x2] =	wrdreg s2  }
0xb0: {  	[dreg:$0x3] =	wrdreg s24  }
0xb1: {  	[dreg:$0x4] =	wrdreg s18  }
0xb2: {  	[dreg:$0x5] =	wrdreg $0x9  }
0xb3: {  	_ =	task.clear_ibuf [dreg:s8], $0x6FFFF;
	_ =	strace $0x90000046  }
0xb4: {  	s29 =	simm.s32 $0x9;
	_ =	strace $0x80000048  }
0xb5: {  	_ =	swait.ge [sflag:s29], $0x1  }
0xb6: {  	[sflag:s29] =	ssyncadd.s32 $0xFFFFFFFF  }
0xb7: {  	_ =	strace $0x90000048  }
0xb8: {  	_ =	sfence  }
0xb9: {  	s30 =	sld [smem:$0x0];
	_ =	sdelay $0x2  }
0xba: {  	s31 =	sshll.u32 s1, $0xD;
	s1 =	sshrl.u32 s1, $0x2  }
0xbb: {  	s3 =	sand.u32 $0x4000, s31;
	s1 =	sadd.s32 s1, s30  }
0xbc: {  	s0 =	sor.u32 s3, s0;
	s1 =	sshll.u32 s1, $0x11  }
0xbd: {  	s0 =	sor.u32 s1, s0  }
0xbe: {  	s0 =	sadd.s32 $0x8F2B, s0  }
0xbf: {  	[sflag:s0] =	ssyncadd.remote.s32 $0x1  }
0xc0: {  	_ =	sfence.sel $0xFFFF  }
0xc1: {  	[dreg:$0x0] =	wrdreg $0xFFFFFFFF;
	(pc) =	sbr.abs _section_cstart, $3  }
0xc2: {  	[dreg:$0x1] =	wrdreg $0xFFFFFFFF  }
0xc3: {  	_ =	task.clear_ibuf [dreg:s8], $0x2FFFF;
	_ =	strace $0x9FFFFFFF  }
0xc4: {  	(tm) =	ssettm $0x7FFFFFFF  }
0xc5: {  	_ =	shalt  }
tec
execute0_lowered:
.L_overlay_start_1:
0x0: {  	(tag) =	ssettag $0x1  }
0x1: {  	s1 =	rddreg [dreg:$0x0]  }
0x2: {  	s3 =	rddreg [dreg:$0x1]  }
0x3: {  	s0 =	stileid.u32;
	s2 =	rddreg [dreg:$0x2]  }
0x4: {  	s5 =	srdreg.scid;
	s13 =	simm.s32 $0x400;
	s14 =	simm.s32 $0x4  }
0x5: {  	s15 =	simm.s32 $0xA000;
	s16 =	simm.s32 $0x80;
	s17 =	simm.s32 $0x2000  }
0x6: {  	s18 =	simm.s32 $0x1;
	s19 =	simm.s32 $0x1000;
	s20 =	simm.s32 $0xE000  }
0x7: {  	s21 =	simm.s32 $0x6000;
	s22 =	simm.s32 $0x12000;
	s23 =	simm.s32 $0x2  }
0x8: {  	s24 =	simm.s32 $0x3;
	s25 =	simm.s32 $0x0;
	s4 =	sshll.u32 s0, $0x1  }
0x9: {  	s7 =	sshrl.u32 s0, $0x1;
	s5 =	sand.u32 $0x1, s5;
	s12 =	sshll.u32 s0, $0xB  }
0xa: {  	s6 =	sand.u32 $0x2, s4;
	s8 =	sshll.u32 s7, $0xF;
	s11 =	sshll.u32 s5, $0x9  }
0xb: {  	s5 =	ssub.s32 $0x2, s5;
	s7 =	sshll.u32 s7, $0x17;
	s31 =	sand.u32 $0x800, s12  }
0xc: {  	s12 =	simm.s32 $0x200;
	s4 =	sshll.u32 s6, $0xD;
	s10 =	sshrl.u32 s5, $0x1  }
0xd: {  	s30 =	sshll.u32 s6, $0xA;
	s6 =	sadd.s32 s1, s8;
	s9 =	sor.u32 s8, s4  }
0xe: {  	s4 =	simm.s32 $0x0;
	s10 =	ssub.s32 s5, s10;
	s9 =	sor.u32 s11, s9  }
0xf: {  	s8 =	sor.u32 s11, s30;
	[smem:$0x7FF] =	sst s4;
	s9 =	sshrl.u32 s9, $0x3  }
0x10: {  	s10 =	smax.u32 s10, $0x1;
	s11 =	sor.u32 s11, s31;
	s3 =	sadd.s32 s9, s3  }
0x11: {  	_ =	strace $0x80000047;
	s9 =	sadd.s32 $0x80, s2;
	s5 =	sadd.s32 $0x600, s3  }
.LBB2_1:
0x12: {  	[tilespmem:s4], [sflag:$0x4] =	stream.strided.gather [hbm4b:s5+s12], $0x2000, s13, s12, $0x38;
	[tilespmem:$0x16000] =	vst v63  }
0x13: {  	_ =	swait.ge [sflag:s14], $0x2000  }
0x14: {  	[sflag:s14] =	ssyncset.done $0x0  }
0x15: {  	s26 =	simm.s32 $0x0;
	[sflag:s14] =	ssyncadd.s32 $0xFFFFE000  }
.LBB2_2:
0x16: {  	s3 =	sshll.u32 s26, $0xB  }
0x17: {  	s28 =	sadd.s32 s3, s6  }
0x18: {  	[tilespmem:s15], [sflag:$0x4] =	stream.linear.gather [hbm4b:s28+s4], $0x4000, $0x38;
	[tilespmem:$0x16000] =	vst v63  }
0x19: {  	_ =	swait.ge [sflag:s14], $0x4000  }
0x1a: {  	p0 =	seq.s32 s26, $0x0;
	[sflag:s14] =	ssyncset.done $0x0  }
0x1b: {  	s28 =	simm.s32 @!p0 $0x2;
	[sflag:s14] =	ssyncadd.s32 $0xFFFFC000  }
0x1c: {  	_ =	swait.ge @!p0 [sflag:s28], $0x4000  }
0x1d: {  	[sflag:s28] =	ssyncset.done @!p0 $0x0  }
0x1e: {  	[sflag:s28] =	ssyncadd.s32 @!p0 $0xFFFFC000  }
0x1f: {  	_ =	swait.ge @!p0 [sflag:s28], $0x4000  }
0x20: {  	[sflag:s28] =	ssyncset.done @!p0 $0x0  }
0x21: {  	[sflag:s28] =	ssyncadd.s32 @!p0 $0xFFFFC000;
	s28 =	sshrl.u32 s3, $0x2  }
0x22: {  	[tilespmem:s17], [sflag:$0x1] =	stream.indirect.gather [hbm4b:s1+s16], $0x80, s28, s16, $0xb8;
	[tilespmem:$0x16000] =	vst v63  }
0x23: {  	_ =	swait.ge [sflag:s18], $0x4000  }
0x24: {  	[sflag:s18] =	ssyncset.done $0x0  }
0x25: {  	s29 =	simm.s32 $0x0;
	[sflag:s18] =	ssyncadd.s32 $0xFFFFC000  }
0x26: {  	v0 =	vld [tilespmem:s29+$0x2070]  }
0x27: {  	v1 =	vld [tilespmem:s29+$0xA070]  }
0x28: {  	v2 =	vld [tilespmem:s29+$0x2000]  }
0x29: {  	v3 =	vld [tilespmem:s29+$0xA000]  }
0x2a: {  	v4 =	vld [tilespmem:s29+$0x2010]  }
0x2b: {  	v5 =	vld [tilespmem:s29+$0xA010]  }
0x2c: {  	v6 =	vld [tilespmem:s29+$0x2020]  }
0x2d: {  	v7 =	vld [tilespmem:s29+$0x2030]  }
0x2e: {  	v0 =	vsub.f32 v0, v1;
	v1 =	vld [tilespmem:s29+$0xA020]  }
0x2f: {  	v8 =	vld [tilespmem:s29+$0xA030]  }
0x30: {  	v9 =	vld [tilespmem:s29+$0xA040];
	v2 =	vsub.f32 v2, v3  }
0x31: {  	[tilespmem:s29+$0xE070] =	vst v0;
	v0 =	vsub.f32 v4, v5;
	v5 =	vld [tilespmem:s29+$0x2040]  }
0x32: {  	v3 =	vld [tilespmem:s29+$0xA050];
	[tilespmem:s29+$0xE000] =	vst v2  }
0x33: {  	v2 =	vld [tilespmem:s29+$0x2050];
	[tilespmem:s29+$0xE010] =	vst v0;
	v0 =	vsub.f32 v6, v1  }
0x34: {  	v4 =	vld [tilespmem:s29+$0xA060];
	v6 =	vsub.f32 v7, v8  }
0x35: {  	s30 =	simm.s32 $0x80;
	[tilespmem:s29+$0xE020] =	vst v0;
	v0 =	vld [tilespmem:s29+$0x2060]  }
0x36: {  	s31 =	simm.s32 $0x400;
	v5 =	vsub.f32 v5, v9;
	v1 =	vld [tilespmem:s30+$0x2070];
	[tilespmem:s29+$0xE030] =	vst v6  }
.LBB2_3:
0x37: {  	p1 =	sne.s32 s31, $0xFE00;
	v6 =	vld [tilespmem:s30+$0xA070]  }
0x38: {  	v7 =	vld [tilespmem:s30+$0x2000];
	[tilespmem:s29+$0xE040] =	vst v5;
	v2 =	vsub.f32 v2, v3  }
0x39: {  	v3 =	vld [tilespmem:s30+$0xA000]  }
0x3a: {  	v5 =	vld [tilespmem:s30+$0x2010];
	[tilespmem:s29+$0xE050] =	vst v2;
	v0 =	vsub.f32 v0, v4  }
0x3b: {  	v2 =	vld [tilespmem:s30+$0xA010]  }
0x3c: {  	v4 =	vld [tilespmem:s30+$0x2020];
	v1 =	vsub.f32 v1, v6;
	[tilespmem:s29+$0xE060] =	vst v0;
	s29 =	smov.u32 s30  }
0x3d: {  	v0 =	vld [tilespmem:s29+$0xA020]  }
0x3e: {  	v3 =	vsub.f32 v7, v3;
	v6 =	vld [tilespmem:s29+$0x2030];
	[tilespmem:s29+$0xE070] =	vst v1  }
0x3f: {  	v1 =	vld [tilespmem:s29+$0xA030]  }
0x40: {  	[tilespmem:s29+$0xE000] =	vst v3;
	v2 =	vsub.f32 v5, v2;
	v5 =	vld [tilespmem:s29+$0x2040]  }
0x41: {  	v7 =	vld [tilespmem:s29+$0xA040]  }
.Ltmp0:
0x42: {  	[tilespmem:s29+$0xE010] =	vst v2;
	v0 =	vsub.f32 v4, v0;
	v2 =	vld [tilespmem:s29+$0x2050];
	(pc) =	sbr.rel @p1 .LBB2_3-.Ltmp0, $4  }
0x43: {  	v3 =	vld [tilespmem:s29+$0xA050]  }
0x44: {  	[tilespmem:s29+$0xE020] =	vst v0;
	v6 =	vsub.f32 v6, v1;
	v0 =	vld [tilespmem:s29+$0x2060]  }
0x45: {  	s30 =	sshra.s32 s31, $0x2;
	v4 =	vld [tilespmem:s29+$0xA060]  }
0x46: {  	s31 =	sadd.s32 $0x200, s31;
	v1 =	vld [tilespmem:s30+$0x2070];
	[tilespmem:s29+$0xE030] =	vst v6;
	v5 =	vsub.f32 v5, v7  }
0x47: {  	v6 =	vld [tilespmem:s30+$0xA070]  }
0x48: {  	v7 =	vld [tilespmem:s30+$0x2000];
	[tilespmem:s29+$0xE040] =	vst v5;
	v2 =	vsub.f32 v2, v3  }
0x49: {  	v3 =	vld [tilespmem:s30+$0xA000]  }
0x4a: {  	v5 =	vld [tilespmem:s30+$0x2010];
	[tilespmem:s29+$0xE050] =	vst v2;
	v0 =	vsub.f32 v0, v4  }
0x4b: {  	v2 =	vld [tilespmem:s30+$0xA010]  }
0x4c: {  	v4 =	vld [tilespmem:s30+$0x2020];
	[tilespmem:s29+$0xE060] =	vst v0  }
0x4d: {  	v0 =	vsub.f32 v1, v6;
	v1 =	vld [tilespmem:s30+$0xA020]  }
0x4e: {  	v6 =	vld [tilespmem:s30+$0x2030]  }
0x4f: {  	v3 =	vsub.f32 v7, v3;
	[tilespmem:s30+$0xE070] =	vst v0;
	v0 =	vld [tilespmem:s30+$0xA030]  }
0x50: {  	v7 =	vld [tilespmem:s30+$0xA060]  }
0x51: {  	[tilespmem:s30+$0xE000] =	vst v3;
	v2 =	vsub.f32 v5, v2;
	v3 =	vld [tilespmem:s30+$0x2040]  }
0x52: {  	v5 =	vld [tilespmem:s30+$0xA040]  }
0x53: {  	[tilespmem:s30+$0xE010] =	vst v2;
	v1 =	vsub.f32 v4, v1;
	v2 =	vld [tilespmem:s30+$0x2050]  }
0x54: {  	v4 =	vld [tilespmem:s30+$0xA050]  }
0x55: {  	[tilespmem:s30+$0xE020] =	vst v1;
	v1 =	vld [tilespmem:s30+$0x2060];
	_ =	sdelay $0x1  }
0x56: {  	v0 =	vsub.f32 v6, v0  }
0x57: {  	s3 =	sshll.u32 s26, $0x13;
	v3 =	vsub.f32 v3, v5  }
0x58: {  	s29 =	sadd.s32 s7, s3;
	[tilespmem:s30+$0xE030] =	vst v0;
	v0 =	vsub.f32 v2, v4  }
0x59: {  	s3 =	sor.u32 s8, s29;
	[tilespmem:s30+$0xE040] =	vst v3;
	v1 =	vsub.f32 v1, v7  }
0x5a: {  	s3 =	sshrl.u32 s3, $0x3;
	[tilespmem:s30+$0xE050] =	vst v0  }
0x5b: {  	[tilespmem:s30+$0xE060] =	vst v1;
	s30 =	sadd.s32 s2, s3  }
0x5c: {  	[hbm4b:s30+s16] =	stream.strided.scatter [tilespmem:s17], [sflag:$0x2], $0x4000, s19, s16, $0x38;
	[tilespmem:$0x16000] =	vst v63  }
0x5d: {  	s3 =	sadd.s32 s3, s9  }
0x5e: {  	[hbm4b:s3+s16] =	stream.strided.scatter [tilespmem:s20], [sflag:$0x2], $0x4000, s19, s16, $0x38;
	[tilespmem:$0x16000] =	vst v63  }
0x5f: {  	s3 =	simm.s32 @!p0 $0x3  }
0x60: {  	_ =	swait.ge @!p0 [sflag:s3], $0x4000  }
0x61: {  	[sflag:s3] =	ssyncset.done @!p0 $0x0  }
0x62: {  	[sflag:s3] =	ssyncadd.s32 @!p0 $0xFFFFC000  }
0x63: {  	_ =	swait.ge @!p0 [sflag:s3], $0x4000  }
0x64: {  	[sflag:s3] =	ssyncset.done @!p0 $0x0  }
0x65: {  	[sflag:s3] =	ssyncadd.s32 @!p0 $0xFFFFC000;
	s3 =	sadd.s32 $0x80, s28  }
0x66: {  	[tilespmem:s21], [sflag:$0x1] =	stream.indirect.gather [hbm4b:s1+s16], $0x80, s3, s16, $0xb8;
	[tilespmem:$0x16000] =	vst v63  }
0x67: {  	_ =	swait.ge [sflag:s18], $0x4000  }
0x68: {  	[sflag:s18] =	ssyncset.done $0x0  }
0x69: {  	s30 =	simm.s32 $0x0;
	[sflag:s18] =	ssyncadd.s32 $0xFFFFC000  }
0x6a: {  	v0 =	vld [tilespmem:s30+$0x6070]  }
0x6b: {  	v1 =	vld [tilespmem:s30+$0xA070]  }
0x6c: {  	v2 =	vld [tilespmem:s30+$0x6000]  }
0x6d: {  	v3 =	vld [tilespmem:s30+$0xA000]  }
0x6e: {  	v4 =	vld [tilespmem:s30+$0x6010]  }
0x6f: {  	v5 =	vld [tilespmem:s30+$0xA010]  }
0x70: {  	v6 =	vld [tilespmem:s30+$0x6020]  }
0x71: {  	v7 =	vld [tilespmem:s30+$0x6030]  }
0x72: {  	v0 =	vsub.f32 v0, v1;
	v1 =	vld [tilespmem:s30+$0xA020]  }
0x73: {  	v8 =	vld [tilespmem:s30+$0xA030]  }
0x74: {  	v9 =	vld [tilespmem:s30+$0xA040];
	v2 =	vsub.f32 v2, v3  }
0x75: {  	[tilespmem:s30+$0x12070] =	vst v0;
	v0 =	vsub.f32 v4, v5;
	v5 =	vld [tilespmem:s30+$0x6040]  }
0x76: {  	v3 =	vld [tilespmem:s30+$0xA050];
	[tilespmem:s30+$0x12000] =	vst v2  }
0x77: {  	v2 =	vld [tilespmem:s30+$0x6050];
	[tilespmem:s30+$0x12010] =	vst v0;
	v0 =	vsub.f32 v6, v1  }
0x78: {  	v4 =	vld [tilespmem:s30+$0xA060];
	v6 =	vsub.f32 v7, v8  }
0x79: {  	s31 =	simm.s32 $0x80;
	[tilespmem:s30+$0x12020] =	vst v0;
	v0 =	vld [tilespmem:s30+$0x6060]  }
0x7a: {  	s3 =	simm.s32 $0x400;
	v5 =	vsub.f32 v5, v9;
	v1 =	vld [tilespmem:s31+$0x6070];
	[tilespmem:s30+$0x12030] =	vst v6  }
.LBB2_5:
0x7b: {  	p0 =	sne.s32 s3, $0xFE00;
	v6 =	vld [tilespmem:s31+$0xA070]  }
0x7c: {  	v7 =	vld [tilespmem:s31+$0x6000];
	[tilespmem:s30+$0x12040] =	vst v5;
	v2 =	vsub.f32 v2, v3  }
0x7d: {  	v3 =	vld [tilespmem:s31+$0xA000]  }
0x7e: {  	v5 =	vld [tilespmem:s31+$0x6010];
	[tilespmem:s30+$0x12050] =	vst v2;
	v0 =	vsub.f32 v0, v4  }
0x7f: {  	v2 =	vld [tilespmem:s31+$0xA010]  }
0x80: {  	v4 =	vld [tilespmem:s31+$0x6020];
	v1 =	vsub.f32 v1, v6;
	[tilespmem:s30+$0x12060] =	vst v0;
	s30 =	smov.u32 s31  }
0x81: {  	v0 =	vld [tilespmem:s30+$0xA020]  }
0x82: {  	v3 =	vsub.f32 v7, v3;
	v6 =	vld [tilespmem:s30+$0x6030];
	[tilespmem:s30+$0x12070] =	vst v1  }
0x83: {  	v1 =	vld [tilespmem:s30+$0xA030]  }
0x84: {  	[tilespmem:s30+$0x12000] =	vst v3;
	v2 =	vsub.f32 v5, v2;
	v5 =	vld [tilespmem:s30+$0x6040]  }
0x85: {  	v7 =	vld [tilespmem:s30+$0xA040]  }
.Ltmp1:
0x86: {  	[tilespmem:s30+$0x12010] =	vst v2;
	v0 =	vsub.f32 v4, v0;
	v2 =	vld [tilespmem:s30+$0x6050];
	(pc) =	sbr.rel @p0 .LBB2_5-.Ltmp1, $4  }
0x87: {  	v3 =	vld [tilespmem:s30+$0xA050]  }
0x88: {  	[tilespmem:s30+$0x12020] =	vst v0;
	v6 =	vsub.f32 v6, v1;
	v0 =	vld [tilespmem:s30+$0x6060]  }
0x89: {  	s31 =	sshra.s32 s3, $0x2;
	v4 =	vld [tilespmem:s30+$0xA060]  }
0x8a: {  	s3 =	sadd.s32 $0x200, s3;
	v1 =	vld [tilespmem:s31+$0x6070];
	[tilespmem:s30+$0x12030] =	vst v6;
	v5 =	vsub.f32 v5, v7  }
0x8b: {  	v6 =	vld [tilespmem:s31+$0xA070]  }
0x8c: {  	v7 =	vld [tilespmem:s31+$0x6000];
	[tilespmem:s30+$0x12040] =	vst v5;
	v2 =	vsub.f32 v2, v3  }
0x8d: {  	v3 =	vld [tilespmem:s31+$0xA000]  }
0x8e: {  	v5 =	vld [tilespmem:s31+$0x6010];
	[tilespmem:s30+$0x12050] =	vst v2;
	v0 =	vsub.f32 v0, v4  }
0x8f: {  	v2 =	vld [tilespmem:s31+$0xA010]  }
0x90: {  	v4 =	vld [tilespmem:s31+$0x6020];
	[tilespmem:s30+$0x12060] =	vst v0  }
0x91: {  	v0 =	vsub.f32 v1, v6;
	v1 =	vld [tilespmem:s31+$0xA020]  }
0x92: {  	v6 =	vld [tilespmem:s31+$0x6030]  }
0x93: {  	v3 =	vsub.f32 v7, v3;
	[tilespmem:s31+$0x12070] =	vst v0;
	v0 =	vld [tilespmem:s31+$0xA030]  }
0x94: {  	v7 =	vld [tilespmem:s31+$0xA060]  }
0x95: {  	[tilespmem:s31+$0x12000] =	vst v3;
	v2 =	vsub.f32 v5, v2;
	v3 =	vld [tilespmem:s31+$0x6040]  }
0x96: {  	v5 =	vld [tilespmem:s31+$0xA040]  }
0x97: {  	[tilespmem:s31+$0x12010] =	vst v2;
	v1 =	vsub.f32 v4, v1;
	v2 =	vld [tilespmem:s31+$0x6050]  }
0x98: {  	v4 =	vld [tilespmem:s31+$0xA050]  }
0x99: {  	[tilespmem:s31+$0x12020] =	vst v1;
	v1 =	vld [tilespmem:s31+$0x6060];
	_ =	sdelay $0x1  }
0x9a: {  	v0 =	vsub.f32 v6, v0  }
0x9b: {  	v3 =	vsub.f32 v3, v5  }
0x9c: {  	s3 =	sor.u32 s11, s29;
	[tilespmem:s31+$0x12030] =	vst v0;
	v0 =	vsub.f32 v2, v4  }
0x9d: {  	s29 =	sshrl.u32 s3, $0x3;
	[tilespmem:s31+$0x12040] =	vst v3;
	v1 =	vsub.f32 v1, v7  }
0x9e: {  	s3 =	sor.u32 $0x10, s29;
	[tilespmem:s31+$0x12050] =	vst v0  }
0x9f: {  	s30 =	sadd.s32 s2, s3;
	[tilespmem:s31+$0x12060] =	vst v1  }
0xa0: {  	[hbm4b:s30+s16] =	stream.strided.scatter [tilespmem:s21], [sflag:$0x3], $0x4000, s19, s16, $0x38;
	[tilespmem:$0x16000] =	vst v63  }
0xa1: {  	s3 =	sadd.s32 s3, s9  }
0xa2: {  	[hbm4b:s3+s16] =	stream.strided.scatter [tilespmem:s22], [sflag:$0x3], $0x4000, s19, s16, $0x38;
	[tilespmem:$0x16000] =	vst v63  }
0xa3: {  	_ =	swait.ge [sflag:s23], $0x4000  }
0xa4: {  	[sflag:s23] =	ssyncset.done $0x0  }
0xa5: {  	[sflag:s23] =	ssyncadd.s32 $0xFFFFC000  }
0xa6: {  	_ =	swait.ge [sflag:s23], $0x4000  }
0xa7: {  	[sflag:s23] =	ssyncset.done $0x0  }
0xa8: {  	s3 =	sadd.s32 $0x100, s28;
	[sflag:s23] =	ssyncadd.s32 $0xFFFFC000  }
0xa9: {  	[tilespmem:s17], [sflag:$0x1] =	stream.indirect.gather [hbm4b:s1+s16], $0x80, s3, s16, $0xb8;
	[tilespmem:$0x16000] =	vst v63  }
0xaa: {  	_ =	swait.ge [sflag:s18], $0x4000  }
0xab: {  	[sflag:s18] =	ssyncset.done $0x0  }
0xac: {  	s30 =	simm.s32 $0x0;
	[sflag:s18] =	ssyncadd.s32 $0xFFFFC000  }
0xad: {  	v0 =	vld [tilespmem:s30+$0x2070]  }
0xae: {  	v1 =	vld [tilespmem:s30+$0xA070]  }
0xaf: {  	v2 =	vld [tilespmem:s30+$0x2000]  }
0xb0: {  	v3 =	vld [tilespmem:s30+$0xA000]  }
0xb1: {  	v4 =	vld [tilespmem:s30+$0x2010]  }
0xb2: {  	v5 =	vld [tilespmem:s30+$0xA010]  }
0xb3: {  	v6 =	vld [tilespmem:s30+$0x2020]  }
0xb4: {  	v7 =	vld [tilespmem:s30+$0x2030]  }
0xb5: {  	v0 =	vsub.f32 v0, v1;
	v1 =	vld [tilespmem:s30+$0xA020]  }
0xb6: {  	v8 =	vld [tilespmem:s30+$0xA030]  }
0xb7: {  	v9 =	vld [tilespmem:s30+$0xA040];
	v2 =	vsub.f32 v2, v3  }
0xb8: {  	[tilespmem:s30+$0xE070] =	vst v0;
	v0 =	vsub.f32 v4, v5;
	v5 =	vld [tilespmem:s30+$0x2040]  }
0xb9: {  	v3 =	vld [tilespmem:s30+$0xA050];
	[tilespmem:s30+$0xE000] =	vst v2  }
0xba: {  	v2 =	vld [tilespmem:s30+$0x2050];
	[tilespmem:s30+$0xE010] =	vst v0;
	v0 =	vsub.f32 v6, v1  }
0xbb: {  	v4 =	vld [tilespmem:s30+$0xA060];
	v6 =	vsub.f32 v7, v8  }
0xbc: {  	s31 =	simm.s32 $0x80;
	[tilespmem:s30+$0xE020] =	vst v0;
	v0 =	vld [tilespmem:s30+$0x2060]  }
0xbd: {  	s3 =	simm.s32 $0x400;
	v5 =	vsub.f32 v5, v9;
	v1 =	vld [tilespmem:s31+$0x2070];
	[tilespmem:s30+$0xE030] =	vst v6  }
.LBB2_7:
0xbe: {  	p0 =	sne.s32 s3, $0xFE00;
	v6 =	vld [tilespmem:s31+$0xA070]  }
0xbf: {  	v7 =	vld [tilespmem:s31+$0x2000];
	[tilespmem:s30+$0xE040] =	vst v5;
	v2 =	vsub.f32 v2, v3  }
0xc0: {  	v3 =	vld [tilespmem:s31+$0xA000]  }
0xc1: {  	v5 =	vld [tilespmem:s31+$0x2010];
	[tilespmem:s30+$0xE050] =	vst v2;
	v0 =	vsub.f32 v0, v4  }
0xc2: {  	v2 =	vld [tilespmem:s31+$0xA010]  }
0xc3: {  	v4 =	vld [tilespmem:s31+$0x2020];
	v1 =	vsub.f32 v1, v6;
	[tilespmem:s30+$0xE060] =	vst v0;
	s30 =	smov.u32 s31  }
0xc4: {  	v0 =	vld [tilespmem:s30+$0xA020]  }
0xc5: {  	v3 =	vsub.f32 v7, v3;
	v6 =	vld [tilespmem:s30+$0x2030];
	[tilespmem:s30+$0xE070] =	vst v1  }
0xc6: {  	v1 =	vld [tilespmem:s30+$0xA030]  }
0xc7: {  	[tilespmem:s30+$0xE000] =	vst v3;
	v2 =	vsub.f32 v5, v2;
	v5 =	vld [tilespmem:s30+$0x2040]  }
0xc8: {  	v7 =	vld [tilespmem:s30+$0xA040]  }
.Ltmp2:
0xc9: {  	[tilespmem:s30+$0xE010] =	vst v2;
	v0 =	vsub.f32 v4, v0;
	v2 =	vld [tilespmem:s30+$0x2050];
	(pc) =	sbr.rel @p0 .LBB2_7-.Ltmp2, $4  }
0xca: {  	v3 =	vld [tilespmem:s30+$0xA050]  }
0xcb: {  	[tilespmem:s30+$0xE020] =	vst v0;
	v6 =	vsub.f32 v6, v1;
	v0 =	vld [tilespmem:s30+$0x2060]  }
0xcc: {  	s31 =	sshra.s32 s3, $0x2;
	v4 =	vld [tilespmem:s30+$0xA060]  }
0xcd: {  	s3 =	sadd.s32 $0x200, s3;
	v1 =	vld [tilespmem:s31+$0x2070];
	[tilespmem:s30+$0xE030] =	vst v6;
	v5 =	vsub.f32 v5, v7  }
0xce: {  	v6 =	vld [tilespmem:s31+$0xA070]  }
0xcf: {  	v7 =	vld [tilespmem:s31+$0x2000];
	[tilespmem:s30+$0xE040] =	vst v5;
	v2 =	vsub.f32 v2, v3  }
0xd0: {  	v3 =	vld [tilespmem:s31+$0xA000]  }
0xd1: {  	v5 =	vld [tilespmem:s31+$0x2010];
	[tilespmem:s30+$0xE050] =	vst v2;
	v0 =	vsub.f32 v0, v4  }
0xd2: {  	v2 =	vld [tilespmem:s31+$0xA010]  }
0xd3: {  	v4 =	vld [tilespmem:s31+$0x2020];
	[tilespmem:s30+$0xE060] =	vst v0  }
0xd4: {  	v0 =	vsub.f32 v1, v6;
	v1 =	vld [tilespmem:s31+$0xA020]  }
0xd5: {  	v6 =	vld [tilespmem:s31+$0x2030]  }
0xd6: {  	v3 =	vsub.f32 v7, v3;
	[tilespmem:s31+$0xE070] =	vst v0;
	v0 =	vld [tilespmem:s31+$0xA030]  }
0xd7: {  	v7 =	vld [tilespmem:s31+$0xA060]  }
0xd8: {  	[tilespmem:s31+$0xE000] =	vst v3;
	v2 =	vsub.f32 v5, v2;
	v3 =	vld [tilespmem:s31+$0x2040]  }
0xd9: {  	v5 =	vld [tilespmem:s31+$0xA040]  }
0xda: {  	[tilespmem:s31+$0xE010] =	vst v2;
	v1 =	vsub.f32 v4, v1;
	v2 =	vld [tilespmem:s31+$0x2050]  }
0xdb: {  	v4 =	vld [tilespmem:s31+$0xA050]  }
0xdc: {  	[tilespmem:s31+$0xE020] =	vst v1;
	v1 =	vld [tilespmem:s31+$0x2060];
	_ =	sdelay $0x1  }
0xdd: {  	v0 =	vsub.f32 v6, v0  }
0xde: {  	v3 =	vsub.f32 v3, v5  }
0xdf: {  	[tilespmem:s31+$0xE030] =	vst v0;
	v0 =	vsub.f32 v2, v4  }
0xe0: {  	[tilespmem:s31+$0xE040] =	vst v3;
	v1 =	vsub.f32 v1, v7  }
0xe1: {  	s3 =	sor.u32 $0x20, s29;
	[tilespmem:s31+$0xE050] =	vst v0  }
0xe2: {  	s30 =	sadd.s32 s2, s3;
	[tilespmem:s31+$0xE060] =	vst v1  }
0xe3: {  	[hbm4b:s30+s16] =	stream.strided.scatter [tilespmem:s17], [sflag:$0x2], $0x4000, s19, s16, $0x38;
	[tilespmem:$0x16000] =	vst v63  }
0xe4: {  	s3 =	sadd.s32 s3, s9  }
0xe5: {  	[hbm4b:s3+s16] =	stream.strided.scatter [tilespmem:s20], [sflag:$0x2], $0x4000, s19, s16, $0x38;
	[tilespmem:$0x16000] =	vst v63  }
0xe6: {  	_ =	swait.ge [sflag:s24], $0x4000  }
0xe7: {  	[sflag:s24] =	ssyncset.done $0x0  }
0xe8: {  	[sflag:s24] =	ssyncadd.s32 $0xFFFFC000  }
0xe9: {  	_ =	swait.ge [sflag:s24], $0x4000  }
0xea: {  	[sflag:s24] =	ssyncset.done $0x0  }
0xeb: {  	s31 =	sadd.s32 $0x180, s28;
	[sflag:s24] =	ssyncadd.s32 $0xFFFFC000  }
0xec: {  	[tilespmem:s21], [sflag:$0x1] =	stream.indirect.gather [hbm4b:s1+s16], $0x80, s31, s16, $0xb8;
	[tilespmem:$0x16000] =	vst v63  }
0xed: {  	_ =	swait.ge [sflag:s18], $0x4000  }
0xee: {  	[sflag:s18] =	ssyncset.done $0x0  }
0xef: {  	s28 =	simm.s32 $0x0;
	[sflag:s18] =	ssyncadd.s32 $0xFFFFC000  }
0xf0: {  	v0 =	vld [tilespmem:s28+$0x6070]  }
0xf1: {  	v1 =	vld [tilespmem:s28+$0xA070]  }
0xf2: {  	v2 =	vld [tilespmem:s28+$0x6000]  }
0xf3: {  	v3 =	vld [tilespmem:s28+$0xA000]  }
0xf4: {  	v4 =	vld [tilespmem:s28+$0x6010]  }
0xf5: {  	v5 =	vld [tilespmem:s28+$0xA010]  }
0xf6: {  	v6 =	vld [tilespmem:s28+$0x6020]  }
0xf7: {  	v7 =	vld [tilespmem:s28+$0x6030]  }
0xf8: {  	v0 =	vsub.f32 v0, v1;
	v1 =	vld [tilespmem:s28+$0xA020]  }
0xf9: {  	v8 =	vld [tilespmem:s28+$0xA030]  }
0xfa: {  	v9 =	vld [tilespmem:s28+$0xA040];
	v2 =	vsub.f32 v2, v3  }
0xfb: {  	[tilespmem:s28+$0x12070] =	vst v0;
	v0 =	vsub.f32 v4, v5;
	v5 =	vld [tilespmem:s28+$0x6040]  }
0xfc: {  	v3 =	vld [tilespmem:s28+$0xA050];
	[tilespmem:s28+$0x12000] =	vst v2  }
0xfd: {  	v2 =	vld [tilespmem:s28+$0x6050];
	[tilespmem:s28+$0x12010] =	vst v0;
	v0 =	vsub.f32 v6, v1  }
0xfe: {  	v4 =	vld [tilespmem:s28+$0xA060];
	v6 =	vsub.f32 v7, v8  }
0xff: {  	s30 =	simm.s32 $0x80;
	[tilespmem:s28+$0x12020] =	vst v0;
	v0 =	vld [tilespmem:s28+$0x6060]  }
0x100: {  	s3 =	simm.s32 $0x400;
	v5 =	vsub.f32 v5, v9;
	v1 =	vld [tilespmem:s30+$0x6070];
	[tilespmem:s28+$0x12030] =	vst v6  }
.LBB2_9:
0x101: {  	p0 =	sne.s32 s3, $0xFE00;
	v6 =	vld [tilespmem:s30+$0xA070]  }
0x102: {  	v7 =	vld [tilespmem:s30+$0x6000];
	[tilespmem:s28+$0x12040] =	vst v5;
	v2 =	vsub.f32 v2, v3  }
0x103: {  	v3 =	vld [tilespmem:s30+$0xA000]  }
0x104: {  	v5 =	vld [tilespmem:s30+$0x6010];
	[tilespmem:s28+$0x12050] =	vst v2;
	v0 =	vsub.f32 v0, v4  }
0x105: {  	v2 =	vld [tilespmem:s30+$0xA010]  }
0x106: {  	v4 =	vld [tilespmem:s30+$0x6020];
	v1 =	vsub.f32 v1, v6;
	[tilespmem:s28+$0x12060] =	vst v0;
	s28 =	smov.u32 s30  }
0x107: {  	v0 =	vld [tilespmem:s28+$0xA020]  }
0x108: {  	v3 =	vsub.f32 v7, v3;
	v6 =	vld [tilespmem:s28+$0x6030];
	[tilespmem:s28+$0x12070] =	vst v1  }
0x109: {  	v1 =	vld [tilespmem:s28+$0xA030]  }
0x10a: {  	[tilespmem:s28+$0x12000] =	vst v3;
	v2 =	vsub.f32 v5, v2;
	v5 =	vld [tilespmem:s28+$0x6040]  }
0x10b: {  	v7 =	vld [tilespmem:s28+$0xA040]  }
.Ltmp3:
0x10c: {  	[tilespmem:s28+$0x12010] =	vst v2;
	v0 =	vsub.f32 v4, v0;
	v2 =	vld [tilespmem:s28+$0x6050];
	(pc) =	sbr.rel @p0 .LBB2_9-.Ltmp3, $4  }
0x10d: {  	v3 =	vld [tilespmem:s28+$0xA050]  }
0x10e: {  	[tilespmem:s28+$0x12020] =	vst v0;
	v6 =	vsub.f32 v6, v1;
	v0 =	vld [tilespmem:s28+$0x6060]  }
0x10f: {  	s30 =	sshra.s32 s3, $0x2;
	v4 =	vld [tilespmem:s28+$0xA060]  }
0x110: {  	s3 =	sadd.s32 $0x200, s3;
	v1 =	vld [tilespmem:s30+$0x6070];
	[tilespmem:s28+$0x12030] =	vst v6;
	v5 =	vsub.f32 v5, v7  }
0x111: {  	v6 =	vld [tilespmem:s30+$0xA070]  }
0x112: {  	v7 =	vld [tilespmem:s30+$0x6000];
	[tilespmem:s28+$0x12040] =	vst v5;
	v2 =	vsub.f32 v2, v3  }
0x113: {  	v51 =	vld [tilespmem:s30+$0xA000]  }
0x114: {  	v5 =	vld [tilespmem:s30+$0x6010];
	[tilespmem:s28+$0x12050] =	vst v2;
	v0 =	vsub.f32 v0, v4  }
0x115: {  	v2 =	vld [tilespmem:s30+$0xA010]  }
0x116: {  	v52 =	vld [tilespmem:s30+$0x6020];
	[tilespmem:s28+$0x12060] =	vst v0  }
0x117: {  	v54 =	vld [tilespmem:s30+$0xA020]  }
0x118: {  	v55 =	vld [tilespmem:s30+$0x6030]  }
0x119: {  	v56 =	vld [tilespmem:s30+$0xA030]  }
0x11a: {  	v57 =	vld [tilespmem:s30+$0x6040]  }
0x11b: {  	v58 =	vld [tilespmem:s30+$0xA040]  }
0x11c: {  	v59 =	vld [tilespmem:s30+$0x6050]  }
0x11d: {  	v53 =	vsub.f32 v1, v6;
	v60 =	vld [tilespmem:s30+$0xA050]  }
0x11e: {  	v61 =	vld [tilespmem:s30+$0x6060];
	v3 =	vsub.f32 v7, v51  }
0x11f: {  	v62 =	vld [tilespmem:s30+$0xA060];
	[tilespmem:s30+$0x12070] =	vst v53;
	v2 =	vsub.f32 v5, v2  }
0x120: {  	[tilespmem:s30+$0x12000] =	vst v3;
	v1 =	vsub.f32 v52, v54  }
0x121: {  	[tilespmem:s30+$0x12010] =	vst v2;
	v0 =	vsub.f32 v55, v56  }
0x122: {  	v3 =	vsub.f32 v57, v58;
	[tilespmem:s30+$0x12020] =	vst v1  }
0x123: {  	s26 =	sadd.s32 $0x1, s26;
	v63 =	vsub.f32 v59, v60;
	[tilespmem:s30+$0x12030] =	vst v0  }
0x124: {  	p0 =	sne.s32 s26, $0x10;
	[tilespmem:s30+$0x12040] =	vst v3;
	v1 =	vsub.f32 v61, v62  }
.Ltmp4:
0x125: {  	s3 =	sor.u32 $0x30, s29;
	[tilespmem:s30+$0x12050] =	vst v63;
	(pc) =	sbr.rel @p0 .LBB2_2-.Ltmp4, $4  }
0x126: {  	s31 =	sadd.s32 s2, s3;
	[tilespmem:s30+$0x12060] =	vst v1  }
0x127: {  	[hbm4b:s31+s16] =	stream.strided.scatter [tilespmem:s21], [sflag:$0x3], $0x4000, s19, s16, $0x38;
	[tilespmem:$0x16000] =	vst v63  }
0x128: {  	s3 =	sadd.s32 s3, s9  }
0x129: {  	[hbm4b:s3+s16] =	stream.strided.scatter [tilespmem:s22], [sflag:$0x3], $0x4000, s19, s16, $0x38;
	[tilespmem:$0x16000] =	vst v63  }
0x12a: {  	_ =	swait.ge [sflag:s23], $0x4000  }
0x12b: {  	[sflag:s23] =	ssyncset.done $0x0  }
0x12c: {  	[sflag:s23] =	ssyncadd.s32 $0xFFFFC000  }
0x12d: {  	_ =	swait.ge [sflag:s23], $0x4000  }
0x12e: {  	[sflag:s23] =	ssyncset.done $0x0  }
0x12f: {  	s25 =	sadd.s32 $0x1, s25;
	[sflag:s23] =	ssyncadd.s32 $0xFFFFC000  }
0x130: {  	p0 =	sne.s32 s25, s10;
	_ =	swait.ge [sflag:s24], $0x4000  }
.Ltmp5:
0x131: {  	[sflag:s24] =	ssyncset.done $0x0;
	(pc) =	sbr.rel @p0 .LBB2_1-.Ltmp5, $4  }
0x132: {  	[sflag:s24] =	ssyncadd.s32 $0xFFFFC000  }
0x133: {  	_ =	swait.ge [sflag:s24], $0x4000  }
0x134: {  	[sflag:s24] =	ssyncset.done $0x0  }
0x135: {  	[sflag:s24] =	ssyncadd.s32 $0xFFFFC000  }
0x136: {  	_ =	sfence.sel $0x180000  }
0x137: {  	[bflag:$0x0] =	sbarrier.arrive $0xFFFF  }
0x138: {  	_ =	strace $0x90000047  }
0x139: {  	[bflag:$0x2] =	sbarrier.arrive $0xFFFF  }
0x13a: {  	p0 =	sne.s32 s0, $0x0;
	s0 =	rddreg [dreg:$0x3]  }
0x13b: {  	s0 =	sadd.s32 @!p0 $0x100000, s0  }
0x13c: {  	[sflag:s0] =	ssyncadd.tile.s32 @!p0 $0x1;
	_ =	shalt  }
.Lfunc_end2:
_tile_overlayer_lowered:
.L_overlay_start_2:
0x13d: {  	(tag) =	ssettag $0x2  }
0x13e: {  	s0 =	rddreg [dreg:$0x0];
	s2 =	stileid.u32  }
0x13f: {  	s1 =	rddreg [dreg:$0x1];
	p0 =	sne.s32 s2, $0x0  }
0x140: {  	s3 =	rddreg [dreg:$0x2];
	[bflag:$0x3] =	sbarrier.arrive $0xFFFF;
	s2 =	simm.s32 @!p0 $0x1C04  }
0x141: {  	[timem:s3], [sflag:s2] =	dma.local @!p0 [hbm:s0], s1  }
0x142: {  	s0 =	simm.s32 @!p0 $0x4  }
0x143: {  	_ =	swait.ge @!p0 [sflag:s0], s1  }
0x144: {  	s1 =	ssub.s32 @!p0 $0x0, s1;
	[sflag:s0] =	ssyncset.done @!p0 $0x0  }
0x145: {  	[sflag:s0] =	ssyncadd.s32 @!p0 s1  }
0x146: {  	[bflag:$0x3] =	sbarrier.arrive $0xFFFF  }
0x147: {  	_ =	shalt  }

</sc_bundles>
